<compile_context>
chip_gen: v7x
topology: tpu7x:2x2x1
jax: 0.10.2.dev20260603
libtpu: 0.0.44.dev20260713+nightly
codegen_flags: <defaults>
</compile_context>

<pallas_src>
import functools
import jax
import jax.numpy as jnp
from jax import lax
from jax.experimental import pallas as pl
from jax.experimental.pallas import tpu as pltpu
from jax.experimental.pallas import tpu_sc as plsc

NUM_LAYERS = 2
N = 10000
E = 320000
D = 128
NW = 32
CPW = D // NW
SLAB = N * CPW
CH = 2000
NCHUNK = E // CH



def _seg_kernel(with_ef,
                ht_hbm, src_hbm, dst_hbm, attr_hbm, eft_hbm,
                agg_hbm,
                src_b, dst_b, attr_b, sem):
    def _body(h_loc, agg_loc, ef_loc):
        _seg_body(with_ef, ht_hbm, src_hbm, dst_hbm, attr_hbm, eft_hbm,
                  agg_hbm, h_loc, agg_loc, ef_loc, src_b, dst_b, attr_b, sem)

    pl.run_scoped(
        _body,
        pltpu.VMEM((SLAB,), jnp.float32),
        pltpu.VMEM((SLAB,), jnp.float32),
        pltpu.VMEM((8 * CPW,), jnp.float32),
    )


def _seg_body(with_ef, ht_hbm, src_hbm, dst_hbm, attr_hbm, eft_hbm,
              agg_hbm, h_loc, agg_loc, ef_loc, src_b, dst_b, attr_b, sem):
    c = lax.axis_index("c")
    s = lax.axis_index("s")
    w = c * 16 + s

    pltpu.sync_copy(ht_hbm.at[w], h_loc)
    if with_ef:
        pltpu.sync_copy(eft_hbm.at[w], ef_loc)

    def _zero(i, _):
        agg_loc[pl.ds(i * 16, 16)] = jnp.zeros((16,), jnp.float32)
        return 0

    lax.fori_loop(0, SLAB // 16, _zero, 0)

    def _chunk(k, _):
        base = k * CH
        pltpu.sync_copy(src_hbm.at[pl.ds(base, CH)], src_b)
        pltpu.sync_copy(dst_hbm.at[pl.ds(base, CH)], dst_b)
        if with_ef:
            pltpu.sync_copy(attr_hbm.at[pl.ds(base, CH)], attr_b)

        def _group(j, _):
            vsrc = lax.rev(src_b[pl.ds(j * 16, 16)], (0,)) * CPW
            vdst = lax.rev(dst_b[pl.ds(j * 16, 16)], (0,)) * CPW
            if with_ef:
                vattr = lax.rev(attr_b[pl.ds(j * 16, 16)], (0,)) * CPW
            for col in range(CPW):
                hv = plsc.load_gather(h_loc, [vsrc + col])
                if with_ef:
                    ev = plsc.load_gather(ef_loc, [vattr + col])
                    hv = hv + ev
                hv = jnp.maximum(hv, 0.0)
                plsc.addupdate_scatter(agg_loc, [vdst + col], hv)
            return 0

        lax.fori_loop(0, CH // 16, _group, 0)
        return 0

    lax.fori_loop(0, NCHUNK, _chunk, 0)
    pltpu.sync_copy(agg_loc, agg_hbm.at[w])


@functools.lru_cache(maxsize=None)
def _make_seg(with_ef):
    mesh = plsc.VectorSubcoreMesh(core_axis_name="c", subcore_axis_name="s")
    return pl.kernel(
        functools.partial(_seg_kernel, with_ef),
        out_type=jax.ShapeDtypeStruct((NW, SLAB), jnp.float32),
        mesh=mesh,
        compiler_params=pltpu.CompilerParams(needs_layout_passes=False),
        scratch_types=[
            pltpu.VMEM((CH,), jnp.int32),
            pltpu.VMEM((CH,), jnp.int32),
            pltpu.VMEM((CH,), jnp.int32),
            pltpu.SemaphoreType.DMA,
        ],
    )


def _to_worker(h):
    return h.reshape(N, NW, CPW).transpose(1, 0, 2).reshape(NW, SLAB)


def _from_worker(a):
    return a.reshape(NW, N, CPW).transpose(1, 0, 2).reshape(N, D)


def _sc_segment_sum(h, src, dst, attr=None, emb=None):
    with_ef = emb is not None
    ht = _to_worker(h)
    if with_ef:
        eft = emb.reshape(8, NW, CPW).transpose(1, 0, 2).reshape(NW, 8 * CPW)
    else:
        eft = jnp.zeros((NW, 8 * CPW), jnp.float32)
        attr = jnp.zeros((E,), jnp.int32)
    agg = _make_seg(with_ef)(ht, src, dst, attr, eft)
    return _from_worker(agg)



def _copy_kernel(h_ref, o_ref):
    o_ref[...] = h_ref[...]


def _out_stage(h):
    return pl.pallas_call(
        _copy_kernel,
        out_shape=jax.ShapeDtypeStruct(h.shape, h.dtype),
    )(h)


def _mlp(h, agg, eps, W1, b1, W2, b2, mask):
    s = (1.0 + eps) * h + agg
    y1 = s @ W1
    if b1 is not None:
        y1 = y1 + b1
    y1 = jax.nn.relu(y1)
    out = y1 @ W2
    if b2 is not None:
        out = out + b2
    if mask is not None:
        out = out * mask
    return out


def _gin(h, src, dst, eps, W1, b1, W2, b2, attr=None, emb=None, mask=None):
    agg = _sc_segment_sum(h, src, dst, attr=attr, emb=emb)
    return _mlp(h, agg, eps, W1, b1, W2, b2, mask)


def _bn(h, gamma, beta):
    mu = jnp.mean(h, axis=0, keepdims=True)
    var = jnp.var(h, axis=0, keepdims=True)
    return (h - mu) / jnp.sqrt(var + 1e-5) * gamma + beta


def kernel(x, edge_index, edge_attr, expander_edge_index, expander_node_mask, atom_emb, conv_eps, conv_W1, conv_b1, conv_W2, conv_b2, conv_edge_emb, eleft_eps, eleft_W1, eleft_W2, eright_eps, eright_W1, eright_W2, bn_gamma, bn_beta):
    h = jnp.take(atom_emb, x, axis=0)
    for l in range(NUM_LAYERS):
        h = _gin(h, edge_index[0], edge_index[1], conv_eps[l], conv_W1[l],
                 conv_b1[l], conv_W2[l], conv_b2[l], attr=edge_attr,
                 emb=conv_edge_emb[l])
        h = jax.nn.relu(_bn(h, bn_gamma[l, 0], bn_beta[l, 0]))
        h = _gin(h, expander_edge_index[0], expander_edge_index[1],
                 eleft_eps[l], eleft_W1[l], None, eleft_W2[l], None,
                 mask=expander_node_mask)
        h = jax.nn.relu(_bn(h, bn_gamma[l, 1], bn_beta[l, 1]))
        h = _gin(h, expander_edge_index[1], expander_edge_index[0],
                 eright_eps[l], eright_W1[l], None, eright_W2[l], None,
                 mask=expander_node_mask)
        h = _bn(h, bn_gamma[l, 2], bn_beta[l, 2])
        if l != NUM_LAYERS - 1:
            h = jax.nn.relu(h)
    return _out_stage(h)

# --- scband reference (transcript-rebuilt; emitter-appended) ---
"""Pipeline reference for scband-gnn-node-expander-77687368450388 (READ-ONLY COPY).

The authoritative reference and input builder live on the scoring server;
editing this copy changes nothing except your own understanding.
"""

import jax, jax.numpy as jnp
import numpy as np

L = 2
D = 128
N = 10000
E = 320000
NUM_ATOM = 100
NUM_BOND = 8


def gin_conv(h, ei, eps, W1, b1, W2, b2, edge_feat=None, mask=None):
    src = ei[0]
    dst = ei[1]
    msg = jnp.take(h, src, axis=0)
    if edge_feat is not None:
        msg = msg + edge_feat
    msg = jax.nn.relu(msg)
    agg = jax.ops.segment_sum(msg, dst, num_segments=h.shape[0])
    out = (1.0 + eps) * h + agg
    out = out @ W1
    if b1 is not None:
        out = out + b1
    out = jax.nn.relu(out)
    out = out @ W2
    if b2 is not None:
        out = out + b2
    if mask is not None:
        out = out * mask
    return out


def batch_norm(h, gamma, beta):
    mu = jnp.mean(h, axis=0, keepdims=True)
    var = jnp.var(h, axis=0, keepdims=True)
    return (h - mu) / jnp.sqrt(var + 1e-5) * gamma + beta


def setup_inputs(seed: int = 0) -> dict:
    key = jax.random.key(seed)
    ks = jax.random.split(key, 20)
    s = 0.05
    inp = {}
    inp["x"] = jax.random.randint(ks[0], (N,), 0, NUM_ATOM)
    inp["edge_index"] = jax.random.randint(ks[1], (2, E), 0, N)
    inp["edge_attr"] = jax.random.randint(ks[2], (E,), 0, NUM_BOND)
    inp["expander_edge_index"] = jax.random.randint(ks[3], (2, E), 0, N)
    inp["expander_node_mask"] = (jax.random.uniform(ks[4], (N, 1)) > 0.5).astype(jnp.float32)
    inp["atom_emb"] = jax.random.normal(ks[5], (NUM_ATOM, D)) * s
    inp["conv_eps"] = jnp.zeros((L,), dtype=jnp.float32)
    inp["conv_W1"] = jax.random.normal(ks[6], (L, D, 2 * D)) * s
    inp["conv_b1"] = jnp.zeros((L, 2 * D), dtype=jnp.float32)
    inp["conv_W2"] = jax.random.normal(ks[7], (L, 2 * D, D)) * s
    inp["conv_b2"] = jnp.zeros((L, D), dtype=jnp.float32)
    inp["conv_edge_emb"] = jax.random.normal(ks[8], (L, NUM_BOND, D)) * s
    inp["eleft_eps"] = jnp.zeros((L,), dtype=jnp.float32)
    inp["eleft_W1"] = jax.random.normal(ks[9], (L, D, 2 * D)) * s
    inp["eleft_W2"] = jax.random.normal(ks[10], (L, 2 * D, D)) * s
    inp["eright_eps"] = jnp.zeros((L,), dtype=jnp.float32)
    inp["eright_W1"] = jax.random.normal(ks[11], (L, D, 2 * D)) * s
    inp["eright_W2"] = jax.random.normal(ks[12], (L, 2 * D, D)) * s
    inp["bn_gamma"] = jnp.ones((L, 3, D), dtype=jnp.float32)
    inp["bn_beta"] = jnp.zeros((L, 3, D), dtype=jnp.float32)
    return inp


def reference(x, edge_index, edge_attr, expander_edge_index, expander_node_mask, atom_emb, conv_eps, conv_W1, conv_b1, conv_W2, conv_b2, conv_edge_emb, eleft_eps, eleft_W1, eleft_W2, eright_eps, eright_W1, eright_W2, bn_gamma, bn_beta):
    h = jnp.take(atom_emb, x, axis=0)
    for l in range(L):
        ef = jnp.take(conv_edge_emb[l], edge_attr, axis=0)
        h = gin_conv(h, edge_index, conv_eps[l], conv_W1[l], conv_b1[l], conv_W2[l], conv_b2[l], edge_feat=ef)
        h = jax.nn.relu(batch_norm(h, bn_gamma[l, 0], bn_beta[l, 0]))
        h = gin_conv(h, expander_edge_index, eleft_eps[l], eleft_W1[l], None, eleft_W2[l], None, mask=expander_node_mask)
        h = jax.nn.relu(batch_norm(h, bn_gamma[l, 1], bn_beta[l, 1]))
        rev = expander_edge_index[::-1]
        h = gin_conv(h, rev, eright_eps[l], eright_W1[l], None, eright_W2[l], None, mask=expander_node_mask)
        h = batch_norm(h, bn_gamma[l, 2], bn_beta[l, 2])
        if l != L - 1:
            h = jax.nn.relu(h)
    return h

if __name__ == "__main__":
    import jax
    _d = setup_inputs()
    print(jax.jit(kernel)(*tuple(_d.values())))

</pallas_src>

<mosaic_0001>
#map = affine_map<(d0, d1) -> (0, 0)>
#map1 = affine_map<(d0, d1) -> (0)>
module attributes {stable_mosaic.version = 14 : i64} {
  func.func @_seg_kernel(%arg0: i32, %arg1: i32, %arg2: memref<32x40000xf32, #tpu.memory_space<hbm>>, %arg3: memref<320000xi32, #tpu.memory_space<hbm>>, %arg4: memref<320000xi32, #tpu.memory_space<hbm>>, %arg5: memref<320000xi32, #tpu.memory_space<hbm>>, %arg6: memref<32x32xf32, #tpu.memory_space<hbm>>, %arg7: memref<32x40000xf32, #tpu.memory_space<hbm>>, %arg8: memref<2000xi32, #tpu.memory_space<vmem>>, %arg9: memref<2000xi32, #tpu.memory_space<vmem>>, %arg10: memref<2000xi32, #tpu.memory_space<vmem>>, %arg11: memref<!tpu.dma_semaphore, #tpu.memory_space<semaphore_mem>>) attributes {dimension_semantics = [#tpu.dimension_semantics<core_parallel>, #tpu.dimension_semantics<subcore_parallel>], iteration_bounds = array<i64: 2, 16>, scalar_prefetch = 0 : i64, scratch_operands = 4 : i64, tpu.core_type = #tpu.core_type<sc_vector_subcore>, window_params = [{transform_indices = #map}, {transform_indices = #map1}, {transform_indices = #map1}, {transform_indices = #map1}, {transform_indices = #map}, {transform_indices = #map}]} {
    "tpu.region"() ({
      %run_scoped3A = memref.alloca() : memref<40000xf32, #tpu.memory_space<vmem>>
      %run_scoped3A_0 = memref.alloca() : memref<40000xf32, #tpu.memory_space<vmem>>
      %run_scoped3A_1 = memref.alloca() : memref<32xf32, #tpu.memory_space<vmem>>
      %mul3A = arith.constant 16 : i32
      %mul3A_2 = arith.muli %arg0, %mul3A : i32
      %add3A = arith.addi %mul3A_2, %arg1 : i32
      "tpu.region"() ({
        %run_scoped3A_16 = tpu.sem_alloc : memref<!tpu.dma_semaphore, #tpu.memory_space<semaphore_mem>>
        %dma_start3A = arith.constant 0 : i32
        %dma_start3A_17 = tpu.memref_slice %arg2[%add3A, %dma_start3A] : memref<32x40000xf32, #tpu.memory_space<hbm>> -> memref<1x40000xf32, #tpu.memory_space<hbm>>
        %dma_start3A_18 = tpu.memref_squeeze %dma_start3A_17 : memref<1x40000xf32, #tpu.memory_space<hbm>> -> memref<40000xf32, #tpu.memory_space<hbm>>
        %dma_start3A_19 = arith.constant 0 : i32
        %dma_start3A_20 = tpu.memref_slice %arg2[%add3A, %dma_start3A_19] : memref<32x40000xf32, #tpu.memory_space<hbm>> -> memref<1x40000xf32, #tpu.memory_space<hbm>>
        %dma_start3A_21 = tpu.memref_squeeze %dma_start3A_20 : memref<1x40000xf32, #tpu.memory_space<hbm>> -> memref<40000xf32, #tpu.memory_space<hbm>>
        tpu.enqueue_dma source(%dma_start3A_21 : memref<40000xf32, #tpu.memory_space<hbm>>) target(%run_scoped3A : memref<40000xf32, #tpu.memory_space<vmem>>) target_semaphore(%run_scoped3A_16 : memref<!tpu.dma_semaphore, #tpu.memory_space<semaphore_mem>>)
        %dma_wait3A = arith.constant 0 : i32
        %dma_wait3A_22 = tpu.memref_slice %arg2[%add3A, %dma_wait3A] : memref<32x40000xf32, #tpu.memory_space<hbm>> -> memref<1x40000xf32, #tpu.memory_space<hbm>>
        %dma_wait3A_23 = tpu.memref_squeeze %dma_wait3A_22 : memref<1x40000xf32, #tpu.memory_space<hbm>> -> memref<40000xf32, #tpu.memory_space<hbm>>
        %dma_wait3A_24 = arith.constant 0 : i32
        %dma_wait3A_25 = tpu.memref_slice %arg2[%add3A, %dma_wait3A_24] : memref<32x40000xf32, #tpu.memory_space<hbm>> -> memref<1x40000xf32, #tpu.memory_space<hbm>>
        %dma_wait3A_26 = tpu.memref_squeeze %dma_wait3A_25 : memref<1x40000xf32, #tpu.memory_space<hbm>> -> memref<40000xf32, #tpu.memory_space<hbm>>
        tpu.wait_dma2 semaphore(%run_scoped3A_16 : memref<!tpu.dma_semaphore, #tpu.memory_space<semaphore_mem>>) src(%dma_wait3A_26 : memref<40000xf32, #tpu.memory_space<hbm>>) dst(%run_scoped3A : memref<40000xf32, #tpu.memory_space<vmem>>)
        tpu.yield
      }) : () -> ()
      "tpu.region"() ({
        %run_scoped3A_16 = tpu.sem_alloc : memref<!tpu.dma_semaphore, #tpu.memory_space<semaphore_mem>>
        %dma_start3A = arith.constant 0 : i32
        %dma_start3A_17 = tpu.memref_slice %arg6[%add3A, %dma_start3A] : memref<32x32xf32, #tpu.memory_space<hbm>> -> memref<1x32xf32, #tpu.memory_space<hbm>>
        %dma_start3A_18 = tpu.memref_squeeze %dma_start3A_17 : memref<1x32xf32, #tpu.memory_space<hbm>> -> memref<32xf32, #tpu.memory_space<hbm>>
        %dma_start3A_19 = arith.constant 0 : i32
        %dma_start3A_20 = tpu.memref_slice %arg6[%add3A, %dma_start3A_19] : memref<32x32xf32, #tpu.memory_space<hbm>> -> memref<1x32xf32, #tpu.memory_space<hbm>>
        %dma_start3A_21 = tpu.memref_squeeze %dma_start3A_20 : memref<1x32xf32, #tpu.memory_space<hbm>> -> memref<32xf32, #tpu.memory_space<hbm>>
        tpu.enqueue_dma source(%dma_start3A_21 : memref<32xf32, #tpu.memory_space<hbm>>) target(%run_scoped3A_1 : memref<32xf32, #tpu.memory_space<vmem>>) target_semaphore(%run_scoped3A_16 : memref<!tpu.dma_semaphore, #tpu.memory_space<semaphore_mem>>)
        %dma_wait3A = arith.constant 0 : i32
        %dma_wait3A_22 = tpu.memref_slice %arg6[%add3A, %dma_wait3A] : memref<32x32xf32, #tpu.memory_space<hbm>> -> memref<1x32xf32, #tpu.memory_space<hbm>>
        %dma_wait3A_23 = tpu.memref_squeeze %dma_wait3A_22 : memref<1x32xf32, #tpu.memory_space<hbm>> -> memref<32xf32, #tpu.memory_space<hbm>>
        %dma_wait3A_24 = arith.constant 0 : i32
        %dma_wait3A_25 = tpu.memref_slice %arg6[%add3A, %dma_wait3A_24] : memref<32x32xf32, #tpu.memory_space<hbm>> -> memref<1x32xf32, #tpu.memory_space<hbm>>
        %dma_wait3A_26 = tpu.memref_squeeze %dma_wait3A_25 : memref<1x32xf32, #tpu.memory_space<hbm>> -> memref<32xf32, #tpu.memory_space<hbm>>
        tpu.wait_dma2 semaphore(%run_scoped3A_16 : memref<!tpu.dma_semaphore, #tpu.memory_space<semaphore_mem>>) src(%dma_wait3A_26 : memref<32xf32, #tpu.memory_space<hbm>>) dst(%run_scoped3A_1 : memref<32xf32, #tpu.memory_space<vmem>>)
        tpu.yield
      }) : () -> ()
      %scan3A = arith.constant 0 : i32
      %scan3A_3 = arith.constant 0 : i32
      %scan3A_4 = arith.constant 2500 : i32
      %scan3A_5 = arith.addi %scan3A_3, %scan3A_4 : i32
      %scan3A_6 = arith.constant 1 : i32
      %scan3A_7 = scf.for %scan3A_16 = %scan3A_3 to %scan3A_5 step %scan3A_6 iter_args(%scan3A_17 = %scan3A) -> (i32)  : i32 {
        %broadcast_in_dim3A = arith.constant 0.000000e+00 : f32
        %broadcast_in_dim3A_18 = vector.broadcast %broadcast_in_dim3A : f32 to vector<16xf32>
        %mul3A_19 = arith.constant 16 : i32
        %mul3A_20 = arith.muli %scan3A_16, %mul3A_19 : i32
        %swap3A = arith.index_cast %mul3A_20 : i32 to index
        %swap3A_21 = tpu.vector_load %run_scoped3A_0[%swap3A] {strides = array<i32>} : memref<40000xf32, #tpu.memory_space<vmem>>, vector<16xf32>,
        tpu.vector_store %run_scoped3A_0[%swap3A], %broadcast_in_dim3A_18 {strides = array<i32>} : memref<40000xf32, #tpu.memory_space<vmem>>, vector<16xf32>,
        %scan3A_22 = arith.constant 0 : i32
        scf.yield %scan3A_22 : i32
      }
      %scan3A_8 = arith.constant 2500 : i32
      %scan3A_9 = arith.constant 0 : i32
      %scan3A_10 = arith.constant 0 : i32
      %scan3A_11 = arith.constant 160 : i32
      %scan3A_12 = arith.addi %scan3A_10, %scan3A_11 : i32
      %scan3A_13 = arith.constant 1 : i32
      %scan3A_14 = scf.for %scan3A_16 = %scan3A_10 to %scan3A_12 step %scan3A_13 iter_args(%scan3A_17 = %scan3A_9) -> (i32)  : i32 {
        %mul3A_18 = arith.constant 2000 : i32
        %mul3A_19 = arith.muli %scan3A_16, %mul3A_18 : i32
        "tpu.region"() ({
          %run_scoped3A_28 = tpu.sem_alloc : memref<!tpu.dma_semaphore, #tpu.memory_space<semaphore_mem>>
          %dma_start3A = tpu.memref_slice %arg3[%mul3A_19] : memref<320000xi32, #tpu.memory_space<hbm>> -> memref<2000xi32, #tpu.memory_space<hbm>>
          %dma_start3A_29 = tpu.memref_slice %arg3[%mul3A_19] : memref<320000xi32, #tpu.memory_space<hbm>> -> memref<2000xi32, #tpu.memory_space<hbm>>
          tpu.enqueue_dma source(%dma_start3A_29 : memref<2000xi32, #tpu.memory_space<hbm>>) target(%arg8 : memref<2000xi32, #tpu.memory_space<vmem>>) target_semaphore(%run_scoped3A_28 : memref<!tpu.dma_semaphore, #tpu.memory_space<semaphore_mem>>)
          %dma_wait3A = tpu.memref_slice %arg3[%mul3A_19] : memref<320000xi32, #tpu.memory_space<hbm>> -> memref<2000xi32, #tpu.memory_space<hbm>>
          %dma_wait3A_30 = tpu.memref_slice %arg3[%mul3A_19] : memref<320000xi32, #tpu.memory_space<hbm>> -> memref<2000xi32, #tpu.memory_space<hbm>>
          tpu.wait_dma2 semaphore(%run_scoped3A_28 : memref<!tpu.dma_semaphore, #tpu.memory_space<semaphore_mem>>) src(%dma_wait3A_30 : memref<2000xi32, #tpu.memory_space<hbm>>) dst(%arg8 : memref<2000xi32, #tpu.memory_space<vmem>>)
          tpu.yield
        }) : () -> ()
        "tpu.region"() ({
          %run_scoped3A_28 = tpu.sem_alloc : memref<!tpu.dma_semaphore, #tpu.memory_space<semaphore_mem>>
          %dma_start3A = tpu.memref_slice %arg4[%mul3A_19] : memref<320000xi32, #tpu.memory_space<hbm>> -> memref<2000xi32, #tpu.memory_space<hbm>>
          %dma_start3A_29 = tpu.memref_slice %arg4[%mul3A_19] : memref<320000xi32, #tpu.memory_space<hbm>> -> memref<2000xi32, #tpu.memory_space<hbm>>
          tpu.enqueue_dma source(%dma_start3A_29 : memref<2000xi32, #tpu.memory_space<hbm>>) target(%arg9 : memref<2000xi32, #tpu.memory_space<vmem>>) target_semaphore(%run_scoped3A_28 : memref<!tpu.dma_semaphore, #tpu.memory_space<semaphore_mem>>)
          %dma_wait3A = tpu.memref_slice %arg4[%mul3A_19] : memref<320000xi32, #tpu.memory_space<hbm>> -> memref<2000xi32, #tpu.memory_space<hbm>>
          %dma_wait3A_30 = tpu.memref_slice %arg4[%mul3A_19] : memref<320000xi32, #tpu.memory_space<hbm>> -> memref<2000xi32, #tpu.memory_space<hbm>>
          tpu.wait_dma2 semaphore(%run_scoped3A_28 : memref<!tpu.dma_semaphore, #tpu.memory_space<semaphore_mem>>) src(%dma_wait3A_30 : memref<2000xi32, #tpu.memory_space<hbm>>) dst(%arg9 : memref<2000xi32, #tpu.memory_space<vmem>>)
          tpu.yield
        }) : () -> ()
        "tpu.region"() ({
          %run_scoped3A_28 = tpu.sem_alloc : memref<!tpu.dma_semaphore, #tpu.memory_space<semaphore_mem>>
          %dma_start3A = tpu.memref_slice %arg5[%mul3A_19] : memref<320000xi32, #tpu.memory_space<hbm>> -> memref<2000xi32, #tpu.memory_space<hbm>>
          %dma_start3A_29 = tpu.memref_slice %arg5[%mul3A_19] : memref<320000xi32, #tpu.memory_space<hbm>> -> memref<2000xi32, #tpu.memory_space<hbm>>
          tpu.enqueue_dma source(%dma_start3A_29 : memref<2000xi32, #tpu.memory_space<hbm>>) target(%arg10 : memref<2000xi32, #tpu.memory_space<vmem>>) target_semaphore(%run_scoped3A_28 : memref<!tpu.dma_semaphore, #tpu.memory_space<semaphore_mem>>)
          %dma_wait3A = tpu.memref_slice %arg5[%mul3A_19] : memref<320000xi32, #tpu.memory_space<hbm>> -> memref<2000xi32, #tpu.memory_space<hbm>>
          %dma_wait3A_30 = tpu.memref_slice %arg5[%mul3A_19] : memref<320000xi32, #tpu.memory_space<hbm>> -> memref<2000xi32, #tpu.memory_space<hbm>>
          tpu.wait_dma2 semaphore(%run_scoped3A_28 : memref<!tpu.dma_semaphore, #tpu.memory_space<semaphore_mem>>) src(%dma_wait3A_30 : memref<2000xi32, #tpu.memory_space<hbm>>) dst(%arg10 : memref<2000xi32, #tpu.memory_space<vmem>>)
          tpu.yield
        }) : () -> ()
        %scan3A_20 = arith.constant 0 : i32
        %scan3A_21 = arith.constant 0 : i32
        %scan3A_22 = arith.constant 125 : i32
        %scan3A_23 = arith.addi %scan3A_21, %scan3A_22 : i32
        %scan3A_24 = arith.constant 1 : i32
        %scan3A_25 = scf.for %scan3A_28 = %scan3A_21 to %scan3A_23 step %scan3A_24 iter_args(%scan3A_29 = %scan3A_20) -> (i32)  : i32 {
          %mul3A_30 = arith.constant 16 : i32
          %mul3A_31 = arith.muli %scan3A_28, %mul3A_30 : i32
          %get3A = arith.index_cast %mul3A_31 : i32 to index
          %get3A_32 = tpu.vector_load %arg8[%get3A] {strides = array<i32>} : memref<2000xi32, #tpu.memory_space<vmem>>, vector<16xi32>,
          %rev3A = arith.constant 15 : i32
          %rev3A_33 = vector.broadcast %rev3A : i32 to vector<16xi32>
          %rev3A_34 = tpu.iota {dimensions = array<i32: 0>} : vector<16xi32>
          %rev3A_35 = arith.subi %rev3A_33, %rev3A_34 : vector<16xi32>
          %rev3A_36 = tpu.dynamic_gather %get3A_32[%rev3A_35] in [0] : vector<16xi32>, vector<16xi32> -> vector<16xi32>
          %mul3A_37 = arith.constant 4 : i32
          %mul3A_38 = vector.broadcast %mul3A_37 : i32 to vector<16xi32>
          %mul3A_39 = arith.muli %rev3A_36, %mul3A_38 : vector<16xi32>
          %mul3A_40 = arith.constant 16 : i32
          %mul3A_41 = arith.muli %scan3A_28, %mul3A_40 : i32
          %get3A_42 = arith.index_cast %mul3A_41 : i32 to index
          %get3A_43 = tpu.vector_load %arg9[%get3A_42] {strides = array<i32>} : memref<2000xi32, #tpu.memory_space<vmem>>, vector<16xi32>,
          %rev3A_44 = arith.constant 15 : i32
          %rev3A_45 = vector.broadcast %rev3A_44 : i32 to vector<16xi32>
          %rev3A_46 = tpu.iota {dimensions = array<i32: 0>} : vector<16xi32>
          %rev3A_47 = arith.subi %rev3A_45, %rev3A_46 : vector<16xi32>
          %rev3A_48 = tpu.dynamic_gather %get3A_43[%rev3A_47] in [0] : vector<16xi32>, vector<16xi32> -> vector<16xi32>
          %mul3A_49 = arith.constant 4 : i32
          %mul3A_50 = vector.broadcast %mul3A_49 : i32 to vector<16xi32>
          %mul3A_51 = arith.muli %rev3A_48, %mul3A_50 : vector<16xi32>
          %mul3A_52 = arith.constant 16 : i32
          %mul3A_53 = arith.muli %scan3A_28, %mul3A_52 : i32
          %get3A_54 = arith.index_cast %mul3A_53 : i32 to index
          %get3A_55 = tpu.vector_load %arg10[%get3A_54] {strides = array<i32>} : memref<2000xi32, #tpu.memory_space<vmem>>, vector<16xi32>,
          %rev3A_56 = arith.constant 15 : i32
          %rev3A_57 = vector.broadcast %rev3A_56 : i32 to vector<16xi32>
          %rev3A_58 = tpu.iota {dimensions = array<i32: 0>} : vector<16xi32>
          %rev3A_59 = arith.subi %rev3A_57, %rev3A_58 : vector<16xi32>
          %rev3A_60 = tpu.dynamic_gather %get3A_55[%rev3A_59] in [0] : vector<16xi32>, vector<16xi32> -> vector<16xi32>
          %mul3A_61 = arith.constant 4 : i32
          %mul3A_62 = vector.broadcast %mul3A_61 : i32 to vector<16xi32>
          %mul3A_63 = arith.muli %rev3A_60, %mul3A_62 : vector<16xi32>
          %add3A_64 = arith.constant 0 : i32
          %add3A_65 = vector.broadcast %add3A_64 : i32 to vector<16xi32>
          %add3A_66 = arith.addi %mul3A_39, %add3A_65 : vector<16xi32>
          %gather3A = tpu.vector_load_idx %run_scoped3A[%add3A_66] : memref<40000xf32, #tpu.memory_space<vmem>>[vector<16xi32>], vector<16xf32>,
          %add3A_67 = arith.constant 0 : i32
          %add3A_68 = vector.broadcast %add3A_67 : i32 to vector<16xi32>
          %add3A_69 = arith.addi %mul3A_63, %add3A_68 : vector<16xi32>
          %gather3A_70 = tpu.vector_load_idx %run_scoped3A_1[%add3A_69] : memref<32xf32, #tpu.memory_space<vmem>>[vector<16xi32>], vector<16xf32>,
          %add3A_71 = arith.addf %gather3A, %gather3A_70 : vector<16xf32>
          %max3A = arith.constant 0.000000e+00 : f32
          %max3A_72 = vector.broadcast %max3A : f32 to vector<16xf32>
          %max3A_73 = arith.maximumf %add3A_71, %max3A_72 : vector<16xf32>
          %add3A_74 = arith.constant 0 : i32
          %add3A_75 = vector.broadcast %add3A_74 : i32 to vector<16xi32>
          %add3A_76 = arith.addi %mul3A_51, %add3A_75 : vector<16xi32>
          tpu.vector_store_idx %run_scoped3A_0[%add3A_76], %max3A_73 {add = true} : memref<40000xf32, #tpu.memory_space<vmem>>[vector<16xi32>], vector<16xf32>,
          %add3A_77 = arith.constant 1 : i32
          %add3A_78 = vector.broadcast %add3A_77 : i32 to vector<16xi32>
          %add3A_79 = arith.addi %mul3A_39, %add3A_78 : vector<16xi32>
          %gather3A_80 = tpu.vector_load_idx %run_scoped3A[%add3A_79] : memref<40000xf32, #tpu.memory_space<vmem>>[vector<16xi32>], vector<16xf32>,
          %add3A_81 = arith.constant 1 : i32
          %add3A_82 = vector.broadcast %add3A_81 : i32 to vector<16xi32>
          %add3A_83 = arith.addi %mul3A_63, %add3A_82 : vector<16xi32>
          %gather3A_84 = tpu.vector_load_idx %run_scoped3A_1[%add3A_83] : memref<32xf32, #tpu.memory_space<vmem>>[vector<16xi32>], vector<16xf32>,
          %add3A_85 = arith.addf %gather3A_80, %gather3A_84 : vector<16xf32>
          %max3A_86 = arith.constant 0.000000e+00 : f32
          %max3A_87 = vector.broadcast %max3A_86 : f32 to vector<16xf32>
          %max3A_88 = arith.maximumf %add3A_85, %max3A_87 : vector<16xf32>
          %add3A_89 = arith.constant 1 : i32
          %add3A_90 = vector.broadcast %add3A_89 : i32 to vector<16xi32>
          %add3A_91 = arith.addi %mul3A_51, %add3A_90 : vector<16xi32>
          tpu.vector_store_idx %run_scoped3A_0[%add3A_91], %max3A_88 {add = true} : memref<40000xf32, #tpu.memory_space<vmem>>[vector<16xi32>], vector<16xf32>,
          %add3A_92 = arith.constant 2 : i32
          %add3A_93 = vector.broadcast %add3A_92 : i32 to vector<16xi32>
          %add3A_94 = arith.addi %mul3A_39, %add3A_93 : vector<16xi32>
          %gather3A_95 = tpu.vector_load_idx %run_scoped3A[%add3A_94] : memref<40000xf32, #tpu.memory_space<vmem>>[vector<16xi32>], vector<16xf32>,
          %add3A_96 = arith.constant 2 : i32
          %add3A_97 = vector.broadcast %add3A_96 : i32 to vector<16xi32>
          %add3A_98 = arith.addi %mul3A_63, %add3A_97 : vector<16xi32>
          %gather3A_99 = tpu.vector_load_idx %run_scoped3A_1[%add3A_98] : memref<32xf32, #tpu.memory_space<vmem>>[vector<16xi32>], vector<16xf32>,
          %add3A_100 = arith.addf %gather3A_95, %gather3A_99 : vector<16xf32>
          %max3A_101 = arith.constant 0.000000e+00 : f32
          %max3A_102 = vector.broadcast %max3A_101 : f32 to vector<16xf32>
          %max3A_103 = arith.maximumf %add3A_100, %max3A_102 : vector<16xf32>
          %add3A_104 = arith.constant 2 : i32
          %add3A_105 = vector.broadcast %add3A_104 : i32 to vector<16xi32>
          %add3A_106 = arith.addi %mul3A_51, %add3A_105 : vector<16xi32>
          tpu.vector_store_idx %run_scoped3A_0[%add3A_106], %max3A_103 {add = true} : memref<40000xf32, #tpu.memory_space<vmem>>[vector<16xi32>], vector<16xf32>,
          %add3A_107 = arith.constant 3 : i32
          %add3A_108 = vector.broadcast %add3A_107 : i32 to vector<16xi32>
          %add3A_109 = arith.addi %mul3A_39, %add3A_108 : vector<16xi32>
          %gather3A_110 = tpu.vector_load_idx %run_scoped3A[%add3A_109] : memref<40000xf32, #tpu.memory_space<vmem>>[vector<16xi32>], vector<16xf32>,
          %add3A_111 = arith.constant 3 : i32
          %add3A_112 = vector.broadcast %add3A_111 : i32 to vector<16xi32>
          %add3A_113 = arith.addi %mul3A_63, %add3A_112 : vector<16xi32>
          %gather3A_114 = tpu.vector_load_idx %run_scoped3A_1[%add3A_113] : memref<32xf32, #tpu.memory_space<vmem>>[vector<16xi32>], vector<16xf32>,
          %add3A_115 = arith.addf %gather3A_110, %gather3A_114 : vector<16xf32>
          %max3A_116 = arith.constant 0.000000e+00 : f32
          %max3A_117 = vector.broadcast %max3A_116 : f32 to vector<16xf32>
          %max3A_118 = arith.maximumf %add3A_115, %max3A_117 : vector<16xf32>
          %add3A_119 = arith.constant 3 : i32
          %add3A_120 = vector.broadcast %add3A_119 : i32 to vector<16xi32>
          %add3A_121 = arith.addi %mul3A_51, %add3A_120 : vector<16xi32>
          tpu.vector_store_idx %run_scoped3A_0[%add3A_121], %max3A_118 {add = true} : memref<40000xf32, #tpu.memory_space<vmem>>[vector<16xi32>], vector<16xf32>,
          %scan3A_122 = arith.constant 0 : i32
          scf.yield %scan3A_122 : i32
        }
        %scan3A_26 = arith.constant 125 : i32
        %scan3A_27 = arith.constant 0 : i32
        scf.yield %scan3A_27 : i32
      }
      %scan3A_15 = arith.constant 160 : i32
      "tpu.region"() ({
        %run_scoped3A_16 = tpu.sem_alloc : memref<!tpu.dma_semaphore, #tpu.memory_space<semaphore_mem>>
        %dma_start3A = arith.constant 0 : i32
        %dma_start3A_17 = tpu.memref_slice %arg7[%add3A, %dma_start3A] : memref<32x40000xf32, #tpu.memory_space<hbm>> -> memref<1x40000xf32, #tpu.memory_space<hbm>>
        %dma_start3A_18 = tpu.memref_squeeze %dma_start3A_17 : memref<1x40000xf32, #tpu.memory_space<hbm>> -> memref<40000xf32, #tpu.memory_space<hbm>>
        %dma_start3A_19 = arith.constant 0 : i32
        %dma_start3A_20 = tpu.memref_slice %arg7[%add3A, %dma_start3A_19] : memref<32x40000xf32, #tpu.memory_space<hbm>> -> memref<1x40000xf32, #tpu.memory_space<hbm>>
        %dma_start3A_21 = tpu.memref_squeeze %dma_start3A_20 : memref<1x40000xf32, #tpu.memory_space<hbm>> -> memref<40000xf32, #tpu.memory_space<hbm>>
        tpu.enqueue_dma source(%run_scoped3A_0 : memref<40000xf32, #tpu.memory_space<vmem>>) target(%dma_start3A_21 : memref<40000xf32, #tpu.memory_space<hbm>>) target_semaphore(%run_scoped3A_16 : memref<!tpu.dma_semaphore, #tpu.memory_space<semaphore_mem>>)
        %dma_wait3A = arith.constant 0 : i32
        %dma_wait3A_22 = tpu.memref_slice %arg7[%add3A, %dma_wait3A] : memref<32x40000xf32, #tpu.memory_space<hbm>> -> memref<1x40000xf32, #tpu.memory_space<hbm>>
        %dma_wait3A_23 = tpu.memref_squeeze %dma_wait3A_22 : memref<1x40000xf32, #tpu.memory_space<hbm>> -> memref<40000xf32, #tpu.memory_space<hbm>>
        %dma_wait3A_24 = arith.constant 0 : i32
        %dma_wait3A_25 = tpu.memref_slice %arg7[%add3A, %dma_wait3A_24] : memref<32x40000xf32, #tpu.memory_space<hbm>> -> memref<1x40000xf32, #tpu.memory_space<hbm>>
        %dma_wait3A_26 = tpu.memref_squeeze %dma_wait3A_25 : memref<1x40000xf32, #tpu.memory_space<hbm>> -> memref<40000xf32, #tpu.memory_space<hbm>>
        tpu.wait_dma2 semaphore(%run_scoped3A_16 : memref<!tpu.dma_semaphore, #tpu.memory_space<semaphore_mem>>) src(%run_scoped3A_0 : memref<40000xf32, #tpu.memory_space<vmem>>) dst(%dma_wait3A_26 : memref<40000xf32, #tpu.memory_space<hbm>>)
        tpu.yield
      }) : () -> ()
      tpu.yield
    }) : () -> ()
    return
  }
}

#map = affine_map<(d0, d1) -> (0, 0)>
#map1 = affine_map<(d0, d1) -> (0)>
module attributes {stable_mosaic.version = 14 : i64} {
  func.func @_seg_kernel(%arg0: i32, %arg1: i32, %arg2: memref<32x40000xf32, #tpu.memory_space<hbm>>, %arg3: memref<320000xi32, #tpu.memory_space<hbm>>, %arg4: memref<320000xi32, #tpu.memory_space<hbm>>, %arg5: memref<320000xi32, #tpu.memory_space<hbm>>, %arg6: memref<32x32xf32, #tpu.memory_space<hbm>>, %arg7: memref<32x40000xf32, #tpu.memory_space<hbm>>, %arg8: memref<2000xi32, #tpu.memory_space<vmem>>, %arg9: memref<2000xi32, #tpu.memory_space<vmem>>, %arg10: memref<2000xi32, #tpu.memory_space<vmem>>, %arg11: memref<!tpu.dma_semaphore, #tpu.memory_space<semaphore_mem>>) attributes {dimension_semantics = [#tpu.dimension_semantics<core_parallel>, #tpu.dimension_semantics<subcore_parallel>], iteration_bounds = array<i64: 2, 16>, scalar_prefetch = 0 : i64, scratch_operands = 4 : i64, tpu.core_type = #tpu.core_type<sc_vector_subcore>, window_params = [{transform_indices = #map}, {transform_indices = #map1}, {transform_indices = #map1}, {transform_indices = #map1}, {transform_indices = #map}, {transform_indices = #map}]} {
    "tpu.region"() ({
      %run_scoped3A = memref.alloca() : memref<40000xf32, #tpu.memory_space<vmem>>
      %run_scoped3A_0 = memref.alloca() : memref<40000xf32, #tpu.memory_space<vmem>>
      %run_scoped3A_1 = memref.alloca() : memref<32xf32, #tpu.memory_space<vmem>>
      %mul3A = arith.constant 16 : i32
      %mul3A_2 = arith.muli %arg0, %mul3A : i32
      %add3A = arith.addi %mul3A_2, %arg1 : i32
      "tpu.region"() ({
        %run_scoped3A_16 = tpu.sem_alloc : memref<!tpu.dma_semaphore, #tpu.memory_space<semaphore_mem>>
        %dma_start3A = arith.constant 0 : i32
        %dma_start3A_17 = tpu.memref_slice %arg2[%add3A, %dma_start3A] : memref<32x40000xf32, #tpu.memory_space<hbm>> -> memref<1x40000xf32, #tpu.memory_space<hbm>>
        %dma_start3A_18 = tpu.memref_squeeze %dma_start3A_17 : memref<1x40000xf32, #tpu.memory_space<hbm>> -> memref<40000xf32, #tpu.memory_space<hbm>>
        %dma_start3A_19 = arith.constant 0 : i32
        %dma_start3A_20 = tpu.memref_slice %arg2[%add3A, %dma_start3A_19] : memref<32x40000xf32, #tpu.memory_space<hbm>> -> memref<1x40000xf32, #tpu.memory_space<hbm>>
        %dma_start3A_21 = tpu.memref_squeeze %dma_start3A_20 : memref<1x40000xf32, #tpu.memory_space<hbm>> -> memref<40000xf32, #tpu.memory_space<hbm>>
        tpu.enqueue_dma source(%dma_start3A_21 : memref<40000xf32, #tpu.memory_space<hbm>>) target(%run_scoped3A : memref<40000xf32, #tpu.memory_space<vmem>>) target_semaphore(%run_scoped3A_16 : memref<!tpu.dma_semaphore, #tpu.memory_space<semaphore_mem>>)
        %dma_wait3A = arith.constant 0 : i32
        %dma_wait3A_22 = tpu.memref_slice %arg2[%add3A, %dma_wait3A] : memref<32x40000xf32, #tpu.memory_space<hbm>> -> memref<1x40000xf32, #tpu.memory_space<hbm>>
        %dma_wait3A_23 = tpu.memref_squeeze %dma_wait3A_22 : memref<1x40000xf32, #tpu.memory_space<hbm>> -> memref<40000xf32, #tpu.memory_space<hbm>>
        %dma_wait3A_24 = arith.constant 0 : i32
        %dma_wait3A_25 = tpu.memref_slice %arg2[%add3A, %dma_wait3A_24] : memref<32x40000xf32, #tpu.memory_space<hbm>> -> memref<1x40000xf32, #tpu.memory_space<hbm>>
        %dma_wait3A_26 = tpu.memref_squeeze %dma_wait3A_25 : memref<1x40000xf32, #tpu.memory_space<hbm>> -> memref<40000xf32, #tpu.memory_space<hbm>>
        tpu.wait_dma2 semaphore(%run_scoped3A_16 : memref<!tpu.dma_semaphore, #tpu.memory_space<semaphore_mem>>) src(%dma_wait3A_26 : memref<40000xf32, #tpu.memory_space<hbm>>) dst(%run_scoped3A : memref<40000xf32, #tpu.memory_space<vmem>>)
        tpu.yield
      }) : () -> ()
      %scan3A = arith.constant 0 : i32
      %scan3A_3 = arith.constant 0 : i32
      %scan3A_4 = arith.constant 2500 : i32
      %scan3A_5 = arith.addi %scan3A_3, %scan3A_4 : i32
      %scan3A_6 = arith.constant 1 : i32
      %scan3A_7 = scf.for %scan3A_16 = %scan3A_3 to %scan3A_5 step %scan3A_6 iter_args(%scan3A_17 = %scan3A) -> (i32)  : i32 {
        %broadcast_in_dim3A = arith.constant 0.000000e+00 : f32
        %broadcast_in_dim3A_18 = vector.broadcast %broadcast_in_dim3A : f32 to vector<16xf32>
        %mul3A_19 = arith.constant 16 : i32
        %mul3A_20 = arith.muli %scan3A_16, %mul3A_19 : i32
        %swap3A = arith.index_cast %mul3A_20 : i32 to index
        %swap3A_21 = tpu.vector_load %run_scoped3A_0[%swap3A] {strides = array<i32>} : memref<40000xf32, #tpu.memory_space<vmem>>, vector<16xf32>,
        tpu.vector_store %run_scoped3A_0[%swap3A], %broadcast_in_dim3A_18 {strides = array<i32>} : memref<40000xf32, #tpu.memory_space<vmem>>, vector<16xf32>,
        %scan3A_22 = arith.constant 0 : i32
        scf.yield %scan3A_22 : i32
      }
      %scan3A_8 = arith.constant 2500 : i32
      %scan3A_9 = arith.constant 0 : i32
      %scan3A_10 = arith.constant 0 : i32
      %scan3A_11 = arith.constant 160 : i32
      %scan3A_12 = arith.addi %scan3A_10, %scan3A_11 : i32
      %scan3A_13 = arith.constant 1 : i32
      %scan3A_14 = scf.for %scan3A_16 = %scan3A_10 to %scan3A_12 step %scan3A_13 iter_args(%scan3A_17 = %scan3A_9) -> (i32)  : i32 {
        %mul3A_18 = arith.constant 2000 : i32
        %mul3A_19 = arith.muli %scan3A_16, %mul3A_18 : i32
        "tpu.region"() ({
          %run_scoped3A_28 = tpu.sem_alloc : memref<!tpu.dma_semaphore, #tpu.memory_space<semaphore_mem>>
          %dma_start3A = tpu.memref_slice %arg3[%mul3A_19] : memref<320000xi32, #tpu.memory_space<hbm>> -> memref<2000xi32, #tpu.memory_space<hbm>>
          %dma_start3A_29 = tpu.memref_slice %arg3[%mul3A_19] : memref<320000xi32, #tpu.memory_space<hbm>> -> memref<2000xi32, #tpu.memory_space<hbm>>
          tpu.enqueue_dma source(%dma_start3A_29 : memref<2000xi32, #tpu.memory_space<hbm>>) target(%arg8 : memref<2000xi32, #tpu.memory_space<vmem>>) target_semaphore(%run_scoped3A_28 : memref<!tpu.dma_semaphore, #tpu.memory_space<semaphore_mem>>)
          %dma_wait3A = tpu.memref_slice %arg3[%mul3A_19] : memref<320000xi32, #tpu.memory_space<hbm>> -> memref<2000xi32, #tpu.memory_space<hbm>>
          %dma_wait3A_30 = tpu.memref_slice %arg3[%mul3A_19] : memref<320000xi32, #tpu.memory_space<hbm>> -> memref<2000xi32, #tpu.memory_space<hbm>>
          tpu.wait_dma2 semaphore(%run_scoped3A_28 : memref<!tpu.dma_semaphore, #tpu.memory_space<semaphore_mem>>) src(%dma_wait3A_30 : memref<2000xi32, #tpu.memory_space<hbm>>) dst(%arg8 : memref<2000xi32, #tpu.memory_space<vmem>>)
          tpu.yield
        }) : () -> ()
        "tpu.region"() ({
          %run_scoped3A_28 = tpu.sem_alloc : memref<!tpu.dma_semaphore, #tpu.memory_space<semaphore_mem>>
          %dma_start3A = tpu.memref_slice %arg4[%mul3A_19] : memref<320000xi32, #tpu.memory_space<hbm>> -> memref<2000xi32, #tpu.memory_space<hbm>>
          %dma_start3A_29 = tpu.memref_slice %arg4[%mul3A_19] : memref<320000xi32, #tpu.memory_space<hbm>> -> memref<2000xi32, #tpu.memory_space<hbm>>
          tpu.enqueue_dma source(%dma_start3A_29 : memref<2000xi32, #tpu.memory_space<hbm>>) target(%arg9 : memref<2000xi32, #tpu.memory_space<vmem>>) target_semaphore(%run_scoped3A_28 : memref<!tpu.dma_semaphore, #tpu.memory_space<semaphore_mem>>)
          %dma_wait3A = tpu.memref_slice %arg4[%mul3A_19] : memref<320000xi32, #tpu.memory_space<hbm>> -> memref<2000xi32, #tpu.memory_space<hbm>>
          %dma_wait3A_30 = tpu.memref_slice %arg4[%mul3A_19] : memref<320000xi32, #tpu.memory_space<hbm>> -> memref<2000xi32, #tpu.memory_space<hbm>>
          tpu.wait_dma2 semaphore(%run_scoped3A_28 : memref<!tpu.dma_semaphore, #tpu.memory_space<semaphore_mem>>) src(%dma_wait3A_30 : memref<2000xi32, #tpu.memory_space<hbm>>) dst(%arg9 : memref<2000xi32, #tpu.memory_space<vmem>>)
          tpu.yield
        }) : () -> ()
        %scan3A_20 = arith.constant 0 : i32
        %scan3A_21 = arith.constant 0 : i32
        %scan3A_22 = arith.constant 125 : i32
        %scan3A_23 = arith.addi %scan3A_21, %scan3A_22 : i32
        %scan3A_24 = arith.constant 1 : i32
        %scan3A_25 = scf.for %scan3A_28 = %scan3A_21 to %scan3A_23 step %scan3A_24 iter_args(%scan3A_29 = %scan3A_20) -> (i32)  : i32 {
          %mul3A_30 = arith.constant 16 : i32
          %mul3A_31 = arith.muli %scan3A_28, %mul3A_30 : i32
          %get3A = arith.index_cast %mul3A_31 : i32 to index
          %get3A_32 = tpu.vector_load %arg8[%get3A] {strides = array<i32>} : memref<2000xi32, #tpu.memory_space<vmem>>, vector<16xi32>,
          %rev3A = arith.constant 15 : i32
          %rev3A_33 = vector.broadcast %rev3A : i32 to vector<16xi32>
          %rev3A_34 = tpu.iota {dimensions = array<i32: 0>} : vector<16xi32>
          %rev3A_35 = arith.subi %rev3A_33, %rev3A_34 : vector<16xi32>
          %rev3A_36 = tpu.dynamic_gather %get3A_32[%rev3A_35] in [0] : vector<16xi32>, vector<16xi32> -> vector<16xi32>
          %mul3A_37 = arith.constant 4 : i32
          %mul3A_38 = vector.broadcast %mul3A_37 : i32 to vector<16xi32>
          %mul3A_39 = arith.muli %rev3A_36, %mul3A_38 : vector<16xi32>
          %mul3A_40 = arith.constant 16 : i32
          %mul3A_41 = arith.muli %scan3A_28, %mul3A_40 : i32
          %get3A_42 = arith.index_cast %mul3A_41 : i32 to index
          %get3A_43 = tpu.vector_load %arg9[%get3A_42] {strides = array<i32>} : memref<2000xi32, #tpu.memory_space<vmem>>, vector<16xi32>,
          %rev3A_44 = arith.constant 15 : i32
          %rev3A_45 = vector.broadcast %rev3A_44 : i32 to vector<16xi32>
          %rev3A_46 = tpu.iota {dimensions = array<i32: 0>} : vector<16xi32>
          %rev3A_47 = arith.subi %rev3A_45, %rev3A_46 : vector<16xi32>
          %rev3A_48 = tpu.dynamic_gather %get3A_43[%rev3A_47] in [0] : vector<16xi32>, vector<16xi32> -> vector<16xi32>
          %mul3A_49 = arith.constant 4 : i32
          %mul3A_50 = vector.broadcast %mul3A_49 : i32 to vector<16xi32>
          %mul3A_51 = arith.muli %rev3A_48, %mul3A_50 : vector<16xi32>
          %add3A_52 = arith.constant 0 : i32
          %add3A_53 = vector.broadcast %add3A_52 : i32 to vector<16xi32>
          %add3A_54 = arith.addi %mul3A_39, %add3A_53 : vector<16xi32>
          %gather3A = tpu.vector_load_idx %run_scoped3A[%add3A_54] : memref<40000xf32, #tpu.memory_space<vmem>>[vector<16xi32>], vector<16xf32>,
          %max3A = arith.constant 0.000000e+00 : f32
          %max3A_55 = vector.broadcast %max3A : f32 to vector<16xf32>
          %max3A_56 = arith.maximumf %gather3A, %max3A_55 : vector<16xf32>
          %add3A_57 = arith.constant 0 : i32
          %add3A_58 = vector.broadcast %add3A_57 : i32 to vector<16xi32>
          %add3A_59 = arith.addi %mul3A_51, %add3A_58 : vector<16xi32>
          tpu.vector_store_idx %run_scoped3A_0[%add3A_59], %max3A_56 {add = true} : memref<40000xf32, #tpu.memory_space<vmem>>[vector<16xi32>], vector<16xf32>,
          %add3A_60 = arith.constant 1 : i32
          %add3A_61 = vector.broadcast %add3A_60 : i32 to vector<16xi32>
          %add3A_62 = arith.addi %mul3A_39, %add3A_61 : vector<16xi32>
          %gather3A_63 = tpu.vector_load_idx %run_scoped3A[%add3A_62] : memref<40000xf32, #tpu.memory_space<vmem>>[vector<16xi32>], vector<16xf32>,
          %max3A_64 = arith.constant 0.000000e+00 : f32
          %max3A_65 = vector.broadcast %max3A_64 : f32 to vector<16xf32>
          %max3A_66 = arith.maximumf %gather3A_63, %max3A_65 : vector<16xf32>
          %add3A_67 = arith.constant 1 : i32
          %add3A_68 = vector.broadcast %add3A_67 : i32 to vector<16xi32>
          %add3A_69 = arith.addi %mul3A_51, %add3A_68 : vector<16xi32>
          tpu.vector_store_idx %run_scoped3A_0[%add3A_69], %max3A_66 {add = true} : memref<40000xf32, #tpu.memory_space<vmem>>[vector<16xi32>], vector<16xf32>,
          %add3A_70 = arith.constant 2 : i32
          %add3A_71 = vector.broadcast %add3A_70 : i32 to vector<16xi32>
          %add3A_72 = arith.addi %mul3A_39, %add3A_71 : vector<16xi32>
          %gather3A_73 = tpu.vector_load_idx %run_scoped3A[%add3A_72] : memref<40000xf32, #tpu.memory_space<vmem>>[vector<16xi32>], vector<16xf32>,
          %max3A_74 = arith.constant 0.000000e+00 : f32
          %max3A_75 = vector.broadcast %max3A_74 : f32 to vector<16xf32>
          %max3A_76 = arith.maximumf %gather3A_73, %max3A_75 : vector<16xf32>
          %add3A_77 = arith.constant 2 : i32
          %add3A_78 = vector.broadcast %add3A_77 : i32 to vector<16xi32>
          %add3A_79 = arith.addi %mul3A_51, %add3A_78 : vector<16xi32>
          tpu.vector_store_idx %run_scoped3A_0[%add3A_79], %max3A_76 {add = true} : memref<40000xf32, #tpu.memory_space<vmem>>[vector<16xi32>], vector<16xf32>,
          %add3A_80 = arith.constant 3 : i32
          %add3A_81 = vector.broadcast %add3A_80 : i32 to vector<16xi32>
          %add3A_82 = arith.addi %mul3A_39, %add3A_81 : vector<16xi32>
          %gather3A_83 = tpu.vector_load_idx %run_scoped3A[%add3A_82] : memref<40000xf32, #tpu.memory_space<vmem>>[vector<16xi32>], vector<16xf32>,
          %max3A_84 = arith.constant 0.000000e+00 : f32
          %max3A_85 = vector.broadcast %max3A_84 : f32 to vector<16xf32>
          %max3A_86 = arith.maximumf %gather3A_83, %max3A_85 : vector<16xf32>
          %add3A_87 = arith.constant 3 : i32
          %add3A_88 = vector.broadcast %add3A_87 : i32 to vector<16xi32>
          %add3A_89 = arith.addi %mul3A_51, %add3A_88 : vector<16xi32>
          tpu.vector_store_idx %run_scoped3A_0[%add3A_89], %max3A_86 {add = true} : memref<40000xf32, #tpu.memory_space<vmem>>[vector<16xi32>], vector<16xf32>,
          %scan3A_90 = arith.constant 0 : i32
          scf.yield %scan3A_90 : i32
        }
        %scan3A_26 = arith.constant 125 : i32
        %scan3A_27 = arith.constant 0 : i32
        scf.yield %scan3A_27 : i32
      }
      %scan3A_15 = arith.constant 160 : i32
      "tpu.region"() ({
        %run_scoped3A_16 = tpu.sem_alloc : memref<!tpu.dma_semaphore, #tpu.memory_space<semaphore_mem>>
        %dma_start3A = arith.constant 0 : i32
        %dma_start3A_17 = tpu.memref_slice %arg7[%add3A, %dma_start3A] : memref<32x40000xf32, #tpu.memory_space<hbm>> -> memref<1x40000xf32, #tpu.memory_space<hbm>>
        %dma_start3A_18 = tpu.memref_squeeze %dma_start3A_17 : memref<1x40000xf32, #tpu.memory_space<hbm>> -> memref<40000xf32, #tpu.memory_space<hbm>>
        %dma_start3A_19 = arith.constant 0 : i32
        %dma_start3A_20 = tpu.memref_slice %arg7[%add3A, %dma_start3A_19] : memref<32x40000xf32, #tpu.memory_space<hbm>> -> memref<1x40000xf32, #tpu.memory_space<hbm>>
        %dma_start3A_21 = tpu.memref_squeeze %dma_start3A_20 : memref<1x40000xf32, #tpu.memory_space<hbm>> -> memref<40000xf32, #tpu.memory_space<hbm>>
        tpu.enqueue_dma source(%run_scoped3A_0 : memref<40000xf32, #tpu.memory_space<vmem>>) target(%dma_start3A_21 : memref<40000xf32, #tpu.memory_space<hbm>>) target_semaphore(%run_scoped3A_16 : memref<!tpu.dma_semaphore, #tpu.memory_space<semaphore_mem>>)
        %dma_wait3A = arith.constant 0 : i32
        %dma_wait3A_22 = tpu.memref_slice %arg7[%add3A, %dma_wait3A] : memref<32x40000xf32, #tpu.memory_space<hbm>> -> memref<1x40000xf32, #tpu.memory_space<hbm>>
        %dma_wait3A_23 = tpu.memref_squeeze %dma_wait3A_22 : memref<1x40000xf32, #tpu.memory_space<hbm>> -> memref<40000xf32, #tpu.memory_space<hbm>>
        %dma_wait3A_24 = arith.constant 0 : i32
        %dma_wait3A_25 = tpu.memref_slice %arg7[%add3A, %dma_wait3A_24] : memref<32x40000xf32, #tpu.memory_space<hbm>> -> memref<1x40000xf32, #tpu.memory_space<hbm>>
        %dma_wait3A_26 = tpu.memref_squeeze %dma_wait3A_25 : memref<1x40000xf32, #tpu.memory_space<hbm>> -> memref<40000xf32, #tpu.memory_space<hbm>>
        tpu.wait_dma2 semaphore(%run_scoped3A_16 : memref<!tpu.dma_semaphore, #tpu.memory_space<semaphore_mem>>) src(%run_scoped3A_0 : memref<40000xf32, #tpu.memory_space<vmem>>) dst(%dma_wait3A_26 : memref<40000xf32, #tpu.memory_space<hbm>>)
        tpu.yield
      }) : () -> ()
      tpu.yield
    }) : () -> ()
    return
  }
}

#map = affine_map<(d0, d1) -> (0, 0)>
#map1 = affine_map<(d0, d1) -> (0)>
module attributes {stable_mosaic.version = 14 : i64} {
  func.func @_seg_kernel(%arg0: i32, %arg1: i32, %arg2: memref<32x40000xf32, #tpu.memory_space<hbm>>, %arg3: memref<320000xi32, #tpu.memory_space<hbm>>, %arg4: memref<320000xi32, #tpu.memory_space<hbm>>, %arg5: memref<320000xi32, #tpu.memory_space<hbm>>, %arg6: memref<32x32xf32, #tpu.memory_space<hbm>>, %arg7: memref<32x40000xf32, #tpu.memory_space<hbm>>, %arg8: memref<2000xi32, #tpu.memory_space<vmem>>, %arg9: memref<2000xi32, #tpu.memory_space<vmem>>, %arg10: memref<2000xi32, #tpu.memory_space<vmem>>, %arg11: memref<!tpu.dma_semaphore, #tpu.memory_space<semaphore_mem>>) attributes {dimension_semantics = [#tpu.dimension_semantics<core_parallel>, #tpu.dimension_semantics<subcore_parallel>], iteration_bounds = array<i64: 2, 16>, scalar_prefetch = 0 : i64, scratch_operands = 4 : i64, tpu.core_type = #tpu.core_type<sc_vector_subcore>, window_params = [{transform_indices = #map}, {transform_indices = #map1}, {transform_indices = #map1}, {transform_indices = #map1}, {transform_indices = #map}, {transform_indices = #map}]} {
    "tpu.region"() ({
      %run_scoped3A = memref.alloca() : memref<40000xf32, #tpu.memory_space<vmem>>
      %run_scoped3A_0 = memref.alloca() : memref<40000xf32, #tpu.memory_space<vmem>>
      %run_scoped3A_1 = memref.alloca() : memref<32xf32, #tpu.memory_space<vmem>>
      %mul3A = arith.constant 16 : i32
      %mul3A_2 = arith.muli %arg0, %mul3A : i32
      %add3A = arith.addi %mul3A_2, %arg1 : i32
      "tpu.region"() ({
        %run_scoped3A_16 = tpu.sem_alloc : memref<!tpu.dma_semaphore, #tpu.memory_space<semaphore_mem>>
        %dma_start3A = arith.constant 0 : i32
        %dma_start3A_17 = tpu.memref_slice %arg2[%add3A, %dma_start3A] : memref<32x40000xf32, #tpu.memory_space<hbm>> -> memref<1x40000xf32, #tpu.memory_space<hbm>>
        %dma_start3A_18 = tpu.memref_squeeze %dma_start3A_17 : memref<1x40000xf32, #tpu.memory_space<hbm>> -> memref<40000xf32, #tpu.memory_space<hbm>>
        %dma_start3A_19 = arith.constant 0 : i32
        %dma_start3A_20 = tpu.memref_slice %arg2[%add3A, %dma_start3A_19] : memref<32x40000xf32, #tpu.memory_space<hbm>> -> memref<1x40000xf32, #tpu.memory_space<hbm>>
        %dma_start3A_21 = tpu.memref_squeeze %dma_start3A_20 : memref<1x40000xf32, #tpu.memory_space<hbm>> -> memref<40000xf32, #tpu.memory_space<hbm>>
        tpu.enqueue_dma source(%dma_start3A_21 : memref<40000xf32, #tpu.memory_space<hbm>>) target(%run_scoped3A : memref<40000xf32, #tpu.memory_space<vmem>>) target_semaphore(%run_scoped3A_16 : memref<!tpu.dma_semaphore, #tpu.memory_space<semaphore_mem>>)
        %dma_wait3A = arith.constant 0 : i32
        %dma_wait3A_22 = tpu.memref_slice %arg2[%add3A, %dma_wait3A] : memref<32x40000xf32, #tpu.memory_space<hbm>> -> memref<1x40000xf32, #tpu.memory_space<hbm>>
        %dma_wait3A_23 = tpu.memref_squeeze %dma_wait3A_22 : memref<1x40000xf32, #tpu.memory_space<hbm>> -> memref<40000xf32, #tpu.memory_space<hbm>>
        %dma_wait3A_24 = arith.constant 0 : i32
        %dma_wait3A_25 = tpu.memref_slice %arg2[%add3A, %dma_wait3A_24] : memref<32x40000xf32, #tpu.memory_space<hbm>> -> memref<1x40000xf32, #tpu.memory_space<hbm>>
        %dma_wait3A_26 = tpu.memref_squeeze %dma_wait3A_25 : memref<1x40000xf32, #tpu.memory_space<hbm>> -> memref<40000xf32, #tpu.memory_space<hbm>>
        tpu.wait_dma2 semaphore(%run_scoped3A_16 : memref<!tpu.dma_semaphore, #tpu.memory_space<semaphore_mem>>) src(%dma_wait3A_26 : memref<40000xf32, #tpu.memory_space<hbm>>) dst(%run_scoped3A : memref<40000xf32, #tpu.memory_space<vmem>>)
        tpu.yield
      }) : () -> ()
      "tpu.region"() ({
        %run_scoped3A_16 = tpu.sem_alloc : memref<!tpu.dma_semaphore, #tpu.memory_space<semaphore_mem>>
        %dma_start3A = arith.constant 0 : i32
        %dma_start3A_17 = tpu.memref_slice %arg6[%add3A, %dma_start3A] : memref<32x32xf32, #tpu.memory_space<hbm>> -> memref<1x32xf32, #tpu.memory_space<hbm>>
        %dma_start3A_18 = tpu.memref_squeeze %dma_start3A_17 : memref<1x32xf32, #tpu.memory_space<hbm>> -> memref<32xf32, #tpu.memory_space<hbm>>
        %dma_start3A_19 = arith.constant 0 : i32
        %dma_start3A_20 = tpu.memref_slice %arg6[%add3A, %dma_start3A_19] : memref<32x32xf32, #tpu.memory_space<hbm>> -> memref<1x32xf32, #tpu.memory_space<hbm>>
        %dma_start3A_21 = tpu.memref_squeeze %dma_start3A_20 : memref<1x32xf32, #tpu.memory_space<hbm>> -> memref<32xf32, #tpu.memory_space<hbm>>
        tpu.enqueue_dma source(%dma_start3A_21 : memref<32xf32, #tpu.memory_space<hbm>>) target(%run_scoped3A_1 : memref<32xf32, #tpu.memory_space<vmem>>) target_semaphore(%run_scoped3A_16 : memref<!tpu.dma_semaphore, #tpu.memory_space<semaphore_mem>>)
        %dma_wait3A = arith.constant 0 : i32
        %dma_wait3A_22 = tpu.memref_slice %arg6[%add3A, %dma_wait3A] : memref<32x32xf32, #tpu.memory_space<hbm>> -> memref<1x32xf32, #tpu.memory_space<hbm>>
        %dma_wait3A_23 = tpu.memref_squeeze %dma_wait3A_22 : memref<1x32xf32, #tpu.memory_space<hbm>> -> memref<32xf32, #tpu.memory_space<hbm>>
        %dma_wait3A_24 = arith.constant 0 : i32
        %dma_wait3A_25 = tpu.memref_slice %arg6[%add3A, %dma_wait3A_24] : memref<32x32xf32, #tpu.memory_space<hbm>> -> memref<1x32xf32, #tpu.memory_space<hbm>>
        %dma_wait3A_26 = tpu.memref_squeeze %dma_wait3A_25 : memref<1x32xf32, #tpu.memory_space<hbm>> -> memref<32xf32, #tpu.memory_space<hbm>>
        tpu.wait_dma2 semaphore(%run_scoped3A_16 : memref<!tpu.dma_semaphore, #tpu.memory_space<semaphore_mem>>) src(%dma_wait3A_26 : memref<32xf32, #tpu.memory_space<hbm>>) dst(%run_scoped3A_1 : memref<32xf32, #tpu.memory_space<vmem>>)
        tpu.yield
      }) : () -> ()
      %scan3A = arith.constant 0 : i32
      %scan3A_3 = arith.constant 0 : i32
      %scan3A_4 = arith.constant 2500 : i32
      %scan3A_5 = arith.addi %scan3A_3, %scan3A_4 : i32
      %scan3A_6 = arith.constant 1 : i32
      %scan3A_7 = scf.for %scan3A_16 = %scan3A_3 to %scan3A_5 step %scan3A_6 iter_args(%scan3A_17 = %scan3A) -> (i32)  : i32 {
        %broadcast_in_dim3A = arith.constant 0.000000e+00 : f32
        %broadcast_in_dim3A_18 = vector.broadcast %broadcast_in_dim3A : f32 to vector<16xf32>
        %mul3A_19 = arith.constant 16 : i32
        %mul3A_20 = arith.muli %scan3A_16, %mul3A_19 : i32
        %swap3A = arith.index_cast %mul3A_20 : i32 to index
        %swap3A_21 = tpu.vector_load %run_scoped3A_0[%swap3A] {strides = array<i32>} : memref<40000xf32, #tpu.memory_space<vmem>>, vector<16xf32>,
        tpu.vector_store %run_scoped3A_0[%swap3A], %broadcast_in_dim3A_18 {strides = array<i32>} : memref<40000xf32, #tpu.memory_space<vmem>>, vector<16xf32>,
        %scan3A_22 = arith.constant 0 : i32
        scf.yield %scan3A_22 : i32
      }
      %scan3A_8 = arith.constant 2500 : i32
      %scan3A_9 = arith.constant 0 : i32
      %scan3A_10 = arith.constant 0 : i32
      %scan3A_11 = arith.constant 160 : i32
      %scan3A_12 = arith.addi %scan3A_10, %scan3A_11 : i32
      %scan3A_13 = arith.constant 1 : i32
      %scan3A_14 = scf.for %scan3A_16 = %scan3A_10 to %scan3A_12 step %scan3A_13 iter_args(%scan3A_17 = %scan3A_9) -> (i32)  : i32 {
        %mul3A_18 = arith.constant 2000 : i32
        %mul3A_19 = arith.muli %scan3A_16, %mul3A_18 : i32
        "tpu.region"() ({
          %run_scoped3A_28 = tpu.sem_alloc : memref<!tpu.dma_semaphore, #tpu.memory_space<semaphore_mem>>
          %dma_start3A = tpu.memref_slice %arg3[%mul3A_19] : memref<320000xi32, #tpu.memory_space<hbm>> -> memref<2000xi32, #tpu.memory_space<hbm>>
          %dma_start3A_29 = tpu.memref_slice %arg3[%mul3A_19] : memref<320000xi32, #tpu.memory_space<hbm>> -> memref<2000xi32, #tpu.memory_space<hbm>>
          tpu.enqueue_dma source(%dma_start3A_29 : memref<2000xi32, #tpu.memory_space<hbm>>) target(%arg8 : memref<2000xi32, #tpu.memory_space<vmem>>) target_semaphore(%run_scoped3A_28 : memref<!tpu.dma_semaphore, #tpu.memory_space<semaphore_mem>>)
          %dma_wait3A = tpu.memref_slice %arg3[%mul3A_19] : memref<320000xi32, #tpu.memory_space<hbm>> -> memref<2000xi32, #tpu.memory_space<hbm>>
          %dma_wait3A_30 = tpu.memref_slice %arg3[%mul3A_19] : memref<320000xi32, #tpu.memory_space<hbm>> -> memref<2000xi32, #tpu.memory_space<hbm>>
          tpu.wait_dma2 semaphore(%run_scoped3A_28 : memref<!tpu.dma_semaphore, #tpu.memory_space<semaphore_mem>>) src(%dma_wait3A_30 : memref<2000xi32, #tpu.memory_space<hbm>>) dst(%arg8 : memref<2000xi32, #tpu.memory_space<vmem>>)
          tpu.yield
        }) : () -> ()
        "tpu.region"() ({
          %run_scoped3A_28 = tpu.sem_alloc : memref<!tpu.dma_semaphore, #tpu.memory_space<semaphore_mem>>
          %dma_start3A = tpu.memref_slice %arg4[%mul3A_19] : memref<320000xi32, #tpu.memory_space<hbm>> -> memref<2000xi32, #tpu.memory_space<hbm>>
          %dma_start3A_29 = tpu.memref_slice %arg4[%mul3A_19] : memref<320000xi32, #tpu.memory_space<hbm>> -> memref<2000xi32, #tpu.memory_space<hbm>>
          tpu.enqueue_dma source(%dma_start3A_29 : memref<2000xi32, #tpu.memory_space<hbm>>) target(%arg9 : memref<2000xi32, #tpu.memory_space<vmem>>) target_semaphore(%run_scoped3A_28 : memref<!tpu.dma_semaphore, #tpu.memory_space<semaphore_mem>>)
          %dma_wait3A = tpu.memref_slice %arg4[%mul3A_19] : memref<320000xi32, #tpu.memory_space<hbm>> -> memref<2000xi32, #tpu.memory_space<hbm>>
          %dma_wait3A_30 = tpu.memref_slice %arg4[%mul3A_19] : memref<320000xi32, #tpu.memory_space<hbm>> -> memref<2000xi32, #tpu.memory_space<hbm>>
          tpu.wait_dma2 semaphore(%run_scoped3A_28 : memref<!tpu.dma_semaphore, #tpu.memory_space<semaphore_mem>>) src(%dma_wait3A_30 : memref<2000xi32, #tpu.memory_space<hbm>>) dst(%arg9 : memref<2000xi32, #tpu.memory_space<vmem>>)
          tpu.yield
        }) : () -> ()
        "tpu.region"() ({
          %run_scoped3A_28 = tpu.sem_alloc : memref<!tpu.dma_semaphore, #tpu.memory_space<semaphore_mem>>
          %dma_start3A = tpu.memref_slice %arg5[%mul3A_19] : memref<320000xi32, #tpu.memory_space<hbm>> -> memref<2000xi32, #tpu.memory_space<hbm>>
          %dma_start3A_29 = tpu.memref_slice %arg5[%mul3A_19] : memref<320000xi32, #tpu.memory_space<hbm>> -> memref<2000xi32, #tpu.memory_space<hbm>>
          tpu.enqueue_dma source(%dma_start3A_29 : memref<2000xi32, #tpu.memory_space<hbm>>) target(%arg10 : memref<2000xi32, #tpu.memory_space<vmem>>) target_semaphore(%run_scoped3A_28 : memref<!tpu.dma_semaphore, #tpu.memory_space<semaphore_mem>>)
          %dma_wait3A = tpu.memref_slice %arg5[%mul3A_19] : memref<320000xi32, #tpu.memory_space<hbm>> -> memref<2000xi32, #tpu.memory_space<hbm>>
          %dma_wait3A_30 = tpu.memref_slice %arg5[%mul3A_19] : memref<320000xi32, #tpu.memory_space<hbm>> -> memref<2000xi32, #tpu.memory_space<hbm>>
          tpu.wait_dma2 semaphore(%run_scoped3A_28 : memref<!tpu.dma_semaphore, #tpu.memory_space<semaphore_mem>>) src(%dma_wait3A_30 : memref<2000xi32, #tpu.memory_space<hbm>>) dst(%arg10 : memref<2000xi32, #tpu.memory_space<vmem>>)
          tpu.yield
        }) : () -> ()
        %scan3A_20 = arith.constant 0 : i32
        %scan3A_21 = arith.constant 0 : i32
        %scan3A_22 = arith.constant 125 : i32
        %scan3A_23 = arith.addi %scan3A_21, %scan3A_22 : i32
        %scan3A_24 = arith.constant 1 : i32
        %scan3A_25 = scf.for %scan3A_28 = %scan3A_21 to %scan3A_23 step %scan3A_24 iter_args(%scan3A_29 = %scan3A_20) -> (i32)  : i32 {
          %mul3A_30 = arith.constant 16 : i32
          %mul3A_31 = arith.muli %scan3A_28, %mul3A_30 : i32
          %get3A = arith.index_cast %mul3A_31 : i32 to index
          %get3A_32 = tpu.vector_load %arg8[%get3A] {strides = array<i32>} : memref<2000xi32, #tpu.memory_space<vmem>>, vector<16xi32>,
          %rev3A = arith.constant 15 : i32
          %rev3A_33 = vector.broadcast %rev3A : i32 to vector<16xi32>
          %rev3A_34 = tpu.iota {dimensions = array<i32: 0>} : vector<16xi32>
          %rev3A_35 = arith.subi %rev3A_33, %rev3A_34 : vector<16xi32>
          %rev3A_36 = tpu.dynamic_gather %get3A_32[%rev3A_35] in [0] : vector<16xi32>, vector<16xi32> -> vector<16xi32>
          %mul3A_37 = arith.constant 4 : i32
          %mul3A_38 = vector.broadcast %mul3A_37 : i32 to vector<16xi32>
          %mul3A_39 = arith.muli %rev3A_36, %mul3A_38 : vector<16xi32>
          %mul3A_40 = arith.constant 16 : i32
          %mul3A_41 = arith.muli %scan3A_28, %mul3A_40 : i32
          %get3A_42 = arith.index_cast %mul3A_41 : i32 to index
          %get3A_43 = tpu.vector_load %arg9[%get3A_42] {strides = array<i32>} : memref<2000xi32, #tpu.memory_space<vmem>>, vector<16xi32>,
          %rev3A_44 = arith.constant 15 : i32
          %rev3A_45 = vector.broadcast %rev3A_44 : i32 to vector<16xi32>
          %rev3A_46 = tpu.iota {dimensions = array<i32: 0>} : vector<16xi32>
          %rev3A_47 = arith.subi %rev3A_45, %rev3A_46 : vector<16xi32>
          %rev3A_48 = tpu.dynamic_gather %get3A_43[%rev3A_47] in [0] : vector<16xi32>, vector<16xi32> -> vector<16xi32>
          %mul3A_49 = arith.constant 4 : i32
          %mul3A_50 = vector.broadcast %mul3A_49 : i32 to vector<16xi32>
          %mul3A_51 = arith.muli %rev3A_48, %mul3A_50 : vector<16xi32>
          %mul3A_52 = arith.constant 16 : i32
          %mul3A_53 = arith.muli %scan3A_28, %mul3A_52 : i32
          %get3A_54 = arith.index_cast %mul3A_53 : i32 to index
          %get3A_55 = tpu.vector_load %arg10[%get3A_54] {strides = array<i32>} : memref<2000xi32, #tpu.memory_space<vmem>>, vector<16xi32>,
          %rev3A_56 = arith.constant 15 : i32
          %rev3A_57 = vector.broadcast %rev3A_56 : i32 to vector<16xi32>
          %rev3A_58 = tpu.iota {dimensions = array<i32: 0>} : vector<16xi32>
          %rev3A_59 = arith.subi %rev3A_57, %rev3A_58 : vector<16xi32>
          %rev3A_60 = tpu.dynamic_gather %get3A_55[%rev3A_59] in [0] : vector<16xi32>, vector<16xi32> -> vector<16xi32>
          %mul3A_61 = arith.constant 4 : i32
          %mul3A_62 = vector.broadcast %mul3A_61 : i32 to vector<16xi32>
          %mul3A_63 = arith.muli %rev3A_60, %mul3A_62 : vector<16xi32>
          %add3A_64 = arith.constant 0 : i32
          %add3A_65 = vector.broadcast %add3A_64 : i32 to vector<16xi32>
          %add3A_66 = arith.addi %mul3A_39, %add3A_65 : vector<16xi32>
          %gather3A = tpu.vector_load_idx %run_scoped3A[%add3A_66] : memref<40000xf32, #tpu.memory_space<vmem>>[vector<16xi32>], vector<16xf32>,
          %add3A_67 = arith.constant 0 : i32
          %add3A_68 = vector.broadcast %add3A_67 : i32 to vector<16xi32>
          %add3A_69 = arith.addi %mul3A_63, %add3A_68 : vector<16xi32>
          %gather3A_70 = tpu.vector_load_idx %run_scoped3A_1[%add3A_69] : memref<32xf32, #tpu.memory_space<vmem>>[vector<16xi32>], vector<16xf32>,
          %add3A_71 = arith.addf %gather3A, %gather3A_70 : vector<16xf32>
          %max3A = arith.constant 0.000000e+00 : f32
          %max3A_72 = vector.broadcast %max3A : f32 to vector<16xf32>
          %max3A_73 = arith.maximumf %add3A_71, %max3A_72 : vector<16xf32>
          %add3A_74 = arith.constant 0 : i32
          %add3A_75 = vector.broadcast %add3A_74 : i32 to vector<16xi32>
          %add3A_76 = arith.addi %mul3A_51, %add3A_75 : vector<16xi32>
          tpu.vector_store_idx %run_scoped3A_0[%add3A_76], %max3A_73 {add = true} : memref<40000xf32, #tpu.memory_space<vmem>>[vector<16xi32>], vector<16xf32>,
          %add3A_77 = arith.constant 1 : i32
          %add3A_78 = vector.broadcast %add3A_77 : i32 to vector<16xi32>
          %add3A_79 = arith.addi %mul3A_39, %add3A_78 : vector<16xi32>
          %gather3A_80 = tpu.vector_load_idx %run_scoped3A[%add3A_79] : memref<40000xf32, #tpu.memory_space<vmem>>[vector<16xi32>], vector<16xf32>,
          %add3A_81 = arith.constant 1 : i32
          %add3A_82 = vector.broadcast %add3A_81 : i32 to vector<16xi32>
          %add3A_83 = arith.addi %mul3A_63, %add3A_82 : vector<16xi32>
          %gather3A_84 = tpu.vector_load_idx %run_scoped3A_1[%add3A_83] : memref<32xf32, #tpu.memory_space<vmem>>[vector<16xi32>], vector<16xf32>,
          %add3A_85 = arith.addf %gather3A_80, %gather3A_84 : vector<16xf32>
          %max3A_86 = arith.constant 0.000000e+00 : f32
          %max3A_87 = vector.broadcast %max3A_86 : f32 to vector<16xf32>
          %max3A_88 = arith.maximumf %add3A_85, %max3A_87 : vector<16xf32>
          %add3A_89 = arith.constant 1 : i32
          %add3A_90 = vector.broadcast %add3A_89 : i32 to vector<16xi32>
          %add3A_91 = arith.addi %mul3A_51, %add3A_90 : vector<16xi32>
          tpu.vector_store_idx %run_scoped3A_0[%add3A_91], %max3A_88 {add = true} : memref<40000xf32, #tpu.memory_space<vmem>>[vector<16xi32>], vector<16xf32>,
          %add3A_92 = arith.constant 2 : i32
          %add3A_93 = vector.broadcast %add3A_92 : i32 to vector<16xi32>
          %add3A_94 = arith.addi %mul3A_39, %add3A_93 : vector<16xi32>
          %gather3A_95 = tpu.vector_load_idx %run_scoped3A[%add3A_94] : memref<40000xf32, #tpu.memory_space<vmem>>[vector<16xi32>], vector<16xf32>,
          %add3A_96 = arith.constant 2 : i32
          %add3A_97 = vector.broadcast %add3A_96 : i32 to vector<16xi32>
          %add3A_98 = arith.addi %mul3A_63, %add3A_97 : vector<16xi32>
          %gather3A_99 = tpu.vector_load_idx %run_scoped3A_1[%add3A_98] : memref<32xf32, #tpu.memory_space<vmem>>[vector<16xi32>], vector<16xf32>,
          %add3A_100 = arith.addf %gather3A_95, %gather3A_99 : vector<16xf32>
          %max3A_101 = arith.constant 0.000000e+00 : f32
          %max3A_102 = vector.broadcast %max3A_101 : f32 to vector<16xf32>
          %max3A_103 = arith.maximumf %add3A_100, %max3A_102 : vector<16xf32>
          %add3A_104 = arith.constant 2 : i32
          %add3A_105 = vector.broadcast %add3A_104 : i32 to vector<16xi32>
          %add3A_106 = arith.addi %mul3A_51, %add3A_105 : vector<16xi32>
          tpu.vector_store_idx %run_scoped3A_0[%add3A_106], %max3A_103 {add = true} : memref<40000xf32, #tpu.memory_space<vmem>>[vector<16xi32>], vector<16xf32>,
          %add3A_107 = arith.constant 3 : i32
          %add3A_108 = vector.broadcast %add3A_107 : i32 to vector<16xi32>
          %add3A_109 = arith.addi %mul3A_39, %add3A_108 : vector<16xi32>
          %gather3A_110 = tpu.vector_load_idx %run_scoped3A[%add3A_109] : memref<40000xf32, #tpu.memory_space<vmem>>[vector<16xi32>], vector<16xf32>,
          %add3A_111 = arith.constant 3 : i32
          %add3A_112 = vector.broadcast %add3A_111 : i32 to vector<16xi32>
          %add3A_113 = arith.addi %mul3A_63, %add3A_112 : vector<16xi32>
          %gather3A_114 = tpu.vector_load_idx %run_scoped3A_1[%add3A_113] : memref<32xf32, #tpu.memory_space<vmem>>[vector<16xi32>], vector<16xf32>,
          %add3A_115 = arith.addf %gather3A_110, %gather3A_114 : vector<16xf32>
          %max3A_116 = arith.constant 0.000000e+00 : f32
          %max3A_117 = vector.broadcast %max3A_116 : f32 to vector<16xf32>
          %max3A_118 = arith.maximumf %add3A_115, %max3A_117 : vector<16xf32>
          %add3A_119 = arith.constant 3 : i32
          %add3A_120 = vector.broadcast %add3A_119 : i32 to vector<16xi32>
          %add3A_121 = arith.addi %mul3A_51, %add3A_120 : vector<16xi32>
          tpu.vector_store_idx %run_scoped3A_0[%add3A_121], %max3A_118 {add = true} : memref<40000xf32, #tpu.memory_space<vmem>>[vector<16xi32>], vector<16xf32>,
          %scan3A_122 = arith.constant 0 : i32
          scf.yield %scan3A_122 : i32
        }
        %scan3A_26 = arith.constant 125 : i32
        %scan3A_27 = arith.constant 0 : i32
        scf.yield %scan3A_27 : i32
      }
      %scan3A_15 = arith.constant 160 : i32
      "tpu.region"() ({
        %run_scoped3A_16 = tpu.sem_alloc : memref<!tpu.dma_semaphore, #tpu.memory_space<semaphore_mem>>
        %dma_start3A = arith.constant 0 : i32
        %dma_start3A_17 = tpu.memref_slice %arg7[%add3A, %dma_start3A] : memref<32x40000xf32, #tpu.memory_space<hbm>> -> memref<1x40000xf32, #tpu.memory_space<hbm>>
        %dma_start3A_18 = tpu.memref_squeeze %dma_start3A_17 : memref<1x40000xf32, #tpu.memory_space<hbm>> -> memref<40000xf32, #tpu.memory_space<hbm>>
        %dma_start3A_19 = arith.constant 0 : i32
        %dma_start3A_20 = tpu.memref_slice %arg7[%add3A, %dma_start3A_19] : memref<32x40000xf32, #tpu.memory_space<hbm>> -> memref<1x40000xf32, #tpu.memory_space<hbm>>
        %dma_start3A_21 = tpu.memref_squeeze %dma_start3A_20 : memref<1x40000xf32, #tpu.memory_space<hbm>> -> memref<40000xf32, #tpu.memory_space<hbm>>
        tpu.enqueue_dma source(%run_scoped3A_0 : memref<40000xf32, #tpu.memory_space<vmem>>) target(%dma_start3A_21 : memref<40000xf32, #tpu.memory_space<hbm>>) target_semaphore(%run_scoped3A_16 : memref<!tpu.dma_semaphore, #tpu.memory_space<semaphore_mem>>)
        %dma_wait3A = arith.constant 0 : i32
        %dma_wait3A_22 = tpu.memref_slice %arg7[%add3A, %dma_wait3A] : memref<32x40000xf32, #tpu.memory_space<hbm>> -> memref<1x40000xf32, #tpu.memory_space<hbm>>
        %dma_wait3A_23 = tpu.memref_squeeze %dma_wait3A_22 : memref<1x40000xf32, #tpu.memory_space<hbm>> -> memref<40000xf32, #tpu.memory_space<hbm>>
        %dma_wait3A_24 = arith.constant 0 : i32
        %dma_wait3A_25 = tpu.memref_slice %arg7[%add3A, %dma_wait3A_24] : memref<32x40000xf32, #tpu.memory_space<hbm>> -> memref<1x40000xf32, #tpu.memory_space<hbm>>
        %dma_wait3A_26 = tpu.memref_squeeze %dma_wait3A_25 : memref<1x40000xf32, #tpu.memory_space<hbm>> -> memref<40000xf32, #tpu.memory_space<hbm>>
        tpu.wait_dma2 semaphore(%run_scoped3A_16 : memref<!tpu.dma_semaphore, #tpu.memory_space<semaphore_mem>>) src(%run_scoped3A_0 : memref<40000xf32, #tpu.memory_space<vmem>>) dst(%dma_wait3A_26 : memref<40000xf32, #tpu.memory_space<hbm>>)
        tpu.yield
      }) : () -> ()
      tpu.yield
    }) : () -> ()
    return
  }
}

#map = affine_map<(d0, d1) -> (0, 0)>
#map1 = affine_map<(d0, d1) -> (0)>
module attributes {stable_mosaic.version = 14 : i64} {
  func.func @_seg_kernel(%arg0: i32, %arg1: i32, %arg2: memref<32x40000xf32, #tpu.memory_space<hbm>>, %arg3: memref<320000xi32, #tpu.memory_space<hbm>>, %arg4: memref<320000xi32, #tpu.memory_space<hbm>>, %arg5: memref<320000xi32, #tpu.memory_space<hbm>>, %arg6: memref<32x32xf32, #tpu.memory_space<hbm>>, %arg7: memref<32x40000xf32, #tpu.memory_space<hbm>>, %arg8: memref<2000xi32, #tpu.memory_space<vmem>>, %arg9: memref<2000xi32, #tpu.memory_space<vmem>>, %arg10: memref<2000xi32, #tpu.memory_space<vmem>>, %arg11: memref<!tpu.dma_semaphore, #tpu.memory_space<semaphore_mem>>) attributes {dimension_semantics = [#tpu.dimension_semantics<core_parallel>, #tpu.dimension_semantics<subcore_parallel>], iteration_bounds = array<i64: 2, 16>, scalar_prefetch = 0 : i64, scratch_operands = 4 : i64, tpu.core_type = #tpu.core_type<sc_vector_subcore>, window_params = [{transform_indices = #map}, {transform_indices = #map1}, {transform_indices = #map1}, {transform_indices = #map1}, {transform_indices = #map}, {transform_indices = #map}]} {
    "tpu.region"() ({
      %run_scoped3A = memref.alloca() : memref<40000xf32, #tpu.memory_space<vmem>>
      %run_scoped3A_0 = memref.alloca() : memref<40000xf32, #tpu.memory_space<vmem>>
      %run_scoped3A_1 = memref.alloca() : memref<32xf32, #tpu.memory_space<vmem>>
      %mul3A = arith.constant 16 : i32
      %mul3A_2 = arith.muli %arg0, %mul3A : i32
      %add3A = arith.addi %mul3A_2, %arg1 : i32
      "tpu.region"() ({
        %run_scoped3A_16 = tpu.sem_alloc : memref<!tpu.dma_semaphore, #tpu.memory_space<semaphore_mem>>
        %dma_start3A = arith.constant 0 : i32
        %dma_start3A_17 = tpu.memref_slice %arg2[%add3A, %dma_start3A] : memref<32x40000xf32, #tpu.memory_space<hbm>> -> memref<1x40000xf32, #tpu.memory_space<hbm>>
        %dma_start3A_18 = tpu.memref_squeeze %dma_start3A_17 : memref<1x40000xf32, #tpu.memory_space<hbm>> -> memref<40000xf32, #tpu.memory_space<hbm>>
        %dma_start3A_19 = arith.constant 0 : i32
        %dma_start3A_20 = tpu.memref_slice %arg2[%add3A, %dma_start3A_19] : memref<32x40000xf32, #tpu.memory_space<hbm>> -> memref<1x40000xf32, #tpu.memory_space<hbm>>
        %dma_start3A_21 = tpu.memref_squeeze %dma_start3A_20 : memref<1x40000xf32, #tpu.memory_space<hbm>> -> memref<40000xf32, #tpu.memory_space<hbm>>
        tpu.enqueue_dma source(%dma_start3A_21 : memref<40000xf32, #tpu.memory_space<hbm>>) target(%run_scoped3A : memref<40000xf32, #tpu.memory_space<vmem>>) target_semaphore(%run_scoped3A_16 : memref<!tpu.dma_semaphore, #tpu.memory_space<semaphore_mem>>)
        %dma_wait3A = arith.constant 0 : i32
        %dma_wait3A_22 = tpu.memref_slice %arg2[%add3A, %dma_wait3A] : memref<32x40000xf32, #tpu.memory_space<hbm>> -> memref<1x40000xf32, #tpu.memory_space<hbm>>
        %dma_wait3A_23 = tpu.memref_squeeze %dma_wait3A_22 : memref<1x40000xf32, #tpu.memory_space<hbm>> -> memref<40000xf32, #tpu.memory_space<hbm>>
        %dma_wait3A_24 = arith.constant 0 : i32
        %dma_wait3A_25 = tpu.memref_slice %arg2[%add3A, %dma_wait3A_24] : memref<32x40000xf32, #tpu.memory_space<hbm>> -> memref<1x40000xf32, #tpu.memory_space<hbm>>
        %dma_wait3A_26 = tpu.memref_squeeze %dma_wait3A_25 : memref<1x40000xf32, #tpu.memory_space<hbm>> -> memref<40000xf32, #tpu.memory_space<hbm>>
        tpu.wait_dma2 semaphore(%run_scoped3A_16 : memref<!tpu.dma_semaphore, #tpu.memory_space<semaphore_mem>>) src(%dma_wait3A_26 : memref<40000xf32, #tpu.memory_space<hbm>>) dst(%run_scoped3A : memref<40000xf32, #tpu.memory_space<vmem>>)
        tpu.yield
      }) : () -> ()
      %scan3A = arith.constant 0 : i32
      %scan3A_3 = arith.constant 0 : i32
      %scan3A_4 = arith.constant 2500 : i32
      %scan3A_5 = arith.addi %scan3A_3, %scan3A_4 : i32
      %scan3A_6 = arith.constant 1 : i32
      %scan3A_7 = scf.for %scan3A_16 = %scan3A_3 to %scan3A_5 step %scan3A_6 iter_args(%scan3A_17 = %scan3A) -> (i32)  : i32 {
        %broadcast_in_dim3A = arith.constant 0.000000e+00 : f32
        %broadcast_in_dim3A_18 = vector.broadcast %broadcast_in_dim3A : f32 to vector<16xf32>
        %mul3A_19 = arith.constant 16 : i32
        %mul3A_20 = arith.muli %scan3A_16, %mul3A_19 : i32
        %swap3A = arith.index_cast %mul3A_20 : i32 to index
        %swap3A_21 = tpu.vector_load %run_scoped3A_0[%swap3A] {strides = array<i32>} : memref<40000xf32, #tpu.memory_space<vmem>>, vector<16xf32>,
        tpu.vector_store %run_scoped3A_0[%swap3A], %broadcast_in_dim3A_18 {strides = array<i32>} : memref<40000xf32, #tpu.memory_space<vmem>>, vector<16xf32>,
        %scan3A_22 = arith.constant 0 : i32
        scf.yield %scan3A_22 : i32
      }
      %scan3A_8 = arith.constant 2500 : i32
      %scan3A_9 = arith.constant 0 : i32
      %scan3A_10 = arith.constant 0 : i32
      %scan3A_11 = arith.constant 160 : i32
      %scan3A_12 = arith.addi %scan3A_10, %scan3A_11 : i32
      %scan3A_13 = arith.constant 1 : i32
      %scan3A_14 = scf.for %scan3A_16 = %scan3A_10 to %scan3A_12 step %scan3A_13 iter_args(%scan3A_17 = %scan3A_9) -> (i32)  : i32 {
        %mul3A_18 = arith.constant 2000 : i32
        %mul3A_19 = arith.muli %scan3A_16, %mul3A_18 : i32
        "tpu.region"() ({
          %run_scoped3A_28 = tpu.sem_alloc : memref<!tpu.dma_semaphore, #tpu.memory_space<semaphore_mem>>
          %dma_start3A = tpu.memref_slice %arg3[%mul3A_19] : memref<320000xi32, #tpu.memory_space<hbm>> -> memref<2000xi32, #tpu.memory_space<hbm>>
          %dma_start3A_29 = tpu.memref_slice %arg3[%mul3A_19] : memref<320000xi32, #tpu.memory_space<hbm>> -> memref<2000xi32, #tpu.memory_space<hbm>>
          tpu.enqueue_dma source(%dma_start3A_29 : memref<2000xi32, #tpu.memory_space<hbm>>) target(%arg8 : memref<2000xi32, #tpu.memory_space<vmem>>) target_semaphore(%run_scoped3A_28 : memref<!tpu.dma_semaphore, #tpu.memory_space<semaphore_mem>>)
          %dma_wait3A = tpu.memref_slice %arg3[%mul3A_19] : memref<320000xi32, #tpu.memory_space<hbm>> -> memref<2000xi32, #tpu.memory_space<hbm>>
          %dma_wait3A_30 = tpu.memref_slice %arg3[%mul3A_19] : memref<320000xi32, #tpu.memory_space<hbm>> -> memref<2000xi32, #tpu.memory_space<hbm>>
          tpu.wait_dma2 semaphore(%run_scoped3A_28 : memref<!tpu.dma_semaphore, #tpu.memory_space<semaphore_mem>>) src(%dma_wait3A_30 : memref<2000xi32, #tpu.memory_space<hbm>>) dst(%arg8 : memref<2000xi32, #tpu.memory_space<vmem>>)
          tpu.yield
        }) : () -> ()
        "tpu.region"() ({
          %run_scoped3A_28 = tpu.sem_alloc : memref<!tpu.dma_semaphore, #tpu.memory_space<semaphore_mem>>
          %dma_start3A = tpu.memref_slice %arg4[%mul3A_19] : memref<320000xi32, #tpu.memory_space<hbm>> -> memref<2000xi32, #tpu.memory_space<hbm>>
          %dma_start3A_29 = tpu.memref_slice %arg4[%mul3A_19] : memref<320000xi32, #tpu.memory_space<hbm>> -> memref<2000xi32, #tpu.memory_space<hbm>>
          tpu.enqueue_dma source(%dma_start3A_29 : memref<2000xi32, #tpu.memory_space<hbm>>) target(%arg9 : memref<2000xi32, #tpu.memory_space<vmem>>) target_semaphore(%run_scoped3A_28 : memref<!tpu.dma_semaphore, #tpu.memory_space<semaphore_mem>>)
          %dma_wait3A = tpu.memref_slice %arg4[%mul3A_19] : memref<320000xi32, #tpu.memory_space<hbm>> -> memref<2000xi32, #tpu.memory_space<hbm>>
          %dma_wait3A_30 = tpu.memref_slice %arg4[%mul3A_19] : memref<320000xi32, #tpu.memory_space<hbm>> -> memref<2000xi32, #tpu.memory_space<hbm>>
          tpu.wait_dma2 semaphore(%run_scoped3A_28 : memref<!tpu.dma_semaphore, #tpu.memory_space<semaphore_mem>>) src(%dma_wait3A_30 : memref<2000xi32, #tpu.memory_space<hbm>>) dst(%arg9 : memref<2000xi32, #tpu.memory_space<vmem>>)
          tpu.yield
        }) : () -> ()
        %scan3A_20 = arith.constant 0 : i32
        %scan3A_21 = arith.constant 0 : i32
        %scan3A_22 = arith.constant 125 : i32
        %scan3A_23 = arith.addi %scan3A_21, %scan3A_22 : i32
        %scan3A_24 = arith.constant 1 : i32
        %scan3A_25 = scf.for %scan3A_28 = %scan3A_21 to %scan3A_23 step %scan3A_24 iter_args(%scan3A_29 = %scan3A_20) -> (i32)  : i32 {
          %mul3A_30 = arith.constant 16 : i32
          %mul3A_31 = arith.muli %scan3A_28, %mul3A_30 : i32
          %get3A = arith.index_cast %mul3A_31 : i32 to index
          %get3A_32 = tpu.vector_load %arg8[%get3A] {strides = array<i32>} : memref<2000xi32, #tpu.memory_space<vmem>>, vector<16xi32>,
          %rev3A = arith.constant 15 : i32
          %rev3A_33 = vector.broadcast %rev3A : i32 to vector<16xi32>
          %rev3A_34 = tpu.iota {dimensions = array<i32: 0>} : vector<16xi32>
          %rev3A_35 = arith.subi %rev3A_33, %rev3A_34 : vector<16xi32>
          %rev3A_36 = tpu.dynamic_gather %get3A_32[%rev3A_35] in [0] : vector<16xi32>, vector<16xi32> -> vector<16xi32>
          %mul3A_37 = arith.constant 4 : i32
          %mul3A_38 = vector.broadcast %mul3A_37 : i32 to vector<16xi32>
          %mul3A_39 = arith.muli %rev3A_36, %mul3A_38 : vector<16xi32>
          %mul3A_40 = arith.constant 16 : i32
          %mul3A_41 = arith.muli %scan3A_28, %mul3A_40 : i32
          %get3A_42 = arith.index_cast %mul3A_41 : i32 to index
          %get3A_43 = tpu.vector_load %arg9[%get3A_42] {strides = array<i32>} : memref<2000xi32, #tpu.memory_space<vmem>>, vector<16xi32>,
          %rev3A_44 = arith.constant 15 : i32
          %rev3A_45 = vector.broadcast %rev3A_44 : i32 to vector<16xi32>
          %rev3A_46 = tpu.iota {dimensions = array<i32: 0>} : vector<16xi32>
          %rev3A_47 = arith.subi %rev3A_45, %rev3A_46 : vector<16xi32>
          %rev3A_48 = tpu.dynamic_gather %get3A_43[%rev3A_47] in [0] : vector<16xi32>, vector<16xi32> -> vector<16xi32>
          %mul3A_49 = arith.constant 4 : i32
          %mul3A_50 = vector.broadcast %mul3A_49 : i32 to vector<16xi32>
          %mul3A_51 = arith.muli %rev3A_48, %mul3A_50 : vector<16xi32>
          %add3A_52 = arith.constant 0 : i32
          %add3A_53 = vector.broadcast %add3A_52 : i32 to vector<16xi32>
          %add3A_54 = arith.addi %mul3A_39, %add3A_53 : vector<16xi32>
          %gather3A = tpu.vector_load_idx %run_scoped3A[%add3A_54] : memref<40000xf32, #tpu.memory_space<vmem>>[vector<16xi32>], vector<16xf32>,
          %max3A = arith.constant 0.000000e+00 : f32
          %max3A_55 = vector.broadcast %max3A : f32 to vector<16xf32>
          %max3A_56 = arith.maximumf %gather3A, %max3A_55 : vector<16xf32>
          %add3A_57 = arith.constant 0 : i32
          %add3A_58 = vector.broadcast %add3A_57 : i32 to vector<16xi32>
          %add3A_59 = arith.addi %mul3A_51, %add3A_58 : vector<16xi32>
          tpu.vector_store_idx %run_scoped3A_0[%add3A_59], %max3A_56 {add = true} : memref<40000xf32, #tpu.memory_space<vmem>>[vector<16xi32>], vector<16xf32>,
          %add3A_60 = arith.constant 1 : i32
          %add3A_61 = vector.broadcast %add3A_60 : i32 to vector<16xi32>
          %add3A_62 = arith.addi %mul3A_39, %add3A_61 : vector<16xi32>
          %gather3A_63 = tpu.vector_load_idx %run_scoped3A[%add3A_62] : memref<40000xf32, #tpu.memory_space<vmem>>[vector<16xi32>], vector<16xf32>,
          %max3A_64 = arith.constant 0.000000e+00 : f32
          %max3A_65 = vector.broadcast %max3A_64 : f32 to vector<16xf32>
          %max3A_66 = arith.maximumf %gather3A_63, %max3A_65 : vector<16xf32>
          %add3A_67 = arith.constant 1 : i32
          %add3A_68 = vector.broadcast %add3A_67 : i32 to vector<16xi32>
          %add3A_69 = arith.addi %mul3A_51, %add3A_68 : vector<16xi32>
          tpu.vector_store_idx %run_scoped3A_0[%add3A_69], %max3A_66 {add = true} : memref<40000xf32, #tpu.memory_space<vmem>>[vector<16xi32>], vector<16xf32>,
          %add3A_70 = arith.constant 2 : i32
          %add3A_71 = vector.broadcast %add3A_70 : i32 to vector<16xi32>
          %add3A_72 = arith.addi %mul3A_39, %add3A_71 : vector<16xi32>
          %gather3A_73 = tpu.vector_load_idx %run_scoped3A[%add3A_72] : memref<40000xf32, #tpu.memory_space<vmem>>[vector<16xi32>], vector<16xf32>,
          %max3A_74 = arith.constant 0.000000e+00 : f32
          %max3A_75 = vector.broadcast %max3A_74 : f32 to vector<16xf32>
          %max3A_76 = arith.maximumf %gather3A_73, %max3A_75 : vector<16xf32>
          %add3A_77 = arith.constant 2 : i32
          %add3A_78 = vector.broadcast %add3A_77 : i32 to vector<16xi32>
          %add3A_79 = arith.addi %mul3A_51, %add3A_78 : vector<16xi32>
          tpu.vector_store_idx %run_scoped3A_0[%add3A_79], %max3A_76 {add = true} : memref<40000xf32, #tpu.memory_space<vmem>>[vector<16xi32>], vector<16xf32>,
          %add3A_80 = arith.constant 3 : i32
          %add3A_81 = vector.broadcast %add3A_80 : i32 to vector<16xi32>
          %add3A_82 = arith.addi %mul3A_39, %add3A_81 : vector<16xi32>
          %gather3A_83 = tpu.vector_load_idx %run_scoped3A[%add3A_82] : memref<40000xf32, #tpu.memory_space<vmem>>[vector<16xi32>], vector<16xf32>,
          %max3A_84 = arith.constant 0.000000e+00 : f32
          %max3A_85 = vector.broadcast %max3A_84 : f32 to vector<16xf32>
          %max3A_86 = arith.maximumf %gather3A_83, %max3A_85 : vector<16xf32>
          %add3A_87 = arith.constant 3 : i32
          %add3A_88 = vector.broadcast %add3A_87 : i32 to vector<16xi32>
          %add3A_89 = arith.addi %mul3A_51, %add3A_88 : vector<16xi32>
          tpu.vector_store_idx %run_scoped3A_0[%add3A_89], %max3A_86 {add = true} : memref<40000xf32, #tpu.memory_space<vmem>>[vector<16xi32>], vector<16xf32>,
          %scan3A_90 = arith.constant 0 : i32
          scf.yield %scan3A_90 : i32
        }
        %scan3A_26 = arith.constant 125 : i32
        %scan3A_27 = arith.constant 0 : i32
        scf.yield %scan3A_27 : i32
      }
      %scan3A_15 = arith.constant 160 : i32
      "tpu.region"() ({
        %run_scoped3A_16 = tpu.sem_alloc : memref<!tpu.dma_semaphore, #tpu.memory_space<semaphore_mem>>
        %dma_start3A = arith.constant 0 : i32
        %dma_start3A_17 = tpu.memref_slice %arg7[%add3A, %dma_start3A] : memref<32x40000xf32, #tpu.memory_space<hbm>> -> memref<1x40000xf32, #tpu.memory_space<hbm>>
        %dma_start3A_18 = tpu.memref_squeeze %dma_start3A_17 : memref<1x40000xf32, #tpu.memory_space<hbm>> -> memref<40000xf32, #tpu.memory_space<hbm>>
        %dma_start3A_19 = arith.constant 0 : i32
        %dma_start3A_20 = tpu.memref_slice %arg7[%add3A, %dma_start3A_19] : memref<32x40000xf32, #tpu.memory_space<hbm>> -> memref<1x40000xf32, #tpu.memory_space<hbm>>
        %dma_start3A_21 = tpu.memref_squeeze %dma_start3A_20 : memref<1x40000xf32, #tpu.memory_space<hbm>> -> memref<40000xf32, #tpu.memory_space<hbm>>
        tpu.enqueue_dma source(%run_scoped3A_0 : memref<40000xf32, #tpu.memory_space<vmem>>) target(%dma_start3A_21 : memref<40000xf32, #tpu.memory_space<hbm>>) target_semaphore(%run_scoped3A_16 : memref<!tpu.dma_semaphore, #tpu.memory_space<semaphore_mem>>)
        %dma_wait3A = arith.constant 0 : i32
        %dma_wait3A_22 = tpu.memref_slice %arg7[%add3A, %dma_wait3A] : memref<32x40000xf32, #tpu.memory_space<hbm>> -> memref<1x40000xf32, #tpu.memory_space<hbm>>
        %dma_wait3A_23 = tpu.memref_squeeze %dma_wait3A_22 : memref<1x40000xf32, #tpu.memory_space<hbm>> -> memref<40000xf32, #tpu.memory_space<hbm>>
        %dma_wait3A_24 = arith.constant 0 : i32
        %dma_wait3A_25 = tpu.memref_slice %arg7[%add3A, %dma_wait3A_24] : memref<32x40000xf32, #tpu.memory_space<hbm>> -> memref<1x40000xf32, #tpu.memory_space<hbm>>
        %dma_wait3A_26 = tpu.memref_squeeze %dma_wait3A_25 : memref<1x40000xf32, #tpu.memory_space<hbm>> -> memref<40000xf32, #tpu.memory_space<hbm>>
        tpu.wait_dma2 semaphore(%run_scoped3A_16 : memref<!tpu.dma_semaphore, #tpu.memory_space<semaphore_mem>>) src(%run_scoped3A_0 : memref<40000xf32, #tpu.memory_space<vmem>>) dst(%dma_wait3A_26 : memref<40000xf32, #tpu.memory_space<hbm>>)
        tpu.yield
      }) : () -> ()
      tpu.yield
    }) : () -> ()
    return
  }
}

#map = affine_map<(d0, d1) -> (0, 0)>
#map1 = affine_map<(d0, d1) -> (0)>
module attributes {stable_mosaic.version = 14 : i64} {
  func.func @_seg_kernel(%arg0: i32, %arg1: i32, %arg2: memref<32x40000xf32, #tpu.memory_space<hbm>>, %arg3: memref<320000xi32, #tpu.memory_space<hbm>>, %arg4: memref<320000xi32, #tpu.memory_space<hbm>>, %arg5: memref<320000xi32, #tpu.memory_space<hbm>>, %arg6: memref<32x32xf32, #tpu.memory_space<hbm>>, %arg7: memref<32x40000xf32, #tpu.memory_space<hbm>>, %arg8: memref<2000xi32, #tpu.memory_space<vmem>>, %arg9: memref<2000xi32, #tpu.memory_space<vmem>>, %arg10: memref<2000xi32, #tpu.memory_space<vmem>>, %arg11: memref<!tpu.dma_semaphore, #tpu.memory_space<semaphore_mem>>) attributes {dimension_semantics = [#tpu.dimension_semantics<core_parallel>, #tpu.dimension_semantics<subcore_parallel>], iteration_bounds = array<i64: 2, 16>, scalar_prefetch = 0 : i64, scratch_operands = 4 : i64, tpu.core_type = #tpu.core_type<sc_vector_subcore>, window_params = [{transform_indices = #map}, {transform_indices = #map1}, {transform_indices = #map1}, {transform_indices = #map1}, {transform_indices = #map}, {transform_indices = #map}]} {
    "tpu.region"() ({
      %run_scoped3A = memref.alloca() : memref<40000xf32, #tpu.memory_space<vmem>>
      %run_scoped3A_0 = memref.alloca() : memref<40000xf32, #tpu.memory_space<vmem>>
      %run_scoped3A_1 = memref.alloca() : memref<32xf32, #tpu.memory_space<vmem>>
      %mul3A = arith.constant 16 : i32
      %mul3A_2 = arith.muli %arg0, %mul3A : i32
      %add3A = arith.addi %mul3A_2, %arg1 : i32
      "tpu.region"() ({
        %run_scoped3A_16 = tpu.sem_alloc : memref<!tpu.dma_semaphore, #tpu.memory_space<semaphore_mem>>
        %dma_start3A = arith.constant 0 : i32
        %dma_start3A_17 = tpu.memref_slice %arg2[%add3A, %dma_start3A] : memref<32x40000xf32, #tpu.memory_space<hbm>> -> memref<1x40000xf32, #tpu.memory_space<hbm>>
        %dma_start3A_18 = tpu.memref_squeeze %dma_start3A_17 : memref<1x40000xf32, #tpu.memory_space<hbm>> -> memref<40000xf32, #tpu.memory_space<hbm>>
        %dma_start3A_19 = arith.constant 0 : i32
        %dma_start3A_20 = tpu.memref_slice %arg2[%add3A, %dma_start3A_19] : memref<32x40000xf32, #tpu.memory_space<hbm>> -> memref<1x40000xf32, #tpu.memory_space<hbm>>
        %dma_start3A_21 = tpu.memref_squeeze %dma_start3A_20 : memref<1x40000xf32, #tpu.memory_space<hbm>> -> memref<40000xf32, #tpu.memory_space<hbm>>
        tpu.enqueue_dma source(%dma_start3A_21 : memref<40000xf32, #tpu.memory_space<hbm>>) target(%run_scoped3A : memref<40000xf32, #tpu.memory_space<vmem>>) target_semaphore(%run_scoped3A_16 : memref<!tpu.dma_semaphore, #tpu.memory_space<semaphore_mem>>)
        %dma_wait3A = arith.constant 0 : i32
        %dma_wait3A_22 = tpu.memref_slice %arg2[%add3A, %dma_wait3A] : memref<32x40000xf32, #tpu.memory_space<hbm>> -> memref<1x40000xf32, #tpu.memory_space<hbm>>
        %dma_wait3A_23 = tpu.memref_squeeze %dma_wait3A_22 : memref<1x40000xf32, #tpu.memory_space<hbm>> -> memref<40000xf32, #tpu.memory_space<hbm>>
        %dma_wait3A_24 = arith.constant 0 : i32
        %dma_wait3A_25 = tpu.memref_slice %arg2[%add3A, %dma_wait3A_24] : memref<32x40000xf32, #tpu.memory_space<hbm>> -> memref<1x40000xf32, #tpu.memory_space<hbm>>
        %dma_wait3A_26 = tpu.memref_squeeze %dma_wait3A_25 : memref<1x40000xf32, #tpu.memory_space<hbm>> -> memref<40000xf32, #tpu.memory_space<hbm>>
        tpu.wait_dma2 semaphore(%run_scoped3A_16 : memref<!tpu.dma_semaphore, #tpu.memory_space<semaphore_mem>>) src(%dma_wait3A_26 : memref<40000xf32, #tpu.memory_space<hbm>>) dst(%run_scoped3A : memref<40000xf32, #tpu.memory_space<vmem>>)
        tpu.yield
      }) : () -> ()
      %scan3A = arith.constant 0 : i32
      %scan3A_3 = arith.constant 0 : i32
      %scan3A_4 = arith.constant 2500 : i32
      %scan3A_5 = arith.addi %scan3A_3, %scan3A_4 : i32
      %scan3A_6 = arith.constant 1 : i32
      %scan3A_7 = scf.for %scan3A_16 = %scan3A_3 to %scan3A_5 step %scan3A_6 iter_args(%scan3A_17 = %scan3A) -> (i32)  : i32 {
        %broadcast_in_dim3A = arith.constant 0.000000e+00 : f32
        %broadcast_in_dim3A_18 = vector.broadcast %broadcast_in_dim3A : f32 to vector<16xf32>
        %mul3A_19 = arith.constant 16 : i32
        %mul3A_20 = arith.muli %scan3A_16, %mul3A_19 : i32
        %swap3A = arith.index_cast %mul3A_20 : i32 to index
        %swap3A_21 = tpu.vector_load %run_scoped3A_0[%swap3A] {strides = array<i32>} : memref<40000xf32, #tpu.memory_space<vmem>>, vector<16xf32>,
        tpu.vector_store %run_scoped3A_0[%swap3A], %broadcast_in_dim3A_18 {strides = array<i32>} : memref<40000xf32, #tpu.memory_space<vmem>>, vector<16xf32>,
        %scan3A_22 = arith.constant 0 : i32
        scf.yield %scan3A_22 : i32
      }
      %scan3A_8 = arith.constant 2500 : i32
      %scan3A_9 = arith.constant 0 : i32
      %scan3A_10 = arith.constant 0 : i32
      %scan3A_11 = arith.constant 160 : i32
      %scan3A_12 = arith.addi %scan3A_10, %scan3A_11 : i32
      %scan3A_13 = arith.constant 1 : i32
      %scan3A_14 = scf.for %scan3A_16 = %scan3A_10 to %scan3A_12 step %scan3A_13 iter_args(%scan3A_17 = %scan3A_9) -> (i32)  : i32 {
        %mul3A_18 = arith.constant 2000 : i32
        %mul3A_19 = arith.muli %scan3A_16, %mul3A_18 : i32
        "tpu.region"() ({
          %run_scoped3A_28 = tpu.sem_alloc : memref<!tpu.dma_semaphore, #tpu.memory_space<semaphore_mem>>
          %dma_start3A = tpu.memref_slice %arg3[%mul3A_19] : memref<320000xi32, #tpu.memory_space<hbm>> -> memref<2000xi32, #tpu.memory_space<hbm>>
          %dma_start3A_29 = tpu.memref_slice %arg3[%mul3A_19] : memref<320000xi32, #tpu.memory_space<hbm>> -> memref<2000xi32, #tpu.memory_space<hbm>>
          tpu.enqueue_dma source(%dma_start3A_29 : memref<2000xi32, #tpu.memory_space<hbm>>) target(%arg8 : memref<2000xi32, #tpu.memory_space<vmem>>) target_semaphore(%run_scoped3A_28 : memref<!tpu.dma_semaphore, #tpu.memory_space<semaphore_mem>>)
          %dma_wait3A = tpu.memref_slice %arg3[%mul3A_19] : memref<320000xi32, #tpu.memory_space<hbm>> -> memref<2000xi32, #tpu.memory_space<hbm>>
          %dma_wait3A_30 = tpu.memref_slice %arg3[%mul3A_19] : memref<320000xi32, #tpu.memory_space<hbm>> -> memref<2000xi32, #tpu.memory_space<hbm>>
          tpu.wait_dma2 semaphore(%run_scoped3A_28 : memref<!tpu.dma_semaphore, #tpu.memory_space<semaphore_mem>>) src(%dma_wait3A_30 : memref<2000xi32, #tpu.memory_space<hbm>>) dst(%arg8 : memref<2000xi32, #tpu.memory_space<vmem>>)
          tpu.yield
        }) : () -> ()
        "tpu.region"() ({
          %run_scoped3A_28 = tpu.sem_alloc : memref<!tpu.dma_semaphore, #tpu.memory_space<semaphore_mem>>
          %dma_start3A = tpu.memref_slice %arg4[%mul3A_19] : memref<320000xi32, #tpu.memory_space<hbm>> -> memref<2000xi32, #tpu.memory_space<hbm>>
          %dma_start3A_29 = tpu.memref_slice %arg4[%mul3A_19] : memref<320000xi32, #tpu.memory_space<hbm>> -> memref<2000xi32, #tpu.memory_space<hbm>>
          tpu.enqueue_dma source(%dma_start3A_29 : memref<2000xi32, #tpu.memory_space<hbm>>) target(%arg9 : memref<2000xi32, #tpu.memory_space<vmem>>) target_semaphore(%run_scoped3A_28 : memref<!tpu.dma_semaphore, #tpu.memory_space<semaphore_mem>>)
          %dma_wait3A = tpu.memref_slice %arg4[%mul3A_19] : memref<320000xi32, #tpu.memory_space<hbm>> -> memref<2000xi32, #tpu.memory_space<hbm>>
          %dma_wait3A_30 = tpu.memref_slice %arg4[%mul3A_19] : memref<320000xi32, #tpu.memory_space<hbm>> -> memref<2000xi32, #tpu.memory_space<hbm>>
          tpu.wait_dma2 semaphore(%run_scoped3A_28 : memref<!tpu.dma_semaphore, #tpu.memory_space<semaphore_mem>>) src(%dma_wait3A_30 : memref<2000xi32, #tpu.memory_space<hbm>>) dst(%arg9 : memref<2000xi32, #tpu.memory_space<vmem>>)
          tpu.yield
        }) : () -> ()
        %scan3A_20 = arith.constant 0 : i32
        %scan3A_21 = arith.constant 0 : i32
        %scan3A_22 = arith.constant 125 : i32
        %scan3A_23 = arith.addi %scan3A_21, %scan3A_22 : i32
        %scan3A_24 = arith.constant 1 : i32
        %scan3A_25 = scf.for %scan3A_28 = %scan3A_21 to %scan3A_23 step %scan3A_24 iter_args(%scan3A_29 = %scan3A_20) -> (i32)  : i32 {
          %mul3A_30 = arith.constant 16 : i32
          %mul3A_31 = arith.muli %scan3A_28, %mul3A_30 : i32
          %get3A = arith.index_cast %mul3A_31 : i32 to index
          %get3A_32 = tpu.vector_load %arg8[%get3A] {strides = array<i32>} : memref<2000xi32, #tpu.memory_space<vmem>>, vector<16xi32>,
          %rev3A = arith.constant 15 : i32
          %rev3A_33 = vector.broadcast %rev3A : i32 to vector<16xi32>
          %rev3A_34 = tpu.iota {dimensions = array<i32: 0>} : vector<16xi32>
          %rev3A_35 = arith.subi %rev3A_33, %rev3A_34 : vector<16xi32>
          %rev3A_36 = tpu.dynamic_gather %get3A_32[%rev3A_35] in [0] : vector<16xi32>, vector<16xi32> -> vector<16xi32>
          %mul3A_37 = arith.constant 4 : i32
          %mul3A_38 = vector.broadcast %mul3A_37 : i32 to vector<16xi32>
          %mul3A_39 = arith.muli %rev3A_36, %mul3A_38 : vector<16xi32>
          %mul3A_40 = arith.constant 16 : i32
          %mul3A_41 = arith.muli %scan3A_28, %mul3A_40 : i32
          %get3A_42 = arith.index_cast %mul3A_41 : i32 to index
          %get3A_43 = tpu.vector_load %arg9[%get3A_42] {strides = array<i32>} : memref<2000xi32, #tpu.memory_space<vmem>>, vector<16xi32>,
          %rev3A_44 = arith.constant 15 : i32
          %rev3A_45 = vector.broadcast %rev3A_44 : i32 to vector<16xi32>
          %rev3A_46 = tpu.iota {dimensions = array<i32: 0>} : vector<16xi32>
          %rev3A_47 = arith.subi %rev3A_45, %rev3A_46 : vector<16xi32>
          %rev3A_48 = tpu.dynamic_gather %get3A_43[%rev3A_47] in [0] : vector<16xi32>, vector<16xi32> -> vector<16xi32>
          %mul3A_49 = arith.constant 4 : i32
          %mul3A_50 = vector.broadcast %mul3A_49 : i32 to vector<16xi32>
          %mul3A_51 = arith.muli %rev3A_48, %mul3A_50 : vector<16xi32>
          %add3A_52 = arith.constant 0 : i32
          %add3A_53 = vector.broadcast %add3A_52 : i32 to vector<16xi32>
          %add3A_54 = arith.addi %mul3A_39, %add3A_53 : vector<16xi32>
          %gather3A = tpu.vector_load_idx %run_scoped3A[%add3A_54] : memref<40000xf32, #tpu.memory_space<vmem>>[vector<16xi32>], vector<16xf32>,
          %max3A = arith.constant 0.000000e+00 : f32
          %max3A_55 = vector.broadcast %max3A : f32 to vector<16xf32>
          %max3A_56 = arith.maximumf %gather3A, %max3A_55 : vector<16xf32>
          %add3A_57 = arith.constant 0 : i32
          %add3A_58 = vector.broadcast %add3A_57 : i32 to vector<16xi32>
          %add3A_59 = arith.addi %mul3A_51, %add3A_58 : vector<16xi32>
          tpu.vector_store_idx %run_scoped3A_0[%add3A_59], %max3A_56 {add = true} : memref<40000xf32, #tpu.memory_space<vmem>>[vector<16xi32>], vector<16xf32>,
          %add3A_60 = arith.constant 1 : i32
          %add3A_61 = vector.broadcast %add3A_60 : i32 to vector<16xi32>
          %add3A_62 = arith.addi %mul3A_39, %add3A_61 : vector<16xi32>
          %gather3A_63 = tpu.vector_load_idx %run_scoped3A[%add3A_62] : memref<40000xf32, #tpu.memory_space<vmem>>[vector<16xi32>], vector<16xf32>,
          %max3A_64 = arith.constant 0.000000e+00 : f32
          %max3A_65 = vector.broadcast %max3A_64 : f32 to vector<16xf32>
          %max3A_66 = arith.maximumf %gather3A_63, %max3A_65 : vector<16xf32>
          %add3A_67 = arith.constant 1 : i32
          %add3A_68 = vector.broadcast %add3A_67 : i32 to vector<16xi32>
          %add3A_69 = arith.addi %mul3A_51, %add3A_68 : vector<16xi32>
          tpu.vector_store_idx %run_scoped3A_0[%add3A_69], %max3A_66 {add = true} : memref<40000xf32, #tpu.memory_space<vmem>>[vector<16xi32>], vector<16xf32>,
          %add3A_70 = arith.constant 2 : i32
          %add3A_71 = vector.broadcast %add3A_70 : i32 to vector<16xi32>
          %add3A_72 = arith.addi %mul3A_39, %add3A_71 : vector<16xi32>
          %gather3A_73 = tpu.vector_load_idx %run_scoped3A[%add3A_72] : memref<40000xf32, #tpu.memory_space<vmem>>[vector<16xi32>], vector<16xf32>,
          %max3A_74 = arith.constant 0.000000e+00 : f32
          %max3A_75 = vector.broadcast %max3A_74 : f32 to vector<16xf32>
          %max3A_76 = arith.maximumf %gather3A_73, %max3A_75 : vector<16xf32>
          %add3A_77 = arith.constant 2 : i32
          %add3A_78 = vector.broadcast %add3A_77 : i32 to vector<16xi32>
          %add3A_79 = arith.addi %mul3A_51, %add3A_78 : vector<16xi32>
          tpu.vector_store_idx %run_scoped3A_0[%add3A_79], %max3A_76 {add = true} : memref<40000xf32, #tpu.memory_space<vmem>>[vector<16xi32>], vector<16xf32>,
          %add3A_80 = arith.constant 3 : i32
          %add3A_81 = vector.broadcast %add3A_80 : i32 to vector<16xi32>
          %add3A_82 = arith.addi %mul3A_39, %add3A_81 : vector<16xi32>
          %gather3A_83 = tpu.vector_load_idx %run_scoped3A[%add3A_82] : memref<40000xf32, #tpu.memory_space<vmem>>[vector<16xi32>], vector<16xf32>,
          %max3A_84 = arith.constant 0.000000e+00 : f32
          %max3A_85 = vector.broadcast %max3A_84 : f32 to vector<16xf32>
          %max3A_86 = arith.maximumf %gather3A_83, %max3A_85 : vector<16xf32>
          %add3A_87 = arith.constant 3 : i32
          %add3A_88 = vector.broadcast %add3A_87 : i32 to vector<16xi32>
          %add3A_89 = arith.addi %mul3A_51, %add3A_88 : vector<16xi32>
          tpu.vector_store_idx %run_scoped3A_0[%add3A_89], %max3A_86 {add = true} : memref<40000xf32, #tpu.memory_space<vmem>>[vector<16xi32>], vector<16xf32>,
          %scan3A_90 = arith.constant 0 : i32
          scf.yield %scan3A_90 : i32
        }
        %scan3A_26 = arith.constant 125 : i32
        %scan3A_27 = arith.constant 0 : i32
        scf.yield %scan3A_27 : i32
      }
      %scan3A_15 = arith.constant 160 : i32
      "tpu.region"() ({
        %run_scoped3A_16 = tpu.sem_alloc : memref<!tpu.dma_semaphore, #tpu.memory_space<semaphore_mem>>
        %dma_start3A = arith.constant 0 : i32
        %dma_start3A_17 = tpu.memref_slice %arg7[%add3A, %dma_start3A] : memref<32x40000xf32, #tpu.memory_space<hbm>> -> memref<1x40000xf32, #tpu.memory_space<hbm>>
        %dma_start3A_18 = tpu.memref_squeeze %dma_start3A_17 : memref<1x40000xf32, #tpu.memory_space<hbm>> -> memref<40000xf32, #tpu.memory_space<hbm>>
        %dma_start3A_19 = arith.constant 0 : i32
        %dma_start3A_20 = tpu.memref_slice %arg7[%add3A, %dma_start3A_19] : memref<32x40000xf32, #tpu.memory_space<hbm>> -> memref<1x40000xf32, #tpu.memory_space<hbm>>
        %dma_start3A_21 = tpu.memref_squeeze %dma_start3A_20 : memref<1x40000xf32, #tpu.memory_space<hbm>> -> memref<40000xf32, #tpu.memory_space<hbm>>
        tpu.enqueue_dma source(%run_scoped3A_0 : memref<40000xf32, #tpu.memory_space<vmem>>) target(%dma_start3A_21 : memref<40000xf32, #tpu.memory_space<hbm>>) target_semaphore(%run_scoped3A_16 : memref<!tpu.dma_semaphore, #tpu.memory_space<semaphore_mem>>)
        %dma_wait3A = arith.constant 0 : i32
        %dma_wait3A_22 = tpu.memref_slice %arg7[%add3A, %dma_wait3A] : memref<32x40000xf32, #tpu.memory_space<hbm>> -> memref<1x40000xf32, #tpu.memory_space<hbm>>
        %dma_wait3A_23 = tpu.memref_squeeze %dma_wait3A_22 : memref<1x40000xf32, #tpu.memory_space<hbm>> -> memref<40000xf32, #tpu.memory_space<hbm>>
        %dma_wait3A_24 = arith.constant 0 : i32
        %dma_wait3A_25 = tpu.memref_slice %arg7[%add3A, %dma_wait3A_24] : memref<32x40000xf32, #tpu.memory_space<hbm>> -> memref<1x40000xf32, #tpu.memory_space<hbm>>
        %dma_wait3A_26 = tpu.memref_squeeze %dma_wait3A_25 : memref<1x40000xf32, #tpu.memory_space<hbm>> -> memref<40000xf32, #tpu.memory_space<hbm>>
        tpu.wait_dma2 semaphore(%run_scoped3A_16 : memref<!tpu.dma_semaphore, #tpu.memory_space<semaphore_mem>>) src(%run_scoped3A_0 : memref<40000xf32, #tpu.memory_space<vmem>>) dst(%dma_wait3A_26 : memref<40000xf32, #tpu.memory_space<hbm>>)
        tpu.yield
      }) : () -> ()
      tpu.yield
    }) : () -> ()
    return
  }
}

#map = affine_map<(d0, d1) -> (0, 0)>
#map1 = affine_map<(d0, d1) -> (0)>
module attributes {stable_mosaic.version = 14 : i64} {
  func.func @_seg_kernel(%arg0: i32, %arg1: i32, %arg2: memref<32x40000xf32, #tpu.memory_space<hbm>>, %arg3: memref<320000xi32, #tpu.memory_space<hbm>>, %arg4: memref<320000xi32, #tpu.memory_space<hbm>>, %arg5: memref<320000xi32, #tpu.memory_space<hbm>>, %arg6: memref<32x32xf32, #tpu.memory_space<hbm>>, %arg7: memref<32x40000xf32, #tpu.memory_space<hbm>>, %arg8: memref<2000xi32, #tpu.memory_space<vmem>>, %arg9: memref<2000xi32, #tpu.memory_space<vmem>>, %arg10: memref<2000xi32, #tpu.memory_space<vmem>>, %arg11: memref<!tpu.dma_semaphore, #tpu.memory_space<semaphore_mem>>) attributes {dimension_semantics = [#tpu.dimension_semantics<core_parallel>, #tpu.dimension_semantics<subcore_parallel>], iteration_bounds = array<i64: 2, 16>, scalar_prefetch = 0 : i64, scratch_operands = 4 : i64, tpu.core_type = #tpu.core_type<sc_vector_subcore>, window_params = [{transform_indices = #map}, {transform_indices = #map1}, {transform_indices = #map1}, {transform_indices = #map1}, {transform_indices = #map}, {transform_indices = #map}]} {
    "tpu.region"() ({
      %run_scoped3A = memref.alloca() : memref<40000xf32, #tpu.memory_space<vmem>>
      %run_scoped3A_0 = memref.alloca() : memref<40000xf32, #tpu.memory_space<vmem>>
      %run_scoped3A_1 = memref.alloca() : memref<32xf32, #tpu.memory_space<vmem>>
      %mul3A = arith.constant 16 : i32
      %mul3A_2 = arith.muli %arg0, %mul3A : i32
      %add3A = arith.addi %mul3A_2, %arg1 : i32
      "tpu.region"() ({
        %run_scoped3A_16 = tpu.sem_alloc : memref<!tpu.dma_semaphore, #tpu.memory_space<semaphore_mem>>
        %dma_start3A = arith.constant 0 : i32
        %dma_start3A_17 = tpu.memref_slice %arg2[%add3A, %dma_start3A] : memref<32x40000xf32, #tpu.memory_space<hbm>> -> memref<1x40000xf32, #tpu.memory_space<hbm>>
        %dma_start3A_18 = tpu.memref_squeeze %dma_start3A_17 : memref<1x40000xf32, #tpu.memory_space<hbm>> -> memref<40000xf32, #tpu.memory_space<hbm>>
        %dma_start3A_19 = arith.constant 0 : i32
        %dma_start3A_20 = tpu.memref_slice %arg2[%add3A, %dma_start3A_19] : memref<32x40000xf32, #tpu.memory_space<hbm>> -> memref<1x40000xf32, #tpu.memory_space<hbm>>
        %dma_start3A_21 = tpu.memref_squeeze %dma_start3A_20 : memref<1x40000xf32, #tpu.memory_space<hbm>> -> memref<40000xf32, #tpu.memory_space<hbm>>
        tpu.enqueue_dma source(%dma_start3A_21 : memref<40000xf32, #tpu.memory_space<hbm>>) target(%run_scoped3A : memref<40000xf32, #tpu.memory_space<vmem>>) target_semaphore(%run_scoped3A_16 : memref<!tpu.dma_semaphore, #tpu.memory_space<semaphore_mem>>)
        %dma_wait3A = arith.constant 0 : i32
        %dma_wait3A_22 = tpu.memref_slice %arg2[%add3A, %dma_wait3A] : memref<32x40000xf32, #tpu.memory_space<hbm>> -> memref<1x40000xf32, #tpu.memory_space<hbm>>
        %dma_wait3A_23 = tpu.memref_squeeze %dma_wait3A_22 : memref<1x40000xf32, #tpu.memory_space<hbm>> -> memref<40000xf32, #tpu.memory_space<hbm>>
        %dma_wait3A_24 = arith.constant 0 : i32
        %dma_wait3A_25 = tpu.memref_slice %arg2[%add3A, %dma_wait3A_24] : memref<32x40000xf32, #tpu.memory_space<hbm>> -> memref<1x40000xf32, #tpu.memory_space<hbm>>
        %dma_wait3A_26 = tpu.memref_squeeze %dma_wait3A_25 : memref<1x40000xf32, #tpu.memory_space<hbm>> -> memref<40000xf32, #tpu.memory_space<hbm>>
        tpu.wait_dma2 semaphore(%run_scoped3A_16 : memref<!tpu.dma_semaphore, #tpu.memory_space<semaphore_mem>>) src(%dma_wait3A_26 : memref<40000xf32, #tpu.memory_space<hbm>>) dst(%run_scoped3A : memref<40000xf32, #tpu.memory_space<vmem>>)
        tpu.yield
      }) : () -> ()
      %scan3A = arith.constant 0 : i32
      %scan3A_3 = arith.constant 0 : i32
      %scan3A_4 = arith.constant 2500 : i32
      %scan3A_5 = arith.addi %scan3A_3, %scan3A_4 : i32
      %scan3A_6 = arith.constant 1 : i32
      %scan3A_7 = scf.for %scan3A_16 = %scan3A_3 to %scan3A_5 step %scan3A_6 iter_args(%scan3A_17 = %scan3A) -> (i32)  : i32 {
        %broadcast_in_dim3A = arith.constant 0.000000e+00 : f32
        %broadcast_in_dim3A_18 = vector.broadcast %broadcast_in_dim3A : f32 to vector<16xf32>
        %mul3A_19 = arith.constant 16 : i32
        %mul3A_20 = arith.muli %scan3A_16, %mul3A_19 : i32
        %swap3A = arith.index_cast %mul3A_20 : i32 to index
        %swap3A_21 = tpu.vector_load %run_scoped3A_0[%swap3A] {strides = array<i32>} : memref<40000xf32, #tpu.memory_space<vmem>>, vector<16xf32>,
        tpu.vector_store %run_scoped3A_0[%swap3A], %broadcast_in_dim3A_18 {strides = array<i32>} : memref<40000xf32, #tpu.memory_space<vmem>>, vector<16xf32>,
        %scan3A_22 = arith.constant 0 : i32
        scf.yield %scan3A_22 : i32
      }
      %scan3A_8 = arith.constant 2500 : i32
      %scan3A_9 = arith.constant 0 : i32
      %scan3A_10 = arith.constant 0 : i32
      %scan3A_11 = arith.constant 160 : i32
      %scan3A_12 = arith.addi %scan3A_10, %scan3A_11 : i32
      %scan3A_13 = arith.constant 1 : i32
      %scan3A_14 = scf.for %scan3A_16 = %scan3A_10 to %scan3A_12 step %scan3A_13 iter_args(%scan3A_17 = %scan3A_9) -> (i32)  : i32 {
        %mul3A_18 = arith.constant 2000 : i32
        %mul3A_19 = arith.muli %scan3A_16, %mul3A_18 : i32
        "tpu.region"() ({
          %run_scoped3A_28 = tpu.sem_alloc : memref<!tpu.dma_semaphore, #tpu.memory_space<semaphore_mem>>
          %dma_start3A = tpu.memref_slice %arg3[%mul3A_19] : memref<320000xi32, #tpu.memory_space<hbm>> -> memref<2000xi32, #tpu.memory_space<hbm>>
          %dma_start3A_29 = tpu.memref_slice %arg3[%mul3A_19] : memref<320000xi32, #tpu.memory_space<hbm>> -> memref<2000xi32, #tpu.memory_space<hbm>>
          tpu.enqueue_dma source(%dma_start3A_29 : memref<2000xi32, #tpu.memory_space<hbm>>) target(%arg8 : memref<2000xi32, #tpu.memory_space<vmem>>) target_semaphore(%run_scoped3A_28 : memref<!tpu.dma_semaphore, #tpu.memory_space<semaphore_mem>>)
          %dma_wait3A = tpu.memref_slice %arg3[%mul3A_19] : memref<320000xi32, #tpu.memory_space<hbm>> -> memref<2000xi32, #tpu.memory_space<hbm>>
          %dma_wait3A_30 = tpu.memref_slice %arg3[%mul3A_19] : memref<320000xi32, #tpu.memory_space<hbm>> -> memref<2000xi32, #tpu.memory_space<hbm>>
          tpu.wait_dma2 semaphore(%run_scoped3A_28 : memref<!tpu.dma_semaphore, #tpu.memory_space<semaphore_mem>>) src(%dma_wait3A_30 : memref<2000xi32, #tpu.memory_space<hbm>>) dst(%arg8 : memref<2000xi32, #tpu.memory_space<vmem>>)
          tpu.yield
        }) : () -> ()
        "tpu.region"() ({
          %run_scoped3A_28 = tpu.sem_alloc : memref<!tpu.dma_semaphore, #tpu.memory_space<semaphore_mem>>
          %dma_start3A = tpu.memref_slice %arg4[%mul3A_19] : memref<320000xi32, #tpu.memory_space<hbm>> -> memref<2000xi32, #tpu.memory_space<hbm>>
          %dma_start3A_29 = tpu.memref_slice %arg4[%mul3A_19] : memref<320000xi32, #tpu.memory_space<hbm>> -> memref<2000xi32, #tpu.memory_space<hbm>>
          tpu.enqueue_dma source(%dma_start3A_29 : memref<2000xi32, #tpu.memory_space<hbm>>) target(%arg9 : memref<2000xi32, #tpu.memory_space<vmem>>) target_semaphore(%run_scoped3A_28 : memref<!tpu.dma_semaphore, #tpu.memory_space<semaphore_mem>>)
          %dma_wait3A = tpu.memref_slice %arg4[%mul3A_19] : memref<320000xi32, #tpu.memory_space<hbm>> -> memref<2000xi32, #tpu.memory_space<hbm>>
          %dma_wait3A_30 = tpu.memref_slice %arg4[%mul3A_19] : memref<320000xi32, #tpu.memory_space<hbm>> -> memref<2000xi32, #tpu.memory_space<hbm>>
          tpu.wait_dma2 semaphore(%run_scoped3A_28 : memref<!tpu.dma_semaphore, #tpu.memory_space<semaphore_mem>>) src(%dma_wait3A_30 : memref<2000xi32, #tpu.memory_space<hbm>>) dst(%arg9 : memref<2000xi32, #tpu.memory_space<vmem>>)
          tpu.yield
        }) : () -> ()
        %scan3A_20 = arith.constant 0 : i32
        %scan3A_21 = arith.constant 0 : i32
        %scan3A_22 = arith.constant 125 : i32
        %scan3A_23 = arith.addi %scan3A_21, %scan3A_22 : i32
        %scan3A_24 = arith.constant 1 : i32
        %scan3A_25 = scf.for %scan3A_28 = %scan3A_21 to %scan3A_23 step %scan3A_24 iter_args(%scan3A_29 = %scan3A_20) -> (i32)  : i32 {
          %mul3A_30 = arith.constant 16 : i32
          %mul3A_31 = arith.muli %scan3A_28, %mul3A_30 : i32
          %get3A = arith.index_cast %mul3A_31 : i32 to index
          %get3A_32 = tpu.vector_load %arg8[%get3A] {strides = array<i32>} : memref<2000xi32, #tpu.memory_space<vmem>>, vector<16xi32>,
          %rev3A = arith.constant 15 : i32
          %rev3A_33 = vector.broadcast %rev3A : i32 to vector<16xi32>
          %rev3A_34 = tpu.iota {dimensions = array<i32: 0>} : vector<16xi32>
          %rev3A_35 = arith.subi %rev3A_33, %rev3A_34 : vector<16xi32>
          %rev3A_36 = tpu.dynamic_gather %get3A_32[%rev3A_35] in [0] : vector<16xi32>, vector<16xi32> -> vector<16xi32>
          %mul3A_37 = arith.constant 4 : i32
          %mul3A_38 = vector.broadcast %mul3A_37 : i32 to vector<16xi32>
          %mul3A_39 = arith.muli %rev3A_36, %mul3A_38 : vector<16xi32>
          %mul3A_40 = arith.constant 16 : i32
          %mul3A_41 = arith.muli %scan3A_28, %mul3A_40 : i32
          %get3A_42 = arith.index_cast %mul3A_41 : i32 to index
          %get3A_43 = tpu.vector_load %arg9[%get3A_42] {strides = array<i32>} : memref<2000xi32, #tpu.memory_space<vmem>>, vector<16xi32>,
          %rev3A_44 = arith.constant 15 : i32
          %rev3A_45 = vector.broadcast %rev3A_44 : i32 to vector<16xi32>
          %rev3A_46 = tpu.iota {dimensions = array<i32: 0>} : vector<16xi32>
          %rev3A_47 = arith.subi %rev3A_45, %rev3A_46 : vector<16xi32>
          %rev3A_48 = tpu.dynamic_gather %get3A_43[%rev3A_47] in [0] : vector<16xi32>, vector<16xi32> -> vector<16xi32>
          %mul3A_49 = arith.constant 4 : i32
          %mul3A_50 = vector.broadcast %mul3A_49 : i32 to vector<16xi32>
          %mul3A_51 = arith.muli %rev3A_48, %mul3A_50 : vector<16xi32>
          %add3A_52 = arith.constant 0 : i32
          %add3A_53 = vector.broadcast %add3A_52 : i32 to vector<16xi32>
          %add3A_54 = arith.addi %mul3A_39, %add3A_53 : vector<16xi32>
          %gather3A = tpu.vector_load_idx %run_scoped3A[%add3A_54] : memref<40000xf32, #tpu.memory_space<vmem>>[vector<16xi32>], vector<16xf32>,
          %max3A = arith.constant 0.000000e+00 : f32
          %max3A_55 = vector.broadcast %max3A : f32 to vector<16xf32>
          %max3A_56 = arith.maximumf %gather3A, %max3A_55 : vector<16xf32>
          %add3A_57 = arith.constant 0 : i32
          %add3A_58 = vector.broadcast %add3A_57 : i32 to vector<16xi32>
          %add3A_59 = arith.addi %mul3A_51, %add3A_58 : vector<16xi32>
          tpu.vector_store_idx %run_scoped3A_0[%add3A_59], %max3A_56 {add = true} : memref<40000xf32, #tpu.memory_space<vmem>>[vector<16xi32>], vector<16xf32>,
          %add3A_60 = arith.constant 1 : i32
          %add3A_61 = vector.broadcast %add3A_60 : i32 to vector<16xi32>
          %add3A_62 = arith.addi %mul3A_39, %add3A_61 : vector<16xi32>
          %gather3A_63 = tpu.vector_load_idx %run_scoped3A[%add3A_62] : memref<40000xf32, #tpu.memory_space<vmem>>[vector<16xi32>], vector<16xf32>,
          %max3A_64 = arith.constant 0.000000e+00 : f32
          %max3A_65 = vector.broadcast %max3A_64 : f32 to vector<16xf32>
          %max3A_66 = arith.maximumf %gather3A_63, %max3A_65 : vector<16xf32>
          %add3A_67 = arith.constant 1 : i32
          %add3A_68 = vector.broadcast %add3A_67 : i32 to vector<16xi32>
          %add3A_69 = arith.addi %mul3A_51, %add3A_68 : vector<16xi32>
          tpu.vector_store_idx %run_scoped3A_0[%add3A_69], %max3A_66 {add = true} : memref<40000xf32, #tpu.memory_space<vmem>>[vector<16xi32>], vector<16xf32>,
          %add3A_70 = arith.constant 2 : i32
          %add3A_71 = vector.broadcast %add3A_70 : i32 to vector<16xi32>
          %add3A_72 = arith.addi %mul3A_39, %add3A_71 : vector<16xi32>
          %gather3A_73 = tpu.vector_load_idx %run_scoped3A[%add3A_72] : memref<40000xf32, #tpu.memory_space<vmem>>[vector<16xi32>], vector<16xf32>,
          %max3A_74 = arith.constant 0.000000e+00 : f32
          %max3A_75 = vector.broadcast %max3A_74 : f32 to vector<16xf32>
          %max3A_76 = arith.maximumf %gather3A_73, %max3A_75 : vector<16xf32>
          %add3A_77 = arith.constant 2 : i32
          %add3A_78 = vector.broadcast %add3A_77 : i32 to vector<16xi32>
          %add3A_79 = arith.addi %mul3A_51, %add3A_78 : vector<16xi32>
          tpu.vector_store_idx %run_scoped3A_0[%add3A_79], %max3A_76 {add = true} : memref<40000xf32, #tpu.memory_space<vmem>>[vector<16xi32>], vector<16xf32>,
          %add3A_80 = arith.constant 3 : i32
          %add3A_81 = vector.broadcast %add3A_80 : i32 to vector<16xi32>
          %add3A_82 = arith.addi %mul3A_39, %add3A_81 : vector<16xi32>
          %gather3A_83 = tpu.vector_load_idx %run_scoped3A[%add3A_82] : memref<40000xf32, #tpu.memory_space<vmem>>[vector<16xi32>], vector<16xf32>,
          %max3A_84 = arith.constant 0.000000e+00 : f32
          %max3A_85 = vector.broadcast %max3A_84 : f32 to vector<16xf32>
          %max3A_86 = arith.maximumf %gather3A_83, %max3A_85 : vector<16xf32>
          %add3A_87 = arith.constant 3 : i32
          %add3A_88 = vector.broadcast %add3A_87 : i32 to vector<16xi32>
          %add3A_89 = arith.addi %mul3A_51, %add3A_88 : vector<16xi32>
          tpu.vector_store_idx %run_scoped3A_0[%add3A_89], %max3A_86 {add = true} : memref<40000xf32, #tpu.memory_space<vmem>>[vector<16xi32>], vector<16xf32>,
          %scan3A_90 = arith.constant 0 : i32
          scf.yield %scan3A_90 : i32
        }
        %scan3A_26 = arith.constant 125 : i32
        %scan3A_27 = arith.constant 0 : i32
        scf.yield %scan3A_27 : i32
      }
      %scan3A_15 = arith.constant 160 : i32
      "tpu.region"() ({
        %run_scoped3A_16 = tpu.sem_alloc : memref<!tpu.dma_semaphore, #tpu.memory_space<semaphore_mem>>
        %dma_start3A = arith.constant 0 : i32
        %dma_start3A_17 = tpu.memref_slice %arg7[%add3A, %dma_start3A] : memref<32x40000xf32, #tpu.memory_space<hbm>> -> memref<1x40000xf32, #tpu.memory_space<hbm>>
        %dma_start3A_18 = tpu.memref_squeeze %dma_start3A_17 : memref<1x40000xf32, #tpu.memory_space<hbm>> -> memref<40000xf32, #tpu.memory_space<hbm>>
        %dma_start3A_19 = arith.constant 0 : i32
        %dma_start3A_20 = tpu.memref_slice %arg7[%add3A, %dma_start3A_19] : memref<32x40000xf32, #tpu.memory_space<hbm>> -> memref<1x40000xf32, #tpu.memory_space<hbm>>
        %dma_start3A_21 = tpu.memref_squeeze %dma_start3A_20 : memref<1x40000xf32, #tpu.memory_space<hbm>> -> memref<40000xf32, #tpu.memory_space<hbm>>
        tpu.enqueue_dma source(%run_scoped3A_0 : memref<40000xf32, #tpu.memory_space<vmem>>) target(%dma_start3A_21 : memref<40000xf32, #tpu.memory_space<hbm>>) target_semaphore(%run_scoped3A_16 : memref<!tpu.dma_semaphore, #tpu.memory_space<semaphore_mem>>)
        %dma_wait3A = arith.constant 0 : i32
        %dma_wait3A_22 = tpu.memref_slice %arg7[%add3A, %dma_wait3A] : memref<32x40000xf32, #tpu.memory_space<hbm>> -> memref<1x40000xf32, #tpu.memory_space<hbm>>
        %dma_wait3A_23 = tpu.memref_squeeze %dma_wait3A_22 : memref<1x40000xf32, #tpu.memory_space<hbm>> -> memref<40000xf32, #tpu.memory_space<hbm>>
        %dma_wait3A_24 = arith.constant 0 : i32
        %dma_wait3A_25 = tpu.memref_slice %arg7[%add3A, %dma_wait3A_24] : memref<32x40000xf32, #tpu.memory_space<hbm>> -> memref<1x40000xf32, #tpu.memory_space<hbm>>
        %dma_wait3A_26 = tpu.memref_squeeze %dma_wait3A_25 : memref<1x40000xf32, #tpu.memory_space<hbm>> -> memref<40000xf32, #tpu.memory_space<hbm>>
        tpu.wait_dma2 semaphore(%run_scoped3A_16 : memref<!tpu.dma_semaphore, #tpu.memory_space<semaphore_mem>>) src(%run_scoped3A_0 : memref<40000xf32, #tpu.memory_space<vmem>>) dst(%dma_wait3A_26 : memref<40000xf32, #tpu.memory_space<hbm>>)
        tpu.yield
      }) : () -> ()
      tpu.yield
    }) : () -> ()
    return
  }
}

module attributes {stable_mosaic.version = 14 : i64} {
  func.func @_copy_kernel(%arg0: memref<10000x128xf32, #tpu.memory_space<vmem>>, %arg1: memref<10000x128xf32, #tpu.memory_space<vmem>>) attributes {dimension_semantics = [], scalar_prefetch = 0 : i64, scratch_operands = 0 : i64, tpu.core_type = #tpu.core_type<tc>} {
    %get3A = arith.constant 0 : index
    %get3A_0 = arith.constant 0 : index
    %get3A_1 = vector.load %arg0[%get3A, %get3A_0] : memref<10000x128xf32, #tpu.memory_space<vmem>>, vector<10000x128xf32>
    %swap3A = arith.constant 0 : index
    %swap3A_2 = arith.constant 0 : index
    %swap3A_3 = vector.load %arg1[%swap3A, %swap3A_2] : memref<10000x128xf32, #tpu.memory_space<vmem>>, vector<10000x128xf32>
    tpu.vector_store %arg1[%swap3A, %swap3A_2], %get3A_1 {strides = array<i32>} : memref<10000x128xf32, #tpu.memory_space<vmem>>, vector<10000x128xf32>,
    return
  }
}

</mosaic_0001>

<sc_bundles>
// kernel: kernel.12.cloned.1.call-start
scs
__scs_entry_jumppad:
0x0: {  	(pc) =	sbr.rel $0x88, $3  }
0x1: {  	(tag) =	ssettag $0x0;
	lr =	simm.s32 $0x1  }
0x2: {  	[smem:$0x3F8D] =	sst lr;
	_ =	strace $0xD0000000  }
0x3: {  	_ = 	snop  }
0x4: {  	_ = 	snop  }
0x5: {  	_ = 	snop  }
0x6: {  	_ = 	snop  }
0x7: {  	_ = 	snop  }
__scs_overlays_trampoline_lowered:
0x8: {  	[smem:$0x3F9C] =	sst s0  }
0x9: {  	[smem:$0x3F9D] =	sst s1  }
0xa: {  	[smem:$0x3F9E] =	sst s2  }
0xb: {  	[smem:$0x3F9F] =	sst s3  }
0xc: {  	[smem:$0x3FA0] =	sst s4  }
0xd: {  	[smem:$0x3FA1] =	sst s5  }
0xe: {  	[smem:$0x3FA2] =	sst s6  }
0xf: {  	[smem:$0x3FA3] =	sst s7  }
0x10: {  	[smem:$0x3FA4] =	sst s8  }
0x11: {  	[smem:$0x3FA5] =	sst s9;
	s0 =	simm.s32 @!p0 $0x0  }
0x12: {  	s1 =	sld [smem:$0x3F8B];
	s0 =	simm.s32 @p0 $0x1  }
0x13: {  	[smem:$0x3FA6] =	sst s0;
	s0 =	simm.s32 @!p1 $0x0  }
0x14: {  	s2 =	sld [smem:$0x3F8A];
	s0 =	simm.s32 @p1 $0x1  }
0x15: {  	[smem:$0x3FA7] =	sst s0;
	s0 =	simm.s32 @!p2 $0x0  }
0x16: {  	s3 =	sld [smem:$0x3FDB];
	s0 =	simm.s32 @p2 $0x1  }
0x17: {  	s4 =	simm.s32 $0x1BF5;
	[smem:$0x3FA9] =	sst s0  }
0x18: {  	s0 =	sld [smem:$0x3F8C];
	_ =	swait.ge [sflag:s4], $0x0  }
0x19: {  	s7 =	sld [smem:$0x3F8D]  }
0x1a: {  	s8 =	sadd.s32 $0xFFFFE003, lr  }
0x1b: {  	s9 =	sadd.s32 $0xFFFFFEF7, lr;
	s5 =	simm.s32 $0xFFFFFFFF;
	p2 =	slt.u32 s8, $0xFFFFF086  }
0x1c: {  	p1 =	slt.u32 s9, $0xF7A;
	s5 =	simm.s32 @!p2 $0x0  }
0x1d: {  	s5 =	simm.s32 @p1 $0x1;
	p0 =	seq.s32 s7, s2  }
0x1e: {  	s7 =	smul.u32 @!p0 $0xF7A, s2;
	p2 =	seq.s32 @!p0 s5, $0x0  }
0x1f: {  	s9 =	smul.u32 $0xF7A, s1;
	s8 =	simm.s32 @!p0 $0x1BF5;
	p2 =	por !p2, p0  }
0x20: {  	[sflag:s8] =	ssyncset.s32 @!p0 $0xFFFFF086;
	s6 =	sadd.s32 @!p0 s3, s7;
	s7 =	simm.s32 @!p0 $0x108  }
0x21: {  	s3 =	sadd.s32 s3, s9;
	s6 =	sadd.s32 @!p0 $0x88, s6;
	s7 =	simm.s32 @p2 $0x1082  }
0x22: {  	[simem:s7], [sflag:s8] =	dma.local @!p0 [hbm:s6], $0xF7A  }
0x23: {  	s9 =	sor.u32 $0xD0000000, s2;
	s6 =	simm.s32 $0x108;
	_ =	swait.ge @!p0 [sflag:s8], $0x0  }
0x24: {  	s3 =	sadd.s32 $0x88, s3;
	s6 =	simm.s32 @!p1 $0x1082;
	[sflag:s4] =	ssyncset.s32 $0xFFFFF086  }
0x25: {  	[simem:s6], [sflag:s4] =	dma.local [hbm:s3], $0xF7A  }
0x26: {  	[smem:$0x3F8D] =	sst s1;
	(tag) =	ssettag s2;
	_ =	strace s9  }
0x27: {  	s1 =	sld [smem:$0x3F9D]  }
0x28: {  	s2 =	sld [smem:$0x3F9E]  }
0x29: {  	s4 =	sld [smem:$0x3FA0]  }
0x2a: {  	p0 =	seq.s32 s5, $0x0;
	s5 =	sld [smem:$0x3FA1]  }
0x2b: {  	s6 =	sld [smem:$0x3FA2]  }
0x2c: {  	s7 =	sld [smem:$0x3FA3]  }
0x2d: {  	s3 =	simm.s32 $0x108;
	s8 =	sld [smem:$0x3FA4]  }
0x2e: {  	s3 =	simm.s32 @!p0 $0x1082;
	s9 =	sld [smem:$0x3FA5]  }
0x2f: {  	lr =	sadd.s32 s0, s3;
	s0 =	sld [smem:$0x3F9C]  }
0x30: {  	s3 =	sld [smem:$0x3F9F]  }
0x31: {  	[smem:$0x3FA8] =	sst s10  }
0x32: {  	s10 =	sld [smem:$0x3FA6];
	_ =	sdelay $0x3  }
0x33: {  	p0 =	seq.s32 s10, $0x1;
	s10 =	sld [smem:$0x3FA8];
	_ =	sdelay $0x3  }
0x34: {  	[smem:$0x3FA8] =	sst s10  }
0x35: {  	s10 =	sld [smem:$0x3FA7];
	_ =	sdelay $0x3  }
0x36: {  	p1 =	seq.s32 s10, $0x1;
	s10 =	sld [smem:$0x3FA8];
	_ =	sdelay $0x3  }
0x37: {  	[smem:$0x3FA8] =	sst s10  }
0x38: {  	s10 =	sld [smem:$0x3FA9]  }
0x39: {  	_ = 	snop;
	(pc) =	sbr.ind lr, $3  }
0x3a: {  	_ = 	snop  }
0x3b: {  	_ = 	snop  }
0x3c: {  	p2 =	seq.s32 s10, $0x1;
	s10 =	sld [smem:$0x3FA8]  }
0x3d: {  	_ =	shalt  }
0x3e: {  	_ =	shalt  }
0x3f: {  	_ =	shalt  }
0x40: {  	_ =	shalt  }
0x41: {  	_ =	shalt  }
0x42: {  	_ =	shalt  }
0x43: {  	_ =	shalt  }
0x44: {  	_ =	shalt  }
0x45: {  	_ =	shalt  }
0x46: {  	_ =	shalt  }
0x47: {  	_ =	shalt  }
0x48: {  	_ =	shalt  }
0x49: {  	_ =	shalt  }
0x4a: {  	_ =	shalt  }
0x4b: {  	_ =	shalt  }
0x4c: {  	_ =	shalt  }
0x4d: {  	_ =	shalt  }
0x4e: {  	_ =	shalt  }
0x4f: {  	_ =	shalt  }
0x50: {  	_ =	shalt  }
0x51: {  	_ =	shalt  }
0x52: {  	_ =	shalt  }
0x53: {  	_ =	shalt  }
0x54: {  	_ =	shalt  }
0x55: {  	_ =	shalt  }
0x56: {  	_ =	shalt  }
0x57: {  	_ =	shalt  }
0x58: {  	_ =	shalt  }
0x59: {  	_ =	shalt  }
0x5a: {  	_ =	shalt  }
0x5b: {  	_ =	shalt  }
0x5c: {  	_ =	shalt  }
0x5d: {  	_ =	shalt  }
0x5e: {  	_ =	shalt  }
0x5f: {  	_ =	shalt  }
0x60: {  	_ =	shalt  }
0x61: {  	_ =	shalt  }
0x62: {  	_ =	shalt  }
0x63: {  	_ =	shalt  }
0x64: {  	_ =	shalt  }
0x65: {  	_ =	shalt  }
0x66: {  	_ =	shalt  }
0x67: {  	_ =	shalt  }
0x68: {  	_ =	shalt  }
0x69: {  	_ =	shalt  }
0x6a: {  	_ =	shalt  }
0x6b: {  	_ =	shalt  }
0x6c: {  	_ =	shalt  }
0x6d: {  	_ =	shalt  }
0x6e: {  	_ =	shalt  }
0x6f: {  	_ =	shalt  }
0x70: {  	_ =	shalt  }
0x71: {  	_ =	shalt  }
0x72: {  	_ =	shalt  }
0x73: {  	_ =	shalt  }
0x74: {  	_ =	shalt  }
0x75: {  	_ =	shalt  }
0x76: {  	_ =	shalt  }
0x77: {  	_ =	shalt  }
0x78: {  	_ =	shalt  }
0x79: {  	_ =	shalt  }
0x7a: {  	_ =	shalt  }
0x7b: {  	_ =	shalt  }
0x7c: {  	_ =	shalt  }
0x7d: {  	_ =	shalt  }
0x7e: {  	_ =	shalt  }
0x7f: {  	_ =	shalt  }
0x80: {  	_ =	shalt  }
0x81: {  	_ =	shalt  }
0x82: {  	_ =	shalt  }
0x83: {  	_ =	shalt  }
0x84: {  	_ =	shalt  }
0x85: {  	_ =	shalt  }
0x86: {  	_ =	shalt  }
0x87: {  	_ =	shalt  }
.Lfunc_end0:
.L_simem_size_0:
called_computation.1_lowered:
.L_overlay_start_0:
0x88: {  	s2 =	sld [smem:$0x3FD9]  }
0x89: {  	s3 =	sld [smem:$0x3FFE];
	_ =	sdelay $0x1  }
0x8a: {  	s1 =	srdreg.scid  }
0x8b: {  	s0 =	sand.u32 $0x1, s1  }
0x8c: {  	s16 =	sshll.u32 s0, $0xA;
	s2 =	sadd.s32 s3, s2  }
0x8d: {  	s2 =	sadd.s32 s2, s16  }
0x8e: {  	[smem:$0x3FB4] =	sst s2  }
0x8f: {  	_ = 	snop  }
0x90: {  	(tm) =	ssettm $0x1  }
0x91: {  	s17 =	sld [smem:$0x3FFB];
	_ =	sdelay $0x3  }
0x92: {  	_ =	strace s17  }
0x93: {  	s2 =	sld [smem:$0x3FFC];
	_ =	sdelay $0x3  }
0x94: {  	_ =	strace s2  }
0x95: {  	s2 =	sld [smem:$0x3FFD];
	_ =	sdelay $0x3  }
0x96: {  	_ =	strace s2  }
0x97: {  	_ =	strace $0x8FFFFFFF  }
0x98: {  	s18 =	sld [smem:$0x3FDB];
	_ =	sdelay $0x1  }
0x99: {  	s19 =	simm.s32 $_scs_section_size  }
0x9a: {  	s4 =	simm.s32 $_size__tile_overlayer_lowered;
	s5 =	simm.s32 $_tile_overlayer_lowered  }
0x9b: {  	s22 =	simm.s32 $0x1BFF;
	s21 =	sshll.u32 s5, $0x1;
	s2 =	sadd.s32 s19, s18  }
0x9c: {  	s6 =	simm.s32 $0x0;
	s20 =	sshll.u32 s4, $0x1;
	s4 =	sadd.s32 s21, s2  }
0x9d: {  	[timem:s6], [sflag:s22] =	dma.local [hbm:s4], s20  }
0x9e: {  	_ =	swait.ge [sflag:s22], s20  }
0x9f: {  	s3 =	ssub.s32 $0x0, s20;
	[sflag:s22] =	ssyncset.done $0x0  }
0xa0: {  	[sflag:s22] =	ssyncadd.s32 s3;
	_ =	sdelay $0x1  }
0xa1: {  	s23 =	simm.s32 $0x1B8B  }
0xa2: {  	_ =	swait.ge [sflag:s23], $0x1  }
0xa3: {  	[sflag:s23] =	ssyncset.done $0x0  }
0xa4: {  	s25 =	simm.s32 $0x1B8E;
	s24 =	sld [smem:$0x3FFE];
	[sflag:s23] =	ssyncadd.s32 $0xFFFFFFFF  }
0xa5: {  	s26 =	simm.s32 $execute0_lowered;
	[smem:$0x3FD2] =	sst s25  }
0xa6: {  	s4 =	sshll.u32 s26, $0x1;
	_ =	strace $0x80000049;
	[dreg:$0x1] =	wrdreg $0xFFFFFFFF  }
0xa7: {  	s28 =	simm.s32 $_size_execute0_lowered;
	s2 =	sadd.s32 s2, s4;
	[dreg:$0x0] =	wrdreg $0x0  }
0xa8: {  	s4 =	sshll.u32 s28, $0x1;
	[dreg:$0x2] =	wrdreg s2  }
0xa9: {  	[dreg:$0x3] =	wrdreg s4  }
0xaa: {  	[dreg:$0x4] =	wrdreg $0xC0  }
0xab: {  	_ =	task [dreg:s6], $0x5FFFF  }
0xac: {  	[dreg:$0x1] =	wrdreg $0xFFFFFFFF  }
0xad: {  	[dreg:$0x0] =	wrdreg $0x60  }
0xae: {  	[dreg:$0x2] =	wrdreg s24  }
0xaf: {  	[dreg:$0x3] =	wrdreg $0x9  }
0xb0: {  	_ =	task.clear_ibuf [dreg:s6], $0x4FFFF;
	_ =	strace $0x90000049  }
0xb1: {  	s29 =	simm.s32 $0x9;
	_ =	strace $0x8000004B  }
0xb2: {  	_ =	swait.ge [sflag:s29], $0x1  }
0xb3: {  	[sflag:s29] =	ssyncadd.s32 $0xFFFFFFFF  }
0xb4: {  	_ =	strace $0x9000004B  }
0xb5: {  	_ =	sfence  }
0xb6: {  	s30 =	sld [smem:$0x0];
	_ =	sdelay $0x2  }
0xb7: {  	s31 =	sshll.u32 s1, $0xD;
	s1 =	sshrl.u32 s1, $0x2  }
0xb8: {  	s3 =	sand.u32 $0x4000, s31;
	s1 =	sadd.s32 s1, s30  }
0xb9: {  	s0 =	sor.u32 s3, s0;
	s1 =	sshll.u32 s1, $0x11  }
0xba: {  	s0 =	sor.u32 s1, s0  }
0xbb: {  	s0 =	sadd.s32 $0x8F2B, s0  }
0xbc: {  	[sflag:s0] =	ssyncadd.remote.s32 $0x1  }
0xbd: {  	_ =	sfence.sel $0xFFFF  }
0xbe: {  	[dreg:$0x0] =	wrdreg $0xFFFFFFFF;
	(pc) =	sbr.abs _section_cstart, $3  }
0xbf: {  	[dreg:$0x1] =	wrdreg $0xFFFFFFFF  }
0xc0: {  	_ =	task.clear_ibuf [dreg:s6], $0x2FFFF;
	_ =	strace $0x9FFFFFFF  }
0xc1: {  	(tm) =	ssettm $0x7FFFFFFF  }
tec
execute0_lowered:
.L_overlay_start_1:
0x0: {  	(tag) =	ssettag $0x1  }
0x1: {  	s0 =	srdreg.scid  }
0x2: {  	s3 =	sand.u32 $0x1, s0  }
0x3: {  	s0 =	stileid.u32;
	s1 =	sshll.u32 s3, $0x4  }
0x4: {  	s5 =	rddreg [dreg:$0x0];
	s9 =	simm.s32 $0x400;
	s2 =	sor.u32 s0, s1  }
0x5: {  	s10 =	simm.s32 $0x1000;
	s11 =	simm.s32 $0x1;
	s4 =	sshrl.u32 s2, $0x3  }
0x6: {  	s12 =	simm.s32 $0x800;
	s6 =	sshll.u32 s0, $0x7;
	s4 =	smul.u32 $0x4E400, s4  }
0x7: {  	s13 =	simm.s32 $0xAC80;
	s31 =	ssub.s32 $0x2, s3;
	s6 =	sand.u32 $0x380, s6  }
0x8: {  	s3 =	sadd.s32 $0x65200, s5;
	s1 =	rddreg [dreg:$0x1];
	s4 =	sor.u32 s6, s4  }
0x9: {  	v0 =	vlaneseq.u32;
	s8 =	sshrl.u32 s31, $0x1;
	s2 =	simm.s32 $0x0;
	s7 =	sshrl.u32 s4, $0x3  }
0xa: {  	v1 =	vmul.u32 $0xFFFFFFFF, v0;
	s8 =	ssub.s32 s31, s8;
	[smem:$0x7FF] =	sst s2;
	s7 =	sadd.s32 s7, s5  }
0xb: {  	_ =	strace $0x8000004A;
	s4 =	sadd.s32 $0x5B400, s5;
	s5 =	sadd.s32 $0x1800, s7  }
0xc: {  	v0 =	vimm.f32 $0.0e+00;
	v1 =	vadd.s32 $0xF, v1;
	s6 =	sadd.s32 $0x6F000, s7;
	s7 =	smax.u32 s8, $0x1;
	s8 =	simm.s32 $0x80  }
.LBB2_1:
0xd: {  	[tilespmem:s10], [sflag:$0x1] =	stream.strided.gather [hbm4b:s5+s8], $0x9C80, s9, s8, $0x38;
	[tilespmem:$0x14900] =	vst v63  }
0xe: {  	_ =	swait.ge [sflag:s11], $0x9C80  }
0xf: {  	[sflag:s11] =	ssyncset.done $0x0  }
0x10: {  	s14 =	simm.s32 $0x40;
	s15 =	simm.s32 $0x0;
	[sflag:s11] =	ssyncadd.s32 $0xFFFF6380  }
.LBB2_2:
0x11: {  	p0 =	sne.s32 s14, $0x270C0;
	[tilespmem:s15+$0xAC80] =	vst v0;
	s15 =	smov.u32 s14;
	s14 =	sadd.s32 $0x40, s14  }
.Ltmp0:
0x12: {  	(pc) =	sbr.rel @p0 .LBB2_2-.Ltmp0, $2  }
0x13: {  	_ =	sdelay $0x2  }
0x14: {  	s15 =	sshra.s32 s15, $0x2  }
0x15: {  	[tilespmem:s15+$0xAC80] =	vst v0;
	s14 =	simm.s32 $0x0;
	s15 =	simm.s32 $0x0  }
.LBB2_4:
0x16: {  	s16 =	smul.u32 $0xFA, s15;
	_ =	sdelay $0x1  }
0x17: {  	s17 =	sadd.s32 s3, s16  }
0x18: {  	[tilespmem:s14], [sflag:$0x1] =	stream.linear.gather [hbm4b:s17+s14], $0x7D0, $0x38;
	[tilespmem:$0x14900] =	vst v63  }
0x19: {  	_ =	swait.ge [sflag:s11], $0x7D0  }
0x1a: {  	[sflag:s11] =	ssyncset.done $0x0  }
0x1b: {  	s16 =	sadd.s32 s4, s16;
	[sflag:s11] =	ssyncadd.s32 $0xFFFFF830  }
0x1c: {  	[tilespmem:s12], [sflag:$0x1] =	stream.linear.gather [hbm4b:s16+s14], $0x7D0, $0x38;
	[tilespmem:$0x14900] =	vst v63  }
0x1d: {  	_ =	swait.ge [sflag:s11], $0x7D0  }
0x1e: {  	[sflag:s11] =	ssyncset.done $0x0  }
0x1f: {  	s31 =	simm.s32 $0x0;
	[sflag:s11] =	ssyncadd.s32 $0xFFFFF830  }
0x20: {  	v3 =	vld [tilespmem:s31+$0x0]  }
0x21: {  	s16 =	simm.s32 $0x40;
	v2 =	vld [tilespmem:s31+$0x800]  }
.LBB2_5:
0x22: {  	p0 =	sne.s32 s16, $0x1F00;
	_ =	sdelay $0x2  }
0x23: {  	v3 =	vperm.xlane v3, v1;
	_ =	sdelay $0x1  }
0x24: {  	v3 =	vshll.u32 v3, $0x2  }
0x25: {  	v4 =	vor.u32 $0x1, v3;
	v5 =	vor.u32 $0x3, v3  }
0x26: {  	v6 =	vor.u32 $0x2, v3;
	_ =	sdelay $0x2  }
0x27: {  	v2 =	vperm.xlane v2, v1;
	v3 =	vld.idx.msk [tilespmem:v3+s10+$0x0], $0xffff  }
0x28: {  	v4 =	vld.idx.msk [tilespmem:v4+s10+$0x0], $0xffff  }
0x29: {  	v2 =	vshll.u32 v2, $0x2;
	v6 =	vld.idx.msk [tilespmem:v6+s10+$0x0], $0xffff  }
0x2a: {  	v7 =	vor.u32 $0x1, v2;
	v8 =	vor.u32 $0x3, v2;
	v5 =	vld.idx.msk [tilespmem:v5+s10+$0x0], $0xffff  }
0x2b: {  	v9 =	vor.u32 $0x2, v2;
	_ =	sdelay $0x1  }
0x2c: {  	v3 =	vmax.f32 v3, $0.0e+00  }
0x2d: {  	[tilespmem:v2+s13+$0x0] =	vst.idx.add.f32.msk $0xffff, v3;
	v2 =	vmax.f32 v4, $0.0e+00  }
.Ltmp1:
0x2e: {  	[tilespmem:v7+s13+$0x0] =	vst.idx.add.f32.msk $0xffff, v2;
	v2 =	vmax.f32 v6, $0.0e+00;
	(pc) =	sbr.rel @p0 .LBB2_5-.Ltmp1, $4  }
0x2f: {  	[tilespmem:v9+s13+$0x0] =	vst.idx.add.f32.msk $0xffff, v2;
	v2 =	vmax.f32 v5, $0.0e+00  }
0x30: {  	s17 =	sshra.s32 s16, $0x2;
	[tilespmem:v8+s13+$0x0] =	vst.idx.add.f32.msk $0xffff, v2  }
0x31: {  	v3 =	vld [tilespmem:s17+$0x0]  }
0x32: {  	s16 =	sadd.s32 $0x40, s16;
	v2 =	vld [tilespmem:s17+$0x800]  }
0x33: {  	_ =	sdelay $0x2  }
0x34: {  	v3 =	vperm.xlane v3, v1;
	_ =	sdelay $0x1  }
0x35: {  	v3 =	vshll.u32 v3, $0x2  }
0x36: {  	v4 =	vor.u32 $0x1, v3  }
0x37: {  	v5 =	vor.u32 $0x2, v3  }
0x38: {  	v6 =	vor.u32 $0x3, v3  }
0x39: {  	v2 =	vperm.xlane v2, v1  }
0x3a: {  	v3 =	vld.idx.msk [tilespmem:v3+s10+$0x0], $0xffff  }
0x3b: {  	v2 =	vshll.u32 v2, $0x2;
	v4 =	vld.idx.msk [tilespmem:v4+s10+$0x0], $0xffff  }
0x3c: {  	v7 =	vor.u32 $0x1, v2;
	v5 =	vld.idx.msk [tilespmem:v5+s10+$0x0], $0xffff  }
0x3d: {  	s15 =	sadd.s32 $0x1, s15;
	v8 =	vor.u32 $0x2, v2;
	v6 =	vld.idx.msk [tilespmem:v6+s10+$0x0], $0xffff  }
0x3e: {  	p0 =	sne.s32 s15, $0xA0;
	v9 =	vor.u32 $0x3, v2  }
.Ltmp2:
0x3f: {  	v3 =	vmax.f32 v3, $0.0e+00;
	(pc) =	sbr.rel @p0 .LBB2_4-.Ltmp2, $4  }
0x40: {  	[tilespmem:v2+s13+$0x0] =	vst.idx.add.f32.msk $0xffff, v3;
	v2 =	vmax.f32 v4, $0.0e+00  }
0x41: {  	[tilespmem:v7+s13+$0x0] =	vst.idx.add.f32.msk $0xffff, v2;
	v2 =	vmax.f32 v5, $0.0e+00  }
0x42: {  	[tilespmem:v8+s13+$0x0] =	vst.idx.add.f32.msk $0xffff, v2;
	v2 =	vmax.f32 v6, $0.0e+00  }
0x43: {  	[tilespmem:v9+s13+$0x0] =	vst.idx.add.f32.msk $0xffff, v2  }
0x44: {  	s2 =	sadd.s32 $0x1, s2  }
0x45: {  	p0 =	sne.s32 s2, s7  }
.Ltmp3:
0x46: {  	_ = 	snop;
	(pc) =	sbr.rel @p0 .LBB2_1-.Ltmp3, $4  }
0x47: {  	[hbm4b:s6+s8] =	stream.strided.scatter [tilespmem:s13], [sflag:$0x1], $0x9C80, s9, s8, $0x38;
	[tilespmem:$0x14900] =	vst v63  }
0x48: {  	_ =	swait.ge [sflag:s11], $0x9C80  }
0x49: {  	[sflag:s11] =	ssyncset.done $0x0  }
0x4a: {  	[sflag:s11] =	ssyncadd.s32 $0xFFFF6380  }
0x4b: {  	_ =	sfence.sel $0x180000  }
0x4c: {  	[bflag:$0x0] =	sbarrier.arrive $0xFFFF  }
0x4d: {  	p0 =	sne.s32 s0, $0x0;
	_ =	strace $0x9000004A  }
0x4e: {  	s0 =	sadd.s32 @!p0 $0x100000, s1;
	[bflag:$0x2] =	sbarrier.arrive $0xFFFF  }
0x4f: {  	[sflag:s0] =	ssyncadd.tile.s32 @!p0 $0x1;
	_ =	shalt  }
.Lfunc_end2:
_tile_overlayer_lowered:
.L_overlay_start_2:
0x50: {  	(tag) =	ssettag $0x2  }
0x51: {  	s0 =	rddreg [dreg:$0x0];
	s2 =	stileid.u32  }
0x52: {  	s1 =	rddreg [dreg:$0x1];
	p0 =	sne.s32 s2, $0x0  }
0x53: {  	s3 =	rddreg [dreg:$0x2];
	[bflag:$0x3] =	sbarrier.arrive $0xFFFF;
	s2 =	simm.s32 @!p0 $0x1C01  }
0x54: {  	[timem:s3], [sflag:s2] =	dma.local @!p0 [hbm:s0], s1  }
0x55: {  	s0 =	simm.s32 @!p0 $0x1  }
0x56: {  	_ =	swait.ge @!p0 [sflag:s0], s1  }
0x57: {  	s1 =	ssub.s32 @!p0 $0x0, s1;
	[sflag:s0] =	ssyncset.done @!p0 $0x0  }
0x58: {  	[sflag:s0] =	ssyncadd.s32 @!p0 s1  }
0x59: {  	[bflag:$0x3] =	sbarrier.arrive $0xFFFF  }
0x5a: {  	_ =	shalt  }

// kernel: kernel.15.cloned.1.call-start
scs
__scs_entry_jumppad:
0x0: {  	(pc) =	sbr.rel $0x88, $3  }
0x1: {  	(tag) =	ssettag $0x0;
	lr =	simm.s32 $0x1  }
0x2: {  	[smem:$0x3F8D] =	sst lr;
	_ =	strace $0xD0000000  }
0x3: {  	_ = 	snop  }
0x4: {  	_ = 	snop  }
0x5: {  	_ = 	snop  }
0x6: {  	_ = 	snop  }
0x7: {  	_ = 	snop  }
__scs_overlays_trampoline_lowered:
0x8: {  	[smem:$0x3F9C] =	sst s0  }
0x9: {  	[smem:$0x3F9D] =	sst s1  }
0xa: {  	[smem:$0x3F9E] =	sst s2  }
0xb: {  	[smem:$0x3F9F] =	sst s3  }
0xc: {  	[smem:$0x3FA0] =	sst s4  }
0xd: {  	[smem:$0x3FA1] =	sst s5  }
0xe: {  	[smem:$0x3FA2] =	sst s6  }
0xf: {  	[smem:$0x3FA3] =	sst s7  }
0x10: {  	[smem:$0x3FA4] =	sst s8  }
0x11: {  	[smem:$0x3FA5] =	sst s9;
	s0 =	simm.s32 @!p0 $0x0  }
0x12: {  	s1 =	sld [smem:$0x3F8B];
	s0 =	simm.s32 @p0 $0x1  }
0x13: {  	[smem:$0x3FA6] =	sst s0;
	s0 =	simm.s32 @!p1 $0x0  }
0x14: {  	s2 =	sld [smem:$0x3F8A];
	s0 =	simm.s32 @p1 $0x1  }
0x15: {  	[smem:$0x3FA7] =	sst s0;
	s0 =	simm.s32 @!p2 $0x0  }
0x16: {  	s3 =	sld [smem:$0x3FDB];
	s0 =	simm.s32 @p2 $0x1  }
0x17: {  	s4 =	simm.s32 $0x1BF5;
	[smem:$0x3FA9] =	sst s0  }
0x18: {  	s0 =	sld [smem:$0x3F8C];
	_ =	swait.ge [sflag:s4], $0x0  }
0x19: {  	s7 =	sld [smem:$0x3F8D]  }
0x1a: {  	s8 =	sadd.s32 $0xFFFFE003, lr  }
0x1b: {  	s9 =	sadd.s32 $0xFFFFFEF7, lr;
	s5 =	simm.s32 $0xFFFFFFFF;
	p2 =	slt.u32 s8, $0xFFFFF086  }
0x1c: {  	p1 =	slt.u32 s9, $0xF7A;
	s5 =	simm.s32 @!p2 $0x0  }
0x1d: {  	s5 =	simm.s32 @p1 $0x1;
	p0 =	seq.s32 s7, s2  }
0x1e: {  	s7 =	smul.u32 @!p0 $0xF7A, s2;
	p2 =	seq.s32 @!p0 s5, $0x0  }
0x1f: {  	s9 =	smul.u32 $0xF7A, s1;
	s8 =	simm.s32 @!p0 $0x1BF5;
	p2 =	por !p2, p0  }
0x20: {  	[sflag:s8] =	ssyncset.s32 @!p0 $0xFFFFF086;
	s6 =	sadd.s32 @!p0 s3, s7;
	s7 =	simm.s32 @!p0 $0x108  }
0x21: {  	s3 =	sadd.s32 s3, s9;
	s6 =	sadd.s32 @!p0 $0x88, s6;
	s7 =	simm.s32 @p2 $0x1082  }
0x22: {  	[simem:s7], [sflag:s8] =	dma.local @!p0 [hbm:s6], $0xF7A  }
0x23: {  	s9 =	sor.u32 $0xD0000000, s2;
	s6 =	simm.s32 $0x108;
	_ =	swait.ge @!p0 [sflag:s8], $0x0  }
0x24: {  	s3 =	sadd.s32 $0x88, s3;
	s6 =	simm.s32 @!p1 $0x1082;
	[sflag:s4] =	ssyncset.s32 $0xFFFFF086  }
0x25: {  	[simem:s6], [sflag:s4] =	dma.local [hbm:s3], $0xF7A  }
0x26: {  	[smem:$0x3F8D] =	sst s1;
	(tag) =	ssettag s2;
	_ =	strace s9  }
0x27: {  	s1 =	sld [smem:$0x3F9D]  }
0x28: {  	s2 =	sld [smem:$0x3F9E]  }
0x29: {  	s4 =	sld [smem:$0x3FA0]  }
0x2a: {  	p0 =	seq.s32 s5, $0x0;
	s5 =	sld [smem:$0x3FA1]  }
0x2b: {  	s6 =	sld [smem:$0x3FA2]  }
0x2c: {  	s7 =	sld [smem:$0x3FA3]  }
0x2d: {  	s3 =	simm.s32 $0x108;
	s8 =	sld [smem:$0x3FA4]  }
0x2e: {  	s3 =	simm.s32 @!p0 $0x1082;
	s9 =	sld [smem:$0x3FA5]  }
0x2f: {  	lr =	sadd.s32 s0, s3;
	s0 =	sld [smem:$0x3F9C]  }
0x30: {  	s3 =	sld [smem:$0x3F9F]  }
0x31: {  	[smem:$0x3FA8] =	sst s10  }
0x32: {  	s10 =	sld [smem:$0x3FA6];
	_ =	sdelay $0x3  }
0x33: {  	p0 =	seq.s32 s10, $0x1;
	s10 =	sld [smem:$0x3FA8];
	_ =	sdelay $0x3  }
0x34: {  	[smem:$0x3FA8] =	sst s10  }
0x35: {  	s10 =	sld [smem:$0x3FA7];
	_ =	sdelay $0x3  }
0x36: {  	p1 =	seq.s32 s10, $0x1;
	s10 =	sld [smem:$0x3FA8];
	_ =	sdelay $0x3  }
0x37: {  	[smem:$0x3FA8] =	sst s10  }
0x38: {  	s10 =	sld [smem:$0x3FA9]  }
0x39: {  	_ = 	snop;
	(pc) =	sbr.ind lr, $3  }
0x3a: {  	_ = 	snop  }
0x3b: {  	_ = 	snop  }
0x3c: {  	p2 =	seq.s32 s10, $0x1;
	s10 =	sld [smem:$0x3FA8]  }
0x3d: {  	_ =	shalt  }
0x3e: {  	_ =	shalt  }
0x3f: {  	_ =	shalt  }
0x40: {  	_ =	shalt  }
0x41: {  	_ =	shalt  }
0x42: {  	_ =	shalt  }
0x43: {  	_ =	shalt  }
0x44: {  	_ =	shalt  }
0x45: {  	_ =	shalt  }
0x46: {  	_ =	shalt  }
0x47: {  	_ =	shalt  }
0x48: {  	_ =	shalt  }
0x49: {  	_ =	shalt  }
0x4a: {  	_ =	shalt  }
0x4b: {  	_ =	shalt  }
0x4c: {  	_ =	shalt  }
0x4d: {  	_ =	shalt  }
0x4e: {  	_ =	shalt  }
0x4f: {  	_ =	shalt  }
0x50: {  	_ =	shalt  }
0x51: {  	_ =	shalt  }
0x52: {  	_ =	shalt  }
0x53: {  	_ =	shalt  }
0x54: {  	_ =	shalt  }
0x55: {  	_ =	shalt  }
0x56: {  	_ =	shalt  }
0x57: {  	_ =	shalt  }
0x58: {  	_ =	shalt  }
0x59: {  	_ =	shalt  }
0x5a: {  	_ =	shalt  }
0x5b: {  	_ =	shalt  }
0x5c: {  	_ =	shalt  }
0x5d: {  	_ =	shalt  }
0x5e: {  	_ =	shalt  }
0x5f: {  	_ =	shalt  }
0x60: {  	_ =	shalt  }
0x61: {  	_ =	shalt  }
0x62: {  	_ =	shalt  }
0x63: {  	_ =	shalt  }
0x64: {  	_ =	shalt  }
0x65: {  	_ =	shalt  }
0x66: {  	_ =	shalt  }
0x67: {  	_ =	shalt  }
0x68: {  	_ =	shalt  }
0x69: {  	_ =	shalt  }
0x6a: {  	_ =	shalt  }
0x6b: {  	_ =	shalt  }
0x6c: {  	_ =	shalt  }
0x6d: {  	_ =	shalt  }
0x6e: {  	_ =	shalt  }
0x6f: {  	_ =	shalt  }
0x70: {  	_ =	shalt  }
0x71: {  	_ =	shalt  }
0x72: {  	_ =	shalt  }
0x73: {  	_ =	shalt  }
0x74: {  	_ =	shalt  }
0x75: {  	_ =	shalt  }
0x76: {  	_ =	shalt  }
0x77: {  	_ =	shalt  }
0x78: {  	_ =	shalt  }
0x79: {  	_ =	shalt  }
0x7a: {  	_ =	shalt  }
0x7b: {  	_ =	shalt  }
0x7c: {  	_ =	shalt  }
0x7d: {  	_ =	shalt  }
0x7e: {  	_ =	shalt  }
0x7f: {  	_ =	shalt  }
0x80: {  	_ =	shalt  }
0x81: {  	_ =	shalt  }
0x82: {  	_ =	shalt  }
0x83: {  	_ =	shalt  }
0x84: {  	_ =	shalt  }
0x85: {  	_ =	shalt  }
0x86: {  	_ =	shalt  }
0x87: {  	_ =	shalt  }
.Lfunc_end0:
.L_simem_size_0:
called_computation.2_lowered:
.L_overlay_start_0:
0x88: {  	s2 =	sld [smem:$0x3FD9]  }
0x89: {  	s3 =	sld [smem:$0x3FFE];
	_ =	sdelay $0x1  }
0x8a: {  	s1 =	srdreg.scid  }
0x8b: {  	s0 =	sand.u32 $0x1, s1  }
0x8c: {  	s16 =	sshll.u32 s0, $0xA;
	s2 =	sadd.s32 s3, s2  }
0x8d: {  	s2 =	sadd.s32 s2, s16  }
0x8e: {  	[smem:$0x3FB4] =	sst s2  }
0x8f: {  	_ = 	snop  }
0x90: {  	(tm) =	ssettm $0x1  }
0x91: {  	s17 =	sld [smem:$0x3FFB];
	_ =	sdelay $0x3  }
0x92: {  	_ =	strace s17  }
0x93: {  	s2 =	sld [smem:$0x3FFC];
	_ =	sdelay $0x3  }
0x94: {  	_ =	strace s2  }
0x95: {  	s2 =	sld [smem:$0x3FFD];
	_ =	sdelay $0x3  }
0x96: {  	_ =	strace s2  }
0x97: {  	_ =	strace $0x8FFFFFFF  }
0x98: {  	s18 =	sld [smem:$0x3FDB];
	_ =	sdelay $0x1  }
0x99: {  	s19 =	simm.s32 $_scs_section_size  }
0x9a: {  	s4 =	simm.s32 $_size__tile_overlayer_lowered;
	s5 =	simm.s32 $_tile_overlayer_lowered  }
0x9b: {  	s22 =	simm.s32 $0x1BFF;
	s21 =	sshll.u32 s5, $0x1;
	s2 =	sadd.s32 s19, s18  }
0x9c: {  	s6 =	simm.s32 $0x0;
	s20 =	sshll.u32 s4, $0x1;
	s4 =	sadd.s32 s21, s2  }
0x9d: {  	[timem:s6], [sflag:s22] =	dma.local [hbm:s4], s20  }
0x9e: {  	_ =	swait.ge [sflag:s22], s20  }
0x9f: {  	s3 =	ssub.s32 $0x0, s20;
	[sflag:s22] =	ssyncset.done $0x0  }
0xa0: {  	[sflag:s22] =	ssyncadd.s32 s3;
	_ =	sdelay $0x1  }
0xa1: {  	s23 =	simm.s32 $0x1B8B  }
0xa2: {  	_ =	swait.ge [sflag:s23], $0x1  }
0xa3: {  	[sflag:s23] =	ssyncset.done $0x0  }
0xa4: {  	s25 =	simm.s32 $0x1B8E;
	s24 =	sld [smem:$0x3FFE];
	[sflag:s23] =	ssyncadd.s32 $0xFFFFFFFF  }
0xa5: {  	s26 =	simm.s32 $execute0_lowered;
	[smem:$0x3FD2] =	sst s25  }
0xa6: {  	s4 =	sshll.u32 s26, $0x1;
	_ =	strace $0x8000004C;
	[dreg:$0x1] =	wrdreg $0xFFFFFFFF  }
0xa7: {  	s28 =	simm.s32 $_size_execute0_lowered;
	s2 =	sadd.s32 s2, s4;
	[dreg:$0x0] =	wrdreg $0x0  }
0xa8: {  	s4 =	sshll.u32 s28, $0x1;
	[dreg:$0x2] =	wrdreg s2  }
0xa9: {  	[dreg:$0x3] =	wrdreg s4  }
0xaa: {  	[dreg:$0x4] =	wrdreg $0xC0  }
0xab: {  	_ =	task [dreg:s6], $0x5FFFF  }
0xac: {  	[dreg:$0x1] =	wrdreg $0xFFFFFFFF  }
0xad: {  	[dreg:$0x0] =	wrdreg $0x60  }
0xae: {  	[dreg:$0x2] =	wrdreg s24  }
0xaf: {  	[dreg:$0x3] =	wrdreg $0x9  }
0xb0: {  	_ =	task.clear_ibuf [dreg:s6], $0x4FFFF;
	_ =	strace $0x9000004C  }
0xb1: {  	s29 =	simm.s32 $0x9;
	_ =	strace $0x8000004E  }
0xb2: {  	_ =	swait.ge [sflag:s29], $0x1  }
0xb3: {  	[sflag:s29] =	ssyncadd.s32 $0xFFFFFFFF  }
0xb4: {  	_ =	strace $0x9000004E  }
0xb5: {  	_ =	sfence  }
0xb6: {  	s30 =	sld [smem:$0x0];
	_ =	sdelay $0x2  }
0xb7: {  	s31 =	sshll.u32 s1, $0xD;
	s1 =	sshrl.u32 s1, $0x2  }
0xb8: {  	s3 =	sand.u32 $0x4000, s31;
	s1 =	sadd.s32 s1, s30  }
0xb9: {  	s0 =	sor.u32 s3, s0;
	s1 =	sshll.u32 s1, $0x11  }
0xba: {  	s0 =	sor.u32 s1, s0  }
0xbb: {  	s0 =	sadd.s32 $0x8F2B, s0  }
0xbc: {  	[sflag:s0] =	ssyncadd.remote.s32 $0x1  }
0xbd: {  	_ =	sfence.sel $0xFFFF  }
0xbe: {  	[dreg:$0x0] =	wrdreg $0xFFFFFFFF;
	(pc) =	sbr.abs _section_cstart, $3  }
0xbf: {  	[dreg:$0x1] =	wrdreg $0xFFFFFFFF  }
0xc0: {  	_ =	task.clear_ibuf [dreg:s6], $0x2FFFF;
	_ =	strace $0x9FFFFFFF  }
0xc1: {  	(tm) =	ssettm $0x7FFFFFFF  }
tec
execute0_lowered:
.L_overlay_start_1:
0x0: {  	(tag) =	ssettag $0x1  }
0x1: {  	s0 =	srdreg.scid  }
0x2: {  	s3 =	sand.u32 $0x1, s0  }
0x3: {  	s0 =	stileid.u32;
	s1 =	sshll.u32 s3, $0x4  }
0x4: {  	s5 =	rddreg [dreg:$0x0];
	s9 =	simm.s32 $0x400;
	s2 =	sor.u32 s0, s1  }
0x5: {  	s10 =	simm.s32 $0x1000;
	s11 =	simm.s32 $0x1;
	s4 =	sshrl.u32 s2, $0x3  }
0x6: {  	s12 =	simm.s32 $0x800;
	s6 =	sshll.u32 s0, $0x7;
	s4 =	smul.u32 $0x4E400, s4  }
0x7: {  	s13 =	simm.s32 $0xAC80;
	s31 =	ssub.s32 $0x2, s3;
	s6 =	sand.u32 $0x380, s6  }
0x8: {  	s3 =	sadd.s32 $0x5B400, s5;
	s1 =	rddreg [dreg:$0x1];
	s4 =	sor.u32 s6, s4  }
0x9: {  	v0 =	vlaneseq.u32;
	s8 =	sshrl.u32 s31, $0x1;
	s2 =	simm.s32 $0x0;
	s7 =	sshrl.u32 s4, $0x3  }
0xa: {  	v1 =	vmul.u32 $0xFFFFFFFF, v0;
	s8 =	ssub.s32 s31, s8;
	[smem:$0x7FF] =	sst s2;
	s7 =	sadd.s32 s7, s5  }
0xb: {  	_ =	strace $0x8000004D;
	s4 =	sadd.s32 $0x65200, s5;
	s5 =	sadd.s32 $0x1800, s7  }
0xc: {  	v0 =	vimm.f32 $0.0e+00;
	v1 =	vadd.s32 $0xF, v1;
	s6 =	sadd.s32 $0x6F000, s7;
	s7 =	smax.u32 s8, $0x1;
	s8 =	simm.s32 $0x80  }
.LBB2_1:
0xd: {  	[tilespmem:s10], [sflag:$0x1] =	stream.strided.gather [hbm4b:s5+s8], $0x9C80, s9, s8, $0x38;
	[tilespmem:$0x14900] =	vst v63  }
0xe: {  	_ =	swait.ge [sflag:s11], $0x9C80  }
0xf: {  	[sflag:s11] =	ssyncset.done $0x0  }
0x10: {  	s14 =	simm.s32 $0x40;
	s15 =	simm.s32 $0x0;
	[sflag:s11] =	ssyncadd.s32 $0xFFFF6380  }
.LBB2_2:
0x11: {  	p0 =	sne.s32 s14, $0x270C0;
	[tilespmem:s15+$0xAC80] =	vst v0;
	s15 =	smov.u32 s14;
	s14 =	sadd.s32 $0x40, s14  }
.Ltmp0:
0x12: {  	(pc) =	sbr.rel @p0 .LBB2_2-.Ltmp0, $2  }
0x13: {  	_ =	sdelay $0x2  }
0x14: {  	s15 =	sshra.s32 s15, $0x2  }
0x15: {  	[tilespmem:s15+$0xAC80] =	vst v0;
	s14 =	simm.s32 $0x0;
	s15 =	simm.s32 $0x0  }
.LBB2_4:
0x16: {  	s16 =	smul.u32 $0xFA, s15;
	_ =	sdelay $0x1  }
0x17: {  	s17 =	sadd.s32 s3, s16  }
0x18: {  	[tilespmem:s14], [sflag:$0x1] =	stream.linear.gather [hbm4b:s17+s14], $0x7D0, $0x38;
	[tilespmem:$0x14900] =	vst v63  }
0x19: {  	_ =	swait.ge [sflag:s11], $0x7D0  }
0x1a: {  	[sflag:s11] =	ssyncset.done $0x0  }
0x1b: {  	s16 =	sadd.s32 s4, s16;
	[sflag:s11] =	ssyncadd.s32 $0xFFFFF830  }
0x1c: {  	[tilespmem:s12], [sflag:$0x1] =	stream.linear.gather [hbm4b:s16+s14], $0x7D0, $0x38;
	[tilespmem:$0x14900] =	vst v63  }
0x1d: {  	_ =	swait.ge [sflag:s11], $0x7D0  }
0x1e: {  	[sflag:s11] =	ssyncset.done $0x0  }
0x1f: {  	s31 =	simm.s32 $0x0;
	[sflag:s11] =	ssyncadd.s32 $0xFFFFF830  }
0x20: {  	v3 =	vld [tilespmem:s31+$0x0]  }
0x21: {  	s16 =	simm.s32 $0x40;
	v2 =	vld [tilespmem:s31+$0x800]  }
.LBB2_5:
0x22: {  	p0 =	sne.s32 s16, $0x1F00;
	_ =	sdelay $0x2  }
0x23: {  	v3 =	vperm.xlane v3, v1;
	_ =	sdelay $0x1  }
0x24: {  	v3 =	vshll.u32 v3, $0x2  }
0x25: {  	v4 =	vor.u32 $0x1, v3;
	v5 =	vor.u32 $0x3, v3  }
0x26: {  	v6 =	vor.u32 $0x2, v3;
	_ =	sdelay $0x2  }
0x27: {  	v2 =	vperm.xlane v2, v1;
	v3 =	vld.idx.msk [tilespmem:v3+s10+$0x0], $0xffff  }
0x28: {  	v4 =	vld.idx.msk [tilespmem:v4+s10+$0x0], $0xffff  }
0x29: {  	v2 =	vshll.u32 v2, $0x2;
	v6 =	vld.idx.msk [tilespmem:v6+s10+$0x0], $0xffff  }
0x2a: {  	v7 =	vor.u32 $0x1, v2;
	v8 =	vor.u32 $0x3, v2;
	v5 =	vld.idx.msk [tilespmem:v5+s10+$0x0], $0xffff  }
0x2b: {  	v9 =	vor.u32 $0x2, v2;
	_ =	sdelay $0x1  }
0x2c: {  	v3 =	vmax.f32 v3, $0.0e+00  }
0x2d: {  	[tilespmem:v2+s13+$0x0] =	vst.idx.add.f32.msk $0xffff, v3;
	v2 =	vmax.f32 v4, $0.0e+00  }
.Ltmp1:
0x2e: {  	[tilespmem:v7+s13+$0x0] =	vst.idx.add.f32.msk $0xffff, v2;
	v2 =	vmax.f32 v6, $0.0e+00;
	(pc) =	sbr.rel @p0 .LBB2_5-.Ltmp1, $4  }
0x2f: {  	[tilespmem:v9+s13+$0x0] =	vst.idx.add.f32.msk $0xffff, v2;
	v2 =	vmax.f32 v5, $0.0e+00  }
0x30: {  	s17 =	sshra.s32 s16, $0x2;
	[tilespmem:v8+s13+$0x0] =	vst.idx.add.f32.msk $0xffff, v2  }
0x31: {  	v3 =	vld [tilespmem:s17+$0x0]  }
0x32: {  	s16 =	sadd.s32 $0x40, s16;
	v2 =	vld [tilespmem:s17+$0x800]  }
0x33: {  	_ =	sdelay $0x2  }
0x34: {  	v3 =	vperm.xlane v3, v1;
	_ =	sdelay $0x1  }
0x35: {  	v3 =	vshll.u32 v3, $0x2  }
0x36: {  	v4 =	vor.u32 $0x1, v3  }
0x37: {  	v5 =	vor.u32 $0x2, v3  }
0x38: {  	v6 =	vor.u32 $0x3, v3  }
0x39: {  	v2 =	vperm.xlane v2, v1  }
0x3a: {  	v3 =	vld.idx.msk [tilespmem:v3+s10+$0x0], $0xffff  }
0x3b: {  	v2 =	vshll.u32 v2, $0x2;
	v4 =	vld.idx.msk [tilespmem:v4+s10+$0x0], $0xffff  }
0x3c: {  	v7 =	vor.u32 $0x1, v2;
	v5 =	vld.idx.msk [tilespmem:v5+s10+$0x0], $0xffff  }
0x3d: {  	s15 =	sadd.s32 $0x1, s15;
	v8 =	vor.u32 $0x2, v2;
	v6 =	vld.idx.msk [tilespmem:v6+s10+$0x0], $0xffff  }
0x3e: {  	p0 =	sne.s32 s15, $0xA0;
	v9 =	vor.u32 $0x3, v2  }
.Ltmp2:
0x3f: {  	v3 =	vmax.f32 v3, $0.0e+00;
	(pc) =	sbr.rel @p0 .LBB2_4-.Ltmp2, $4  }
0x40: {  	[tilespmem:v2+s13+$0x0] =	vst.idx.add.f32.msk $0xffff, v3;
	v2 =	vmax.f32 v4, $0.0e+00  }
0x41: {  	[tilespmem:v7+s13+$0x0] =	vst.idx.add.f32.msk $0xffff, v2;
	v2 =	vmax.f32 v5, $0.0e+00  }
0x42: {  	[tilespmem:v8+s13+$0x0] =	vst.idx.add.f32.msk $0xffff, v2;
	v2 =	vmax.f32 v6, $0.0e+00  }
0x43: {  	[tilespmem:v9+s13+$0x0] =	vst.idx.add.f32.msk $0xffff, v2  }
0x44: {  	s2 =	sadd.s32 $0x1, s2  }
0x45: {  	p0 =	sne.s32 s2, s7  }
.Ltmp3:
0x46: {  	_ = 	snop;
	(pc) =	sbr.rel @p0 .LBB2_1-.Ltmp3, $4  }
0x47: {  	[hbm4b:s6+s8] =	stream.strided.scatter [tilespmem:s13], [sflag:$0x1], $0x9C80, s9, s8, $0x38;
	[tilespmem:$0x14900] =	vst v63  }
0x48: {  	_ =	swait.ge [sflag:s11], $0x9C80  }
0x49: {  	[sflag:s11] =	ssyncset.done $0x0  }
0x4a: {  	[sflag:s11] =	ssyncadd.s32 $0xFFFF6380  }
0x4b: {  	_ =	sfence.sel $0x180000  }
0x4c: {  	[bflag:$0x0] =	sbarrier.arrive $0xFFFF  }
0x4d: {  	p0 =	sne.s32 s0, $0x0;
	_ =	strace $0x9000004D  }
0x4e: {  	s0 =	sadd.s32 @!p0 $0x100000, s1;
	[bflag:$0x2] =	sbarrier.arrive $0xFFFF  }
0x4f: {  	[sflag:s0] =	ssyncadd.tile.s32 @!p0 $0x1;
	_ =	shalt  }
.Lfunc_end2:
_tile_overlayer_lowered:
.L_overlay_start_2:
0x50: {  	(tag) =	ssettag $0x2  }
0x51: {  	s0 =	rddreg [dreg:$0x0];
	s2 =	stileid.u32  }
0x52: {  	s1 =	rddreg [dreg:$0x1];
	p0 =	sne.s32 s2, $0x0  }
0x53: {  	s3 =	rddreg [dreg:$0x2];
	[bflag:$0x3] =	sbarrier.arrive $0xFFFF;
	s2 =	simm.s32 @!p0 $0x1C01  }
0x54: {  	[timem:s3], [sflag:s2] =	dma.local @!p0 [hbm:s0], s1  }
0x55: {  	s0 =	simm.s32 @!p0 $0x1  }
0x56: {  	_ =	swait.ge @!p0 [sflag:s0], s1  }
0x57: {  	s1 =	ssub.s32 @!p0 $0x0, s1;
	[sflag:s0] =	ssyncset.done @!p0 $0x0  }
0x58: {  	[sflag:s0] =	ssyncadd.s32 @!p0 s1  }
0x59: {  	[bflag:$0x3] =	sbarrier.arrive $0xFFFF  }
0x5a: {  	_ =	shalt  }

// kernel: kernel.18.cloned.1.call-start
scs
__scs_entry_jumppad:
0x0: {  	(pc) =	sbr.rel $0x88, $3  }
0x1: {  	(tag) =	ssettag $0x0;
	lr =	simm.s32 $0x1  }
0x2: {  	[smem:$0x3F8D] =	sst lr;
	_ =	strace $0xD0000000  }
0x3: {  	_ = 	snop  }
0x4: {  	_ = 	snop  }
0x5: {  	_ = 	snop  }
0x6: {  	_ = 	snop  }
0x7: {  	_ = 	snop  }
__scs_overlays_trampoline_lowered:
0x8: {  	[smem:$0x3F9C] =	sst s0  }
0x9: {  	[smem:$0x3F9D] =	sst s1  }
0xa: {  	[smem:$0x3F9E] =	sst s2  }
0xb: {  	[smem:$0x3F9F] =	sst s3  }
0xc: {  	[smem:$0x3FA0] =	sst s4  }
0xd: {  	[smem:$0x3FA1] =	sst s5  }
0xe: {  	[smem:$0x3FA2] =	sst s6  }
0xf: {  	[smem:$0x3FA3] =	sst s7  }
0x10: {  	[smem:$0x3FA4] =	sst s8  }
0x11: {  	[smem:$0x3FA5] =	sst s9;
	s0 =	simm.s32 @!p0 $0x0  }
0x12: {  	s1 =	sld [smem:$0x3F8B];
	s0 =	simm.s32 @p0 $0x1  }
0x13: {  	[smem:$0x3FA6] =	sst s0;
	s0 =	simm.s32 @!p1 $0x0  }
0x14: {  	s2 =	sld [smem:$0x3F8A];
	s0 =	simm.s32 @p1 $0x1  }
0x15: {  	[smem:$0x3FA7] =	sst s0;
	s0 =	simm.s32 @!p2 $0x0  }
0x16: {  	s3 =	sld [smem:$0x3FDB];
	s0 =	simm.s32 @p2 $0x1  }
0x17: {  	s4 =	simm.s32 $0x1BF5;
	[smem:$0x3FA9] =	sst s0  }
0x18: {  	s0 =	sld [smem:$0x3F8C];
	_ =	swait.ge [sflag:s4], $0x0  }
0x19: {  	s7 =	sld [smem:$0x3F8D]  }
0x1a: {  	s8 =	sadd.s32 $0xFFFFE003, lr  }
0x1b: {  	s9 =	sadd.s32 $0xFFFFFEF7, lr;
	s5 =	simm.s32 $0xFFFFFFFF;
	p2 =	slt.u32 s8, $0xFFFFF086  }
0x1c: {  	p1 =	slt.u32 s9, $0xF7A;
	s5 =	simm.s32 @!p2 $0x0  }
0x1d: {  	s5 =	simm.s32 @p1 $0x1;
	p0 =	seq.s32 s7, s2  }
0x1e: {  	s7 =	smul.u32 @!p0 $0xF7A, s2;
	p2 =	seq.s32 @!p0 s5, $0x0  }
0x1f: {  	s9 =	smul.u32 $0xF7A, s1;
	s8 =	simm.s32 @!p0 $0x1BF5;
	p2 =	por !p2, p0  }
0x20: {  	[sflag:s8] =	ssyncset.s32 @!p0 $0xFFFFF086;
	s6 =	sadd.s32 @!p0 s3, s7;
	s7 =	simm.s32 @!p0 $0x108  }
0x21: {  	s3 =	sadd.s32 s3, s9;
	s6 =	sadd.s32 @!p0 $0x88, s6;
	s7 =	simm.s32 @p2 $0x1082  }
0x22: {  	[simem:s7], [sflag:s8] =	dma.local @!p0 [hbm:s6], $0xF7A  }
0x23: {  	s9 =	sor.u32 $0xD0000000, s2;
	s6 =	simm.s32 $0x108;
	_ =	swait.ge @!p0 [sflag:s8], $0x0  }
0x24: {  	s3 =	sadd.s32 $0x88, s3;
	s6 =	simm.s32 @!p1 $0x1082;
	[sflag:s4] =	ssyncset.s32 $0xFFFFF086  }
0x25: {  	[simem:s6], [sflag:s4] =	dma.local [hbm:s3], $0xF7A  }
0x26: {  	[smem:$0x3F8D] =	sst s1;
	(tag) =	ssettag s2;
	_ =	strace s9  }
0x27: {  	s1 =	sld [smem:$0x3F9D]  }
0x28: {  	s2 =	sld [smem:$0x3F9E]  }
0x29: {  	s4 =	sld [smem:$0x3FA0]  }
0x2a: {  	p0 =	seq.s32 s5, $0x0;
	s5 =	sld [smem:$0x3FA1]  }
0x2b: {  	s6 =	sld [smem:$0x3FA2]  }
0x2c: {  	s7 =	sld [smem:$0x3FA3]  }
0x2d: {  	s3 =	simm.s32 $0x108;
	s8 =	sld [smem:$0x3FA4]  }
0x2e: {  	s3 =	simm.s32 @!p0 $0x1082;
	s9 =	sld [smem:$0x3FA5]  }
0x2f: {  	lr =	sadd.s32 s0, s3;
	s0 =	sld [smem:$0x3F9C]  }
0x30: {  	s3 =	sld [smem:$0x3F9F]  }
0x31: {  	[smem:$0x3FA8] =	sst s10  }
0x32: {  	s10 =	sld [smem:$0x3FA6];
	_ =	sdelay $0x3  }
0x33: {  	p0 =	seq.s32 s10, $0x1;
	s10 =	sld [smem:$0x3FA8];
	_ =	sdelay $0x3  }
0x34: {  	[smem:$0x3FA8] =	sst s10  }
0x35: {  	s10 =	sld [smem:$0x3FA7];
	_ =	sdelay $0x3  }
0x36: {  	p1 =	seq.s32 s10, $0x1;
	s10 =	sld [smem:$0x3FA8];
	_ =	sdelay $0x3  }
0x37: {  	[smem:$0x3FA8] =	sst s10  }
0x38: {  	s10 =	sld [smem:$0x3FA9]  }
0x39: {  	_ = 	snop;
	(pc) =	sbr.ind lr, $3  }
0x3a: {  	_ = 	snop  }
0x3b: {  	_ = 	snop  }
0x3c: {  	p2 =	seq.s32 s10, $0x1;
	s10 =	sld [smem:$0x3FA8]  }
0x3d: {  	_ =	shalt  }
0x3e: {  	_ =	shalt  }
0x3f: {  	_ =	shalt  }
0x40: {  	_ =	shalt  }
0x41: {  	_ =	shalt  }
0x42: {  	_ =	shalt  }
0x43: {  	_ =	shalt  }
0x44: {  	_ =	shalt  }
0x45: {  	_ =	shalt  }
0x46: {  	_ =	shalt  }
0x47: {  	_ =	shalt  }
0x48: {  	_ =	shalt  }
0x49: {  	_ =	shalt  }
0x4a: {  	_ =	shalt  }
0x4b: {  	_ =	shalt  }
0x4c: {  	_ =	shalt  }
0x4d: {  	_ =	shalt  }
0x4e: {  	_ =	shalt  }
0x4f: {  	_ =	shalt  }
0x50: {  	_ =	shalt  }
0x51: {  	_ =	shalt  }
0x52: {  	_ =	shalt  }
0x53: {  	_ =	shalt  }
0x54: {  	_ =	shalt  }
0x55: {  	_ =	shalt  }
0x56: {  	_ =	shalt  }
0x57: {  	_ =	shalt  }
0x58: {  	_ =	shalt  }
0x59: {  	_ =	shalt  }
0x5a: {  	_ =	shalt  }
0x5b: {  	_ =	shalt  }
0x5c: {  	_ =	shalt  }
0x5d: {  	_ =	shalt  }
0x5e: {  	_ =	shalt  }
0x5f: {  	_ =	shalt  }
0x60: {  	_ =	shalt  }
0x61: {  	_ =	shalt  }
0x62: {  	_ =	shalt  }
0x63: {  	_ =	shalt  }
0x64: {  	_ =	shalt  }
0x65: {  	_ =	shalt  }
0x66: {  	_ =	shalt  }
0x67: {  	_ =	shalt  }
0x68: {  	_ =	shalt  }
0x69: {  	_ =	shalt  }
0x6a: {  	_ =	shalt  }
0x6b: {  	_ =	shalt  }
0x6c: {  	_ =	shalt  }
0x6d: {  	_ =	shalt  }
0x6e: {  	_ =	shalt  }
0x6f: {  	_ =	shalt  }
0x70: {  	_ =	shalt  }
0x71: {  	_ =	shalt  }
0x72: {  	_ =	shalt  }
0x73: {  	_ =	shalt  }
0x74: {  	_ =	shalt  }
0x75: {  	_ =	shalt  }
0x76: {  	_ =	shalt  }
0x77: {  	_ =	shalt  }
0x78: {  	_ =	shalt  }
0x79: {  	_ =	shalt  }
0x7a: {  	_ =	shalt  }
0x7b: {  	_ =	shalt  }
0x7c: {  	_ =	shalt  }
0x7d: {  	_ =	shalt  }
0x7e: {  	_ =	shalt  }
0x7f: {  	_ =	shalt  }
0x80: {  	_ =	shalt  }
0x81: {  	_ =	shalt  }
0x82: {  	_ =	shalt  }
0x83: {  	_ =	shalt  }
0x84: {  	_ =	shalt  }
0x85: {  	_ =	shalt  }
0x86: {  	_ =	shalt  }
0x87: {  	_ =	shalt  }
.Lfunc_end0:
.L_simem_size_0:
called_computation.3_lowered:
.L_overlay_start_0:
0x88: {  	s2 =	sld [smem:$0x3FD9]  }
0x89: {  	s3 =	sld [smem:$0x3FFE];
	_ =	sdelay $0x1  }
0x8a: {  	s1 =	srdreg.scid  }
0x8b: {  	s0 =	sand.u32 $0x1, s1  }
0x8c: {  	s17 =	sshll.u32 s0, $0xA;
	s2 =	sadd.s32 s3, s2  }
0x8d: {  	s2 =	sadd.s32 s2, s17  }
0x8e: {  	[smem:$0x3FB4] =	sst s2  }
0x8f: {  	_ = 	snop  }
0x90: {  	s2 =	sld [smem:$0x3FC7]  }
0x91: {  	s18 =	sld [smem:$0x3FD0];
	(tm) =	ssettm $0x1  }
0x92: {  	s4 =	sld [smem:$0x3FFB];
	_ =	sdelay $0x3  }
0x93: {  	_ =	strace s4  }
0x94: {  	s4 =	sld [smem:$0x3FFC];
	_ =	sdelay $0x3  }
0x95: {  	_ =	strace s4  }
0x96: {  	s4 =	sld [smem:$0x3FFD];
	_ =	sdelay $0x3  }
0x97: {  	_ =	strace s4  }
0x98: {  	_ =	strace $0x8FFFFFFF  }
0x99: {  	s19 =	sld [smem:$0x3FDB];
	_ =	sdelay $0x1  }
0x9a: {  	s5 =	simm.s32 $_scs_section_size  }
0x9b: {  	s6 =	simm.s32 $_size__tile_overlayer_lowered;
	s7 =	simm.s32 $_tile_overlayer_lowered  }
0x9c: {  	s22 =	simm.s32 $0x1BFF;
	s21 =	sshll.u32 s7, $0x1;
	s4 =	sadd.s32 s5, s19  }
0x9d: {  	s8 =	simm.s32 $0x0;
	s20 =	sshll.u32 s6, $0x1;
	s6 =	sadd.s32 s21, s4  }
0x9e: {  	[timem:s8], [sflag:s22] =	dma.local [hbm:s6], s20  }
0x9f: {  	_ =	swait.ge [sflag:s22], s20  }
0xa0: {  	s5 =	ssub.s32 $0x0, s20;
	[sflag:s22] =	ssyncset.done $0x0  }
0xa1: {  	[sflag:s22] =	ssyncadd.s32 s5;
	_ =	sdelay $0x1  }
0xa2: {  	s23 =	simm.s32 $0x1B8B  }
0xa3: {  	_ =	swait.ge [sflag:s23], $0x1  }
0xa4: {  	[sflag:s23] =	ssyncset.done $0x0  }
0xa5: {  	s25 =	simm.s32 $0x1B8E;
	s24 =	sld [smem:$0x3FFE];
	[sflag:s23] =	ssyncadd.s32 $0xFFFFFFFF  }
0xa6: {  	s26 =	simm.s32 $execute0_lowered;
	[smem:$0x3FD2] =	sst s25  }
0xa7: {  	s6 =	sshll.u32 s26, $0x1;
	_ =	strace $0x8000004F;
	[dreg:$0x1] =	wrdreg $0xFFFFFFFF  }
0xa8: {  	s28 =	simm.s32 $_size_execute0_lowered;
	s4 =	sadd.s32 s4, s6;
	[dreg:$0x0] =	wrdreg $0x0  }
0xa9: {  	s6 =	sshll.u32 s28, $0x1;
	[dreg:$0x2] =	wrdreg s4  }
0xaa: {  	[dreg:$0x3] =	wrdreg s6  }
0xab: {  	[dreg:$0x4] =	wrdreg $0xC0  }
0xac: {  	_ =	task [dreg:s8], $0x5FFFF  }
0xad: {  	[dreg:$0x1] =	wrdreg $0xFFFFFFFF  }
0xae: {  	[dreg:$0x0] =	wrdreg $0x60  }
0xaf: {  	[dreg:$0x2] =	wrdreg s24  }
0xb0: {  	[dreg:$0x3] =	wrdreg s18  }
0xb1: {  	[dreg:$0x4] =	wrdreg s2  }
0xb2: {  	[dreg:$0x5] =	wrdreg $0x9  }
0xb3: {  	_ =	task.clear_ibuf [dreg:s8], $0x6FFFF;
	_ =	strace $0x9000004F  }
0xb4: {  	s29 =	simm.s32 $0x9;
	_ =	strace $0x80000051  }
0xb5: {  	_ =	swait.ge [sflag:s29], $0x1  }
0xb6: {  	[sflag:s29] =	ssyncadd.s32 $0xFFFFFFFF  }
0xb7: {  	_ =	strace $0x90000051  }
0xb8: {  	_ =	sfence  }
0xb9: {  	s30 =	sld [smem:$0x0];
	_ =	sdelay $0x2  }
0xba: {  	s31 =	sshll.u32 s1, $0xD;
	s1 =	sshrl.u32 s1, $0x2  }
0xbb: {  	s3 =	sand.u32 $0x4000, s31;
	s1 =	sadd.s32 s1, s30  }
0xbc: {  	s0 =	sor.u32 s3, s0;
	s1 =	sshll.u32 s1, $0x11  }
0xbd: {  	s0 =	sor.u32 s1, s0  }
0xbe: {  	s0 =	sadd.s32 $0x8F2B, s0  }
0xbf: {  	[sflag:s0] =	ssyncadd.remote.s32 $0x1  }
0xc0: {  	_ =	sfence.sel $0xFFFF  }
0xc1: {  	[dreg:$0x0] =	wrdreg $0xFFFFFFFF;
	(pc) =	sbr.abs _section_cstart, $3  }
0xc2: {  	[dreg:$0x1] =	wrdreg $0xFFFFFFFF  }
0xc3: {  	_ =	task.clear_ibuf [dreg:s8], $0x2FFFF;
	_ =	strace $0x9FFFFFFF  }
0xc4: {  	(tm) =	ssettm $0x7FFFFFFF  }
0xc5: {  	_ =	shalt  }
tec
execute0_lowered:
.L_overlay_start_1:
0x0: {  	(tag) =	ssettag $0x1  }
0x1: {  	s6 =	rddreg [dreg:$0x0]  }
0x2: {  	s2 =	rddreg [dreg:$0x1]  }
0x3: {  	s0 =	srdreg.scid;
	s3 =	rddreg [dreg:$0x2]  }
0x4: {  	s4 =	simm.s32 $0x0;
	s11 =	simm.s32 $0x400;
	s12 =	simm.s32 $0x1800  }
0x5: {  	s13 =	simm.s32 $0x1;
	s14 =	simm.s32 $0x15100;
	s7 =	sand.u32 $0x1, s0  }
0x6: {  	s15 =	simm.s32 $0x800;
	s0 =	stileid.u32;
	s1 =	sshll.u32 s7, $0x4  }
0x7: {  	s16 =	simm.s32 $0x1000;
	s17 =	simm.s32 $0xB480;
	s5 =	sor.u32 s0, s1  }
0x8: {  	s18 =	simm.s32 $0x0;
	[smem:$0x7FF] =	sst s4;
	s8 =	sshrl.u32 s5, $0x3  }
0x9: {  	s30 =	sshll.u32 s0, $0x7;
	s7 =	ssub.s32 $0x2, s7;
	s9 =	smul.u32 $0x4E400, s8  }
0xa: {  	s1 =	rddreg [dreg:$0x3];
	s10 =	sand.u32 $0x380, s30;
	s8 =	sshll.u32 s8, $0xA  }
0xb: {  	_ =	strace $0x80000050;
	s8 =	sor.u32 s10, s8;
	s9 =	sor.u32 s10, s9  }
0xc: {  	v0 =	vlaneseq.u32;
	s31 =	sshrl.u32 s7, $0x1;
	s8 =	sshrl.u32 s8, $0x3;
	s9 =	sshrl.u32 s9, $0x3  }
0xd: {  	v1 =	vmul.u32 $0xFFFFFFFF, v0;
	s5 =	sadd.s32 $0x28A00, s6;
	s8 =	sadd.s32 s8, s6;
	s9 =	sadd.s32 s9, s6  }
0xe: {  	s10 =	ssub.s32 s7, s31;
	s7 =	sadd.s32 $0x3CE00, s8;
	s6 =	sadd.s32 $0x1800, s9  }
0xf: {  	v0 =	vimm.f32 $0.0e+00;
	v1 =	vadd.s32 $0xF, v1;
	s8 =	sadd.s32 $0x6F000, s9;
	s9 =	smax.u32 s10, $0x1;
	s10 =	simm.s32 $0x80  }
.LBB2_1:
0x10: {  	[tilespmem:s12], [sflag:$0x1] =	stream.strided.gather [hbm4b:s6+s10], $0x9C80, s11, s10, $0x38;
	[tilespmem:$0x15180] =	vst v63  }
0x11: {  	_ =	swait.ge [sflag:s13], $0x9C80  }
0x12: {  	[sflag:s13] =	ssyncset.done $0x0  }
0x13: {  	[sflag:s13] =	ssyncadd.s32 $0xFFFF6380  }
0x14: {  	[tilespmem:s14], [sflag:$0x1] =	stream.linear.gather [hbm4b:s7+s4], $0x80, $0x38;
	[tilespmem:$0x15180] =	vst v63  }
0x15: {  	_ =	swait.ge [sflag:s13], $0x80  }
0x16: {  	[sflag:s13] =	ssyncset.done $0x0  }
0x17: {  	s19 =	simm.s32 $0x40;
	s20 =	simm.s32 $0x0;
	[sflag:s13] =	ssyncadd.s32 $0xFFFFFF80  }
.LBB2_2:
0x18: {  	p0 =	sne.s32 s19, $0x270C0;
	[tilespmem:s20+$0xB480] =	vst v0;
	s20 =	smov.u32 s19;
	s19 =	sadd.s32 $0x40, s19  }
.Ltmp0:
0x19: {  	(pc) =	sbr.rel @p0 .LBB2_2-.Ltmp0, $2  }
0x1a: {  	_ =	sdelay $0x2  }
0x1b: {  	s20 =	sshra.s32 s20, $0x2  }
0x1c: {  	[tilespmem:s20+$0xB480] =	vst v0;
	s19 =	simm.s32 $0x0;
	s20 =	simm.s32 $0x0  }
.LBB2_4:
0x1d: {  	s21 =	smul.u32 $0xFA, s20;
	_ =	sdelay $0x1  }
0x1e: {  	s22 =	sadd.s32 s5, s21  }
0x1f: {  	[tilespmem:s19], [sflag:$0x1] =	stream.linear.gather [hbm4b:s22+s19], $0x7D0, $0x38;
	[tilespmem:$0x15180] =	vst v63  }
0x20: {  	_ =	swait.ge [sflag:s13], $0x7D0  }
0x21: {  	[sflag:s13] =	ssyncset.done $0x0  }
0x22: {  	s30 =	sadd.s32 s2, s21;
	[sflag:s13] =	ssyncadd.s32 $0xFFFFF830  }
0x23: {  	[tilespmem:s15], [sflag:$0x1] =	stream.linear.gather [hbm4b:s30+s19], $0x7D0, $0x38;
	[tilespmem:$0x15180] =	vst v63  }
0x24: {  	_ =	swait.ge [sflag:s13], $0x7D0  }
0x25: {  	[sflag:s13] =	ssyncset.done $0x0  }
0x26: {  	s21 =	sadd.s32 s3, s21;
	[sflag:s13] =	ssyncadd.s32 $0xFFFFF830  }
0x27: {  	[tilespmem:s16], [sflag:$0x1] =	stream.linear.gather [hbm4b:s21+s19], $0x7D0, $0x38;
	[tilespmem:$0x15180] =	vst v63  }
0x28: {  	_ =	swait.ge [sflag:s13], $0x7D0  }
0x29: {  	[sflag:s13] =	ssyncset.done $0x0  }
0x2a: {  	s31 =	simm.s32 $0x0;
	[sflag:s13] =	ssyncadd.s32 $0xFFFFF830  }
0x2b: {  	v2 =	vld [tilespmem:s31+$0x0]  }
0x2c: {  	v3 =	vld [tilespmem:s31+$0x1000];
	_ =	sdelay $0x3  }
0x2d: {  	v2 =	vperm.xlane v2, v1  }
0x2e: {  	v3 =	vperm.xlane v3, v1  }
0x2f: {  	v2 =	vshll.u32 v2, $0x2  }
0x30: {  	v8 =	vshll.u32 v3, $0x2  }
0x31: {  	v5 =	vor.u32 $0x3, v2  }
0x32: {  	v6 =	vor.u32 $0x2, v2  }
0x33: {  	v9 =	vld [tilespmem:s31+$0x800];
	v7 =	vor.u32 $0x1, v2  }
0x34: {  	v11 =	vor.u32 $0x1, v8;
	v4 =	vld.idx.msk [tilespmem:v2+s12+$0x0], $0xffff  }
0x35: {  	v12 =	vor.u32 $0x2, v8;
	v10 =	vld.idx.msk [tilespmem:v8+s14+$0x0], $0xffff  }
0x36: {  	v13 =	vor.u32 $0x3, v8;
	v2 =	vld.idx.msk [tilespmem:v5+s12+$0x0], $0xffff  }
0x37: {  	v3 =	vld.idx.msk [tilespmem:v6+s12+$0x0], $0xffff  }
0x38: {  	v5 =	vld.idx.msk [tilespmem:v7+s12+$0x0], $0xffff  }
0x39: {  	v6 =	vperm.xlane v9, v1;
	v9 =	vld.idx.msk [tilespmem:v11+s14+$0x0], $0xffff  }
0x3a: {  	v8 =	vld.idx.msk [tilespmem:v12+s14+$0x0], $0xffff  }
0x3b: {  	s22 =	simm.s32 $0x80;
	s21 =	simm.s32 $0x10;
	v7 =	vld.idx.msk [tilespmem:v13+s14+$0x0], $0xffff;
	v6 =	vshll.u32 v6, $0x2  }
.LBB2_5:
0x3c: {  	p0 =	sne.s32 s22, $0x1F00;
	s23 =	smov.u32 s22;
	s22 =	sadd.s32 $0x40, s22  }
0x3d: {  	v11 =	vor.u32 $0x1, v6  }
0x3e: {  	v4 =	vadd.f32 v10, v4;
	v10 =	vor.u32 $0x2, v6  }
0x3f: {  	v5 =	vadd.f32 v9, v5;
	v9 =	vor.u32 $0x3, v6  }
0x40: {  	s23 =	sshra.s32 s23, $0x2;
	v4 =	vmax.f32 v4, $0.0e+00;
	v3 =	vadd.f32 v8, v3  }
0x41: {  	v2 =	vadd.f32 v7, v2;
	[tilespmem:v6+s17+$0x0] =	vst.idx.add.f32.msk $0xffff, v4;
	v4 =	vmax.f32 v5, $0.0e+00  }
0x42: {  	v3 =	vmax.f32 v3, $0.0e+00;
	[tilespmem:v11+s17+$0x0] =	vst.idx.add.f32.msk $0xffff, v4  }
0x43: {  	v2 =	vmax.f32 v2, $0.0e+00;
	[tilespmem:v10+s17+$0x0] =	vst.idx.add.f32.msk $0xffff, v3  }
0x44: {  	[tilespmem:v9+s17+$0x0] =	vst.idx.add.f32.msk $0xffff, v2  }
0x45: {  	v2 =	vld [tilespmem:s21+$0x0]  }
0x46: {  	v3 =	vld [tilespmem:s21+$0x1000];
	_ =	sdelay $0x3  }
0x47: {  	v2 =	vperm.xlane v2, v1  }
0x48: {  	v3 =	vperm.xlane v3, v1  }
0x49: {  	v2 =	vshll.u32 v2, $0x2  }
0x4a: {  	v6 =	vshll.u32 v3, $0x2;
	v3 =	vor.u32 $0x2, v2;
	v5 =	vor.u32 $0x3, v2  }
0x4b: {  	v7 =	vor.u32 $0x1, v6;
	v8 =	vor.u32 $0x2, v6;
	v11 =	vor.u32 $0x3, v6  }
0x4c: {  	v9 =	vor.u32 $0x1, v2  }
0x4d: {  	v10 =	vld [tilespmem:s21+$0x800];
	s21 =	smov.u32 s23  }
0x4e: {  	v4 =	vld.idx.msk [tilespmem:v2+s12+$0x0], $0xffff  }
0x4f: {  	v2 =	vld.idx.msk [tilespmem:v5+s12+$0x0], $0xffff  }
0x50: {  	v3 =	vld.idx.msk [tilespmem:v3+s12+$0x0], $0xffff  }
.Ltmp1:
0x51: {  	v5 =	vld.idx.msk [tilespmem:v9+s12+$0x0], $0xffff;
	(pc) =	sbr.rel @p0 .LBB2_5-.Ltmp1, $4  }
0x52: {  	v12 =	vperm.xlane v10, v1;
	v10 =	vld.idx.msk [tilespmem:v6+s14+$0x0], $0xffff  }
0x53: {  	v9 =	vld.idx.msk [tilespmem:v7+s14+$0x0], $0xffff  }
0x54: {  	v6 =	vshll.u32 v12, $0x2;
	v8 =	vld.idx.msk [tilespmem:v8+s14+$0x0], $0xffff  }
0x55: {  	v7 =	vld.idx.msk [tilespmem:v11+s14+$0x0], $0xffff  }
0x56: {  	v11 =	vor.u32 $0x1, v6  }
0x57: {  	v52 =	vor.u32 $0x2, v6;
	v4 =	vadd.f32 v10, v4  }
0x58: {  	v53 =	vor.u32 $0x3, v6;
	v5 =	vadd.f32 v9, v5  }
0x59: {  	v4 =	vmax.f32 v4, $0.0e+00;
	v3 =	vadd.f32 v8, v3  }
0x5a: {  	[tilespmem:v6+s17+$0x0] =	vst.idx.add.f32.msk $0xffff, v4;
	v54 =	vmax.f32 v5, $0.0e+00;
	v2 =	vadd.f32 v7, v2  }
0x5b: {  	[tilespmem:v11+s17+$0x0] =	vst.idx.add.f32.msk $0xffff, v54;
	v3 =	vmax.f32 v3, $0.0e+00  }
0x5c: {  	[tilespmem:v52+s17+$0x0] =	vst.idx.add.f32.msk $0xffff, v3;
	v2 =	vmax.f32 v2, $0.0e+00  }
0x5d: {  	[tilespmem:v53+s17+$0x0] =	vst.idx.add.f32.msk $0xffff, v2  }
0x5e: {  	v2 =	vld [tilespmem:s21+$0x0]  }
0x5f: {  	v3 =	vld [tilespmem:s21+$0x1000];
	_ =	sdelay $0x3  }
0x60: {  	v2 =	vperm.xlane v2, v1  }
0x61: {  	v3 =	vperm.xlane v3, v1  }
0x62: {  	v2 =	vshll.u32 v2, $0x2  }
0x63: {  	v3 =	vshll.u32 v3, $0x2  }
0x64: {  	v55 =	vor.u32 $0x3, v2  }
0x65: {  	v56 =	vor.u32 $0x2, v2  }
0x66: {  	v58 =	vld [tilespmem:s21+$0x800];
	v57 =	vor.u32 $0x1, v2  }
0x67: {  	v59 =	vor.u32 $0x1, v3;
	v2 =	vld.idx.msk [tilespmem:v2+s12+$0x0], $0xffff  }
0x68: {  	v60 =	vor.u32 $0x2, v3;
	v61 =	vor.u32 $0x3, v3;
	v3 =	vld.idx.msk [tilespmem:v3+s14+$0x0], $0xffff  }
0x69: {  	v4 =	vld.idx.msk [tilespmem:v55+s12+$0x0], $0xffff  }
0x6a: {  	v5 =	vld.idx.msk [tilespmem:v56+s12+$0x0], $0xffff  }
0x6b: {  	v6 =	vld.idx.msk [tilespmem:v57+s12+$0x0], $0xffff  }
0x6c: {  	v7 =	vperm.xlane v58, v1;
	v8 =	vld.idx.msk [tilespmem:v59+s14+$0x0], $0xffff  }
0x6d: {  	v9 =	vld.idx.msk [tilespmem:v60+s14+$0x0], $0xffff  }
0x6e: {  	v7 =	vshll.u32 v7, $0x2;
	v10 =	vld.idx.msk [tilespmem:v61+s14+$0x0], $0xffff  }
0x6f: {  	v62 =	vor.u32 $0x1, v7  }
0x70: {  	s20 =	sadd.s32 $0x1, s20;
	v2 =	vadd.f32 v3, v2;
	v3 =	vor.u32 $0x2, v7  }
0x71: {  	p0 =	sne.s32 s20, $0xA0;
	v63 =	vor.u32 $0x3, v7;
	v6 =	vadd.f32 v8, v6  }
.Ltmp2:
0x72: {  	v5 =	vadd.f32 v9, v5;
	v2 =	vmax.f32 v2, $0.0e+00;
	(pc) =	sbr.rel @p0 .LBB2_4-.Ltmp2, $4  }
0x73: {  	v4 =	vadd.f32 v10, v4;
	[tilespmem:v7+s17+$0x0] =	vst.idx.add.f32.msk $0xffff, v2;
	v2 =	vmax.f32 v6, $0.0e+00  }
0x74: {  	[tilespmem:v62+s17+$0x0] =	vst.idx.add.f32.msk $0xffff, v2;
	v2 =	vmax.f32 v5, $0.0e+00  }
0x75: {  	[tilespmem:v3+s17+$0x0] =	vst.idx.add.f32.msk $0xffff, v2;
	v2 =	vmax.f32 v4, $0.0e+00  }
0x76: {  	[tilespmem:v63+s17+$0x0] =	vst.idx.add.f32.msk $0xffff, v2  }
0x77: {  	s18 =	sadd.s32 $0x1, s18  }
0x78: {  	p0 =	sne.s32 s18, s9  }
.Ltmp3:
0x79: {  	_ = 	snop;
	(pc) =	sbr.rel @p0 .LBB2_1-.Ltmp3, $4  }
0x7a: {  	[hbm4b:s8+s10] =	stream.strided.scatter [tilespmem:s17], [sflag:$0x1], $0x9C80, s11, s10, $0x38;
	[tilespmem:$0x15180] =	vst v63  }
0x7b: {  	_ =	swait.ge [sflag:s13], $0x9C80  }
0x7c: {  	[sflag:s13] =	ssyncset.done $0x0  }
0x7d: {  	[sflag:s13] =	ssyncadd.s32 $0xFFFF6380  }
0x7e: {  	_ =	sfence.sel $0x180000  }
0x7f: {  	[bflag:$0x0] =	sbarrier.arrive $0xFFFF  }
0x80: {  	p0 =	sne.s32 s0, $0x0;
	_ =	strace $0x90000050  }
0x81: {  	s0 =	sadd.s32 @!p0 $0x100000, s1;
	[bflag:$0x2] =	sbarrier.arrive $0xFFFF  }
0x82: {  	[sflag:s0] =	ssyncadd.tile.s32 @!p0 $0x1;
	_ =	shalt  }
.Lfunc_end2:
_tile_overlayer_lowered:
.L_overlay_start_2:
0x83: {  	(tag) =	ssettag $0x2  }
0x84: {  	s0 =	rddreg [dreg:$0x0];
	s2 =	stileid.u32  }
0x85: {  	s1 =	rddreg [dreg:$0x1];
	p0 =	sne.s32 s2, $0x0  }
0x86: {  	s3 =	rddreg [dreg:$0x2];
	[bflag:$0x3] =	sbarrier.arrive $0xFFFF;
	s2 =	simm.s32 @!p0 $0x1C01  }
0x87: {  	[timem:s3], [sflag:s2] =	dma.local @!p0 [hbm:s0], s1  }
0x88: {  	s0 =	simm.s32 @!p0 $0x1  }
0x89: {  	_ =	swait.ge @!p0 [sflag:s0], s1  }
0x8a: {  	s1 =	ssub.s32 @!p0 $0x0, s1;
	[sflag:s0] =	ssyncset.done @!p0 $0x0  }
0x8b: {  	[sflag:s0] =	ssyncadd.s32 @!p0 s1  }
0x8c: {  	[bflag:$0x3] =	sbarrier.arrive $0xFFFF  }
0x8d: {  	_ =	shalt  }

// kernel: kernel.21.cloned.1.call-start
scs
__scs_entry_jumppad:
0x0: {  	(pc) =	sbr.rel $0x88, $3  }
0x1: {  	(tag) =	ssettag $0x0;
	lr =	simm.s32 $0x1  }
0x2: {  	[smem:$0x3F8D] =	sst lr;
	_ =	strace $0xD0000000  }
0x3: {  	_ = 	snop  }
0x4: {  	_ = 	snop  }
0x5: {  	_ = 	snop  }
0x6: {  	_ = 	snop  }
0x7: {  	_ = 	snop  }
__scs_overlays_trampoline_lowered:
0x8: {  	[smem:$0x3F9C] =	sst s0  }
0x9: {  	[smem:$0x3F9D] =	sst s1  }
0xa: {  	[smem:$0x3F9E] =	sst s2  }
0xb: {  	[smem:$0x3F9F] =	sst s3  }
0xc: {  	[smem:$0x3FA0] =	sst s4  }
0xd: {  	[smem:$0x3FA1] =	sst s5  }
0xe: {  	[smem:$0x3FA2] =	sst s6  }
0xf: {  	[smem:$0x3FA3] =	sst s7  }
0x10: {  	[smem:$0x3FA4] =	sst s8  }
0x11: {  	[smem:$0x3FA5] =	sst s9;
	s0 =	simm.s32 @!p0 $0x0  }
0x12: {  	s1 =	sld [smem:$0x3F8B];
	s0 =	simm.s32 @p0 $0x1  }
0x13: {  	[smem:$0x3FA6] =	sst s0;
	s0 =	simm.s32 @!p1 $0x0  }
0x14: {  	s2 =	sld [smem:$0x3F8A];
	s0 =	simm.s32 @p1 $0x1  }
0x15: {  	[smem:$0x3FA7] =	sst s0;
	s0 =	simm.s32 @!p2 $0x0  }
0x16: {  	s3 =	sld [smem:$0x3FDB];
	s0 =	simm.s32 @p2 $0x1  }
0x17: {  	s4 =	simm.s32 $0x1BF5;
	[smem:$0x3FA9] =	sst s0  }
0x18: {  	s0 =	sld [smem:$0x3F8C];
	_ =	swait.ge [sflag:s4], $0x0  }
0x19: {  	s7 =	sld [smem:$0x3F8D]  }
0x1a: {  	s8 =	sadd.s32 $0xFFFFE003, lr  }
0x1b: {  	s9 =	sadd.s32 $0xFFFFFEF7, lr;
	s5 =	simm.s32 $0xFFFFFFFF;
	p2 =	slt.u32 s8, $0xFFFFF086  }
0x1c: {  	p1 =	slt.u32 s9, $0xF7A;
	s5 =	simm.s32 @!p2 $0x0  }
0x1d: {  	s5 =	simm.s32 @p1 $0x1;
	p0 =	seq.s32 s7, s2  }
0x1e: {  	s7 =	smul.u32 @!p0 $0xF7A, s2;
	p2 =	seq.s32 @!p0 s5, $0x0  }
0x1f: {  	s9 =	smul.u32 $0xF7A, s1;
	s8 =	simm.s32 @!p0 $0x1BF5;
	p2 =	por !p2, p0  }
0x20: {  	[sflag:s8] =	ssyncset.s32 @!p0 $0xFFFFF086;
	s6 =	sadd.s32 @!p0 s3, s7;
	s7 =	simm.s32 @!p0 $0x108  }
0x21: {  	s3 =	sadd.s32 s3, s9;
	s6 =	sadd.s32 @!p0 $0x88, s6;
	s7 =	simm.s32 @p2 $0x1082  }
0x22: {  	[simem:s7], [sflag:s8] =	dma.local @!p0 [hbm:s6], $0xF7A  }
0x23: {  	s9 =	sor.u32 $0xD0000000, s2;
	s6 =	simm.s32 $0x108;
	_ =	swait.ge @!p0 [sflag:s8], $0x0  }
0x24: {  	s3 =	sadd.s32 $0x88, s3;
	s6 =	simm.s32 @!p1 $0x1082;
	[sflag:s4] =	ssyncset.s32 $0xFFFFF086  }
0x25: {  	[simem:s6], [sflag:s4] =	dma.local [hbm:s3], $0xF7A  }
0x26: {  	[smem:$0x3F8D] =	sst s1;
	(tag) =	ssettag s2;
	_ =	strace s9  }
0x27: {  	s1 =	sld [smem:$0x3F9D]  }
0x28: {  	s2 =	sld [smem:$0x3F9E]  }
0x29: {  	s4 =	sld [smem:$0x3FA0]  }
0x2a: {  	p0 =	seq.s32 s5, $0x0;
	s5 =	sld [smem:$0x3FA1]  }
0x2b: {  	s6 =	sld [smem:$0x3FA2]  }
0x2c: {  	s7 =	sld [smem:$0x3FA3]  }
0x2d: {  	s3 =	simm.s32 $0x108;
	s8 =	sld [smem:$0x3FA4]  }
0x2e: {  	s3 =	simm.s32 @!p0 $0x1082;
	s9 =	sld [smem:$0x3FA5]  }
0x2f: {  	lr =	sadd.s32 s0, s3;
	s0 =	sld [smem:$0x3F9C]  }
0x30: {  	s3 =	sld [smem:$0x3F9F]  }
0x31: {  	[smem:$0x3FA8] =	sst s10  }
0x32: {  	s10 =	sld [smem:$0x3FA6];
	_ =	sdelay $0x3  }
0x33: {  	p0 =	seq.s32 s10, $0x1;
	s10 =	sld [smem:$0x3FA8];
	_ =	sdelay $0x3  }
0x34: {  	[smem:$0x3FA8] =	sst s10  }
0x35: {  	s10 =	sld [smem:$0x3FA7];
	_ =	sdelay $0x3  }
0x36: {  	p1 =	seq.s32 s10, $0x1;
	s10 =	sld [smem:$0x3FA8];
	_ =	sdelay $0x3  }
0x37: {  	[smem:$0x3FA8] =	sst s10  }
0x38: {  	s10 =	sld [smem:$0x3FA9]  }
0x39: {  	_ = 	snop;
	(pc) =	sbr.ind lr, $3  }
0x3a: {  	_ = 	snop  }
0x3b: {  	_ = 	snop  }
0x3c: {  	p2 =	seq.s32 s10, $0x1;
	s10 =	sld [smem:$0x3FA8]  }
0x3d: {  	_ =	shalt  }
0x3e: {  	_ =	shalt  }
0x3f: {  	_ =	shalt  }
0x40: {  	_ =	shalt  }
0x41: {  	_ =	shalt  }
0x42: {  	_ =	shalt  }
0x43: {  	_ =	shalt  }
0x44: {  	_ =	shalt  }
0x45: {  	_ =	shalt  }
0x46: {  	_ =	shalt  }
0x47: {  	_ =	shalt  }
0x48: {  	_ =	shalt  }
0x49: {  	_ =	shalt  }
0x4a: {  	_ =	shalt  }
0x4b: {  	_ =	shalt  }
0x4c: {  	_ =	shalt  }
0x4d: {  	_ =	shalt  }
0x4e: {  	_ =	shalt  }
0x4f: {  	_ =	shalt  }
0x50: {  	_ =	shalt  }
0x51: {  	_ =	shalt  }
0x52: {  	_ =	shalt  }
0x53: {  	_ =	shalt  }
0x54: {  	_ =	shalt  }
0x55: {  	_ =	shalt  }
0x56: {  	_ =	shalt  }
0x57: {  	_ =	shalt  }
0x58: {  	_ =	shalt  }
0x59: {  	_ =	shalt  }
0x5a: {  	_ =	shalt  }
0x5b: {  	_ =	shalt  }
0x5c: {  	_ =	shalt  }
0x5d: {  	_ =	shalt  }
0x5e: {  	_ =	shalt  }
0x5f: {  	_ =	shalt  }
0x60: {  	_ =	shalt  }
0x61: {  	_ =	shalt  }
0x62: {  	_ =	shalt  }
0x63: {  	_ =	shalt  }
0x64: {  	_ =	shalt  }
0x65: {  	_ =	shalt  }
0x66: {  	_ =	shalt  }
0x67: {  	_ =	shalt  }
0x68: {  	_ =	shalt  }
0x69: {  	_ =	shalt  }
0x6a: {  	_ =	shalt  }
0x6b: {  	_ =	shalt  }
0x6c: {  	_ =	shalt  }
0x6d: {  	_ =	shalt  }
0x6e: {  	_ =	shalt  }
0x6f: {  	_ =	shalt  }
0x70: {  	_ =	shalt  }
0x71: {  	_ =	shalt  }
0x72: {  	_ =	shalt  }
0x73: {  	_ =	shalt  }
0x74: {  	_ =	shalt  }
0x75: {  	_ =	shalt  }
0x76: {  	_ =	shalt  }
0x77: {  	_ =	shalt  }
0x78: {  	_ =	shalt  }
0x79: {  	_ =	shalt  }
0x7a: {  	_ =	shalt  }
0x7b: {  	_ =	shalt  }
0x7c: {  	_ =	shalt  }
0x7d: {  	_ =	shalt  }
0x7e: {  	_ =	shalt  }
0x7f: {  	_ =	shalt  }
0x80: {  	_ =	shalt  }
0x81: {  	_ =	shalt  }
0x82: {  	_ =	shalt  }
0x83: {  	_ =	shalt  }
0x84: {  	_ =	shalt  }
0x85: {  	_ =	shalt  }
0x86: {  	_ =	shalt  }
0x87: {  	_ =	shalt  }
.Lfunc_end0:
.L_simem_size_0:
called_computation.4_lowered:
.L_overlay_start_0:
0x88: {  	s2 =	sld [smem:$0x3FD9]  }
0x89: {  	s3 =	sld [smem:$0x3FFE];
	_ =	sdelay $0x1  }
0x8a: {  	s1 =	srdreg.scid  }
0x8b: {  	s0 =	sand.u32 $0x1, s1  }
0x8c: {  	s16 =	sshll.u32 s0, $0xA;
	s2 =	sadd.s32 s3, s2  }
0x8d: {  	s2 =	sadd.s32 s2, s16  }
0x8e: {  	[smem:$0x3FB4] =	sst s2  }
0x8f: {  	_ = 	snop  }
0x90: {  	(tm) =	ssettm $0x1  }
0x91: {  	s17 =	sld [smem:$0x3FFB];
	_ =	sdelay $0x3  }
0x92: {  	_ =	strace s17  }
0x93: {  	s2 =	sld [smem:$0x3FFC];
	_ =	sdelay $0x3  }
0x94: {  	_ =	strace s2  }
0x95: {  	s2 =	sld [smem:$0x3FFD];
	_ =	sdelay $0x3  }
0x96: {  	_ =	strace s2  }
0x97: {  	_ =	strace $0x8FFFFFFF  }
0x98: {  	s18 =	sld [smem:$0x3FDB];
	_ =	sdelay $0x1  }
0x99: {  	s19 =	simm.s32 $_scs_section_size  }
0x9a: {  	s4 =	simm.s32 $_size__tile_overlayer_lowered;
	s5 =	simm.s32 $_tile_overlayer_lowered  }
0x9b: {  	s22 =	simm.s32 $0x1BFF;
	s21 =	sshll.u32 s5, $0x1;
	s2 =	sadd.s32 s19, s18  }
0x9c: {  	s6 =	simm.s32 $0x0;
	s20 =	sshll.u32 s4, $0x1;
	s4 =	sadd.s32 s21, s2  }
0x9d: {  	[timem:s6], [sflag:s22] =	dma.local [hbm:s4], s20  }
0x9e: {  	_ =	swait.ge [sflag:s22], s20  }
0x9f: {  	s3 =	ssub.s32 $0x0, s20;
	[sflag:s22] =	ssyncset.done $0x0  }
0xa0: {  	[sflag:s22] =	ssyncadd.s32 s3;
	_ =	sdelay $0x1  }
0xa1: {  	s23 =	simm.s32 $0x1B8B  }
0xa2: {  	_ =	swait.ge [sflag:s23], $0x1  }
0xa3: {  	[sflag:s23] =	ssyncset.done $0x0  }
0xa4: {  	s25 =	simm.s32 $0x1B8E;
	s24 =	sld [smem:$0x3FFE];
	[sflag:s23] =	ssyncadd.s32 $0xFFFFFFFF  }
0xa5: {  	s26 =	simm.s32 $execute0_lowered;
	[smem:$0x3FD2] =	sst s25  }
0xa6: {  	s4 =	sshll.u32 s26, $0x1;
	_ =	strace $0x80000052;
	[dreg:$0x1] =	wrdreg $0xFFFFFFFF  }
0xa7: {  	s28 =	simm.s32 $_size_execute0_lowered;
	s2 =	sadd.s32 s2, s4;
	[dreg:$0x0] =	wrdreg $0x0  }
0xa8: {  	s4 =	sshll.u32 s28, $0x1;
	[dreg:$0x2] =	wrdreg s2  }
0xa9: {  	[dreg:$0x3] =	wrdreg s4  }
0xaa: {  	[dreg:$0x4] =	wrdreg $0xC0  }
0xab: {  	_ =	task [dreg:s6], $0x5FFFF  }
0xac: {  	[dreg:$0x1] =	wrdreg $0xFFFFFFFF  }
0xad: {  	[dreg:$0x0] =	wrdreg $0x60  }
0xae: {  	[dreg:$0x2] =	wrdreg s24  }
0xaf: {  	[dreg:$0x3] =	wrdreg $0x9  }
0xb0: {  	_ =	task.clear_ibuf [dreg:s6], $0x4FFFF;
	_ =	strace $0x90000052  }
0xb1: {  	s29 =	simm.s32 $0x9;
	_ =	strace $0x80000054  }
0xb2: {  	_ =	swait.ge [sflag:s29], $0x1  }
0xb3: {  	[sflag:s29] =	ssyncadd.s32 $0xFFFFFFFF  }
0xb4: {  	_ =	strace $0x90000054  }
0xb5: {  	_ =	sfence  }
0xb6: {  	s30 =	sld [smem:$0x0];
	_ =	sdelay $0x2  }
0xb7: {  	s31 =	sshll.u32 s1, $0xD;
	s1 =	sshrl.u32 s1, $0x2  }
0xb8: {  	s3 =	sand.u32 $0x4000, s31;
	s1 =	sadd.s32 s1, s30  }
0xb9: {  	s0 =	sor.u32 s3, s0;
	s1 =	sshll.u32 s1, $0x11  }
0xba: {  	s0 =	sor.u32 s1, s0  }
0xbb: {  	s0 =	sadd.s32 $0x8F2B, s0  }
0xbc: {  	[sflag:s0] =	ssyncadd.remote.s32 $0x1  }
0xbd: {  	_ =	sfence.sel $0xFFFF  }
0xbe: {  	[dreg:$0x0] =	wrdreg $0xFFFFFFFF;
	(pc) =	sbr.abs _section_cstart, $3  }
0xbf: {  	[dreg:$0x1] =	wrdreg $0xFFFFFFFF  }
0xc0: {  	_ =	task.clear_ibuf [dreg:s6], $0x2FFFF;
	_ =	strace $0x9FFFFFFF  }
0xc1: {  	(tm) =	ssettm $0x7FFFFFFF  }
tec
execute0_lowered:
.L_overlay_start_1:
0x0: {  	(tag) =	ssettag $0x1  }
0x1: {  	s0 =	srdreg.scid  }
0x2: {  	s3 =	sand.u32 $0x1, s0  }
0x3: {  	s0 =	stileid.u32;
	s1 =	sshll.u32 s3, $0x4  }
0x4: {  	s5 =	rddreg [dreg:$0x0];
	s9 =	simm.s32 $0x400;
	s2 =	sor.u32 s0, s1  }
0x5: {  	s10 =	simm.s32 $0x1000;
	s11 =	simm.s32 $0x1;
	s4 =	sshrl.u32 s2, $0x3  }
0x6: {  	s12 =	simm.s32 $0x800;
	s6 =	sshll.u32 s0, $0x7;
	s4 =	smul.u32 $0x4E400, s4  }
0x7: {  	s13 =	simm.s32 $0xAC80;
	s31 =	ssub.s32 $0x2, s3;
	s6 =	sand.u32 $0x380, s6  }
0x8: {  	s3 =	sadd.s32 $0x65200, s5;
	s1 =	rddreg [dreg:$0x1];
	s4 =	sor.u32 s6, s4  }
0x9: {  	v0 =	vlaneseq.u32;
	s8 =	sshrl.u32 s31, $0x1;
	s2 =	simm.s32 $0x0;
	s7 =	sshrl.u32 s4, $0x3  }
0xa: {  	v1 =	vmul.u32 $0xFFFFFFFF, v0;
	s8 =	ssub.s32 s31, s8;
	[smem:$0x7FF] =	sst s2;
	s7 =	sadd.s32 s7, s5  }
0xb: {  	_ =	strace $0x80000053;
	s4 =	sadd.s32 $0x5B400, s5;
	s5 =	sadd.s32 $0x1800, s7  }
0xc: {  	v0 =	vimm.f32 $0.0e+00;
	v1 =	vadd.s32 $0xF, v1;
	s6 =	sadd.s32 $0x6F000, s7;
	s7 =	smax.u32 s8, $0x1;
	s8 =	simm.s32 $0x80  }
.LBB2_1:
0xd: {  	[tilespmem:s10], [sflag:$0x1] =	stream.strided.gather [hbm4b:s5+s8], $0x9C80, s9, s8, $0x38;
	[tilespmem:$0x14900] =	vst v63  }
0xe: {  	_ =	swait.ge [sflag:s11], $0x9C80  }
0xf: {  	[sflag:s11] =	ssyncset.done $0x0  }
0x10: {  	s14 =	simm.s32 $0x40;
	s15 =	simm.s32 $0x0;
	[sflag:s11] =	ssyncadd.s32 $0xFFFF6380  }
.LBB2_2:
0x11: {  	p0 =	sne.s32 s14, $0x270C0;
	[tilespmem:s15+$0xAC80] =	vst v0;
	s15 =	smov.u32 s14;
	s14 =	sadd.s32 $0x40, s14  }
.Ltmp0:
0x12: {  	(pc) =	sbr.rel @p0 .LBB2_2-.Ltmp0, $2  }
0x13: {  	_ =	sdelay $0x2  }
0x14: {  	s15 =	sshra.s32 s15, $0x2  }
0x15: {  	[tilespmem:s15+$0xAC80] =	vst v0;
	s14 =	simm.s32 $0x0;
	s15 =	simm.s32 $0x0  }
.LBB2_4:
0x16: {  	s16 =	smul.u32 $0xFA, s15;
	_ =	sdelay $0x1  }
0x17: {  	s17 =	sadd.s32 s3, s16  }
0x18: {  	[tilespmem:s14], [sflag:$0x1] =	stream.linear.gather [hbm4b:s17+s14], $0x7D0, $0x38;
	[tilespmem:$0x14900] =	vst v63  }
0x19: {  	_ =	swait.ge [sflag:s11], $0x7D0  }
0x1a: {  	[sflag:s11] =	ssyncset.done $0x0  }
0x1b: {  	s16 =	sadd.s32 s4, s16;
	[sflag:s11] =	ssyncadd.s32 $0xFFFFF830  }
0x1c: {  	[tilespmem:s12], [sflag:$0x1] =	stream.linear.gather [hbm4b:s16+s14], $0x7D0, $0x38;
	[tilespmem:$0x14900] =	vst v63  }
0x1d: {  	_ =	swait.ge [sflag:s11], $0x7D0  }
0x1e: {  	[sflag:s11] =	ssyncset.done $0x0  }
0x1f: {  	s31 =	simm.s32 $0x0;
	[sflag:s11] =	ssyncadd.s32 $0xFFFFF830  }
0x20: {  	v3 =	vld [tilespmem:s31+$0x0]  }
0x21: {  	s16 =	simm.s32 $0x40;
	v2 =	vld [tilespmem:s31+$0x800]  }
.LBB2_5:
0x22: {  	p0 =	sne.s32 s16, $0x1F00;
	_ =	sdelay $0x2  }
0x23: {  	v3 =	vperm.xlane v3, v1;
	_ =	sdelay $0x1  }
0x24: {  	v3 =	vshll.u32 v3, $0x2  }
0x25: {  	v4 =	vor.u32 $0x1, v3;
	v5 =	vor.u32 $0x3, v3  }
0x26: {  	v6 =	vor.u32 $0x2, v3;
	_ =	sdelay $0x2  }
0x27: {  	v2 =	vperm.xlane v2, v1;
	v3 =	vld.idx.msk [tilespmem:v3+s10+$0x0], $0xffff  }
0x28: {  	v4 =	vld.idx.msk [tilespmem:v4+s10+$0x0], $0xffff  }
0x29: {  	v2 =	vshll.u32 v2, $0x2;
	v6 =	vld.idx.msk [tilespmem:v6+s10+$0x0], $0xffff  }
0x2a: {  	v7 =	vor.u32 $0x1, v2;
	v8 =	vor.u32 $0x3, v2;
	v5 =	vld.idx.msk [tilespmem:v5+s10+$0x0], $0xffff  }
0x2b: {  	v9 =	vor.u32 $0x2, v2;
	_ =	sdelay $0x1  }
0x2c: {  	v3 =	vmax.f32 v3, $0.0e+00  }
0x2d: {  	[tilespmem:v2+s13+$0x0] =	vst.idx.add.f32.msk $0xffff, v3;
	v2 =	vmax.f32 v4, $0.0e+00  }
.Ltmp1:
0x2e: {  	[tilespmem:v7+s13+$0x0] =	vst.idx.add.f32.msk $0xffff, v2;
	v2 =	vmax.f32 v6, $0.0e+00;
	(pc) =	sbr.rel @p0 .LBB2_5-.Ltmp1, $4  }
0x2f: {  	[tilespmem:v9+s13+$0x0] =	vst.idx.add.f32.msk $0xffff, v2;
	v2 =	vmax.f32 v5, $0.0e+00  }
0x30: {  	s17 =	sshra.s32 s16, $0x2;
	[tilespmem:v8+s13+$0x0] =	vst.idx.add.f32.msk $0xffff, v2  }
0x31: {  	v3 =	vld [tilespmem:s17+$0x0]  }
0x32: {  	s16 =	sadd.s32 $0x40, s16;
	v2 =	vld [tilespmem:s17+$0x800]  }
0x33: {  	_ =	sdelay $0x2  }
0x34: {  	v3 =	vperm.xlane v3, v1;
	_ =	sdelay $0x1  }
0x35: {  	v3 =	vshll.u32 v3, $0x2  }
0x36: {  	v4 =	vor.u32 $0x1, v3  }
0x37: {  	v5 =	vor.u32 $0x2, v3  }
0x38: {  	v6 =	vor.u32 $0x3, v3  }
0x39: {  	v2 =	vperm.xlane v2, v1  }
0x3a: {  	v3 =	vld.idx.msk [tilespmem:v3+s10+$0x0], $0xffff  }
0x3b: {  	v2 =	vshll.u32 v2, $0x2;
	v4 =	vld.idx.msk [tilespmem:v4+s10+$0x0], $0xffff  }
0x3c: {  	v7 =	vor.u32 $0x1, v2;
	v5 =	vld.idx.msk [tilespmem:v5+s10+$0x0], $0xffff  }
0x3d: {  	s15 =	sadd.s32 $0x1, s15;
	v8 =	vor.u32 $0x2, v2;
	v6 =	vld.idx.msk [tilespmem:v6+s10+$0x0], $0xffff  }
0x3e: {  	p0 =	sne.s32 s15, $0xA0;
	v9 =	vor.u32 $0x3, v2  }
.Ltmp2:
0x3f: {  	v3 =	vmax.f32 v3, $0.0e+00;
	(pc) =	sbr.rel @p0 .LBB2_4-.Ltmp2, $4  }
0x40: {  	[tilespmem:v2+s13+$0x0] =	vst.idx.add.f32.msk $0xffff, v3;
	v2 =	vmax.f32 v4, $0.0e+00  }
0x41: {  	[tilespmem:v7+s13+$0x0] =	vst.idx.add.f32.msk $0xffff, v2;
	v2 =	vmax.f32 v5, $0.0e+00  }
0x42: {  	[tilespmem:v8+s13+$0x0] =	vst.idx.add.f32.msk $0xffff, v2;
	v2 =	vmax.f32 v6, $0.0e+00  }
0x43: {  	[tilespmem:v9+s13+$0x0] =	vst.idx.add.f32.msk $0xffff, v2  }
0x44: {  	s2 =	sadd.s32 $0x1, s2  }
0x45: {  	p0 =	sne.s32 s2, s7  }
.Ltmp3:
0x46: {  	_ = 	snop;
	(pc) =	sbr.rel @p0 .LBB2_1-.Ltmp3, $4  }
0x47: {  	[hbm4b:s6+s8] =	stream.strided.scatter [tilespmem:s13], [sflag:$0x1], $0x9C80, s9, s8, $0x38;
	[tilespmem:$0x14900] =	vst v63  }
0x48: {  	_ =	swait.ge [sflag:s11], $0x9C80  }
0x49: {  	[sflag:s11] =	ssyncset.done $0x0  }
0x4a: {  	[sflag:s11] =	ssyncadd.s32 $0xFFFF6380  }
0x4b: {  	_ =	sfence.sel $0x180000  }
0x4c: {  	[bflag:$0x0] =	sbarrier.arrive $0xFFFF  }
0x4d: {  	p0 =	sne.s32 s0, $0x0;
	_ =	strace $0x90000053  }
0x4e: {  	s0 =	sadd.s32 @!p0 $0x100000, s1;
	[bflag:$0x2] =	sbarrier.arrive $0xFFFF  }
0x4f: {  	[sflag:s0] =	ssyncadd.tile.s32 @!p0 $0x1;
	_ =	shalt  }
.Lfunc_end2:
_tile_overlayer_lowered:
.L_overlay_start_2:
0x50: {  	(tag) =	ssettag $0x2  }
0x51: {  	s0 =	rddreg [dreg:$0x0];
	s2 =	stileid.u32  }
0x52: {  	s1 =	rddreg [dreg:$0x1];
	p0 =	sne.s32 s2, $0x0  }
0x53: {  	s3 =	rddreg [dreg:$0x2];
	[bflag:$0x3] =	sbarrier.arrive $0xFFFF;
	s2 =	simm.s32 @!p0 $0x1C01  }
0x54: {  	[timem:s3], [sflag:s2] =	dma.local @!p0 [hbm:s0], s1  }
0x55: {  	s0 =	simm.s32 @!p0 $0x1  }
0x56: {  	_ =	swait.ge @!p0 [sflag:s0], s1  }
0x57: {  	s1 =	ssub.s32 @!p0 $0x0, s1;
	[sflag:s0] =	ssyncset.done @!p0 $0x0  }
0x58: {  	[sflag:s0] =	ssyncadd.s32 @!p0 s1  }
0x59: {  	[bflag:$0x3] =	sbarrier.arrive $0xFFFF  }
0x5a: {  	_ =	shalt  }

// kernel: kernel.24.cloned.1.call-start
scs
__scs_entry_jumppad:
0x0: {  	(pc) =	sbr.rel $0x88, $3  }
0x1: {  	(tag) =	ssettag $0x0;
	lr =	simm.s32 $0x1  }
0x2: {  	[smem:$0x3F8D] =	sst lr;
	_ =	strace $0xD0000000  }
0x3: {  	_ = 	snop  }
0x4: {  	_ = 	snop  }
0x5: {  	_ = 	snop  }
0x6: {  	_ = 	snop  }
0x7: {  	_ = 	snop  }
__scs_overlays_trampoline_lowered:
0x8: {  	[smem:$0x3F9C] =	sst s0  }
0x9: {  	[smem:$0x3F9D] =	sst s1  }
0xa: {  	[smem:$0x3F9E] =	sst s2  }
0xb: {  	[smem:$0x3F9F] =	sst s3  }
0xc: {  	[smem:$0x3FA0] =	sst s4  }
0xd: {  	[smem:$0x3FA1] =	sst s5  }
0xe: {  	[smem:$0x3FA2] =	sst s6  }
0xf: {  	[smem:$0x3FA3] =	sst s7  }
0x10: {  	[smem:$0x3FA4] =	sst s8  }
0x11: {  	[smem:$0x3FA5] =	sst s9;
	s0 =	simm.s32 @!p0 $0x0  }
0x12: {  	s1 =	sld [smem:$0x3F8B];
	s0 =	simm.s32 @p0 $0x1  }
0x13: {  	[smem:$0x3FA6] =	sst s0;
	s0 =	simm.s32 @!p1 $0x0  }
0x14: {  	s2 =	sld [smem:$0x3F8A];
	s0 =	simm.s32 @p1 $0x1  }
0x15: {  	[smem:$0x3FA7] =	sst s0;
	s0 =	simm.s32 @!p2 $0x0  }
0x16: {  	s3 =	sld [smem:$0x3FDB];
	s0 =	simm.s32 @p2 $0x1  }
0x17: {  	s4 =	simm.s32 $0x1BF5;
	[smem:$0x3FA9] =	sst s0  }
0x18: {  	s0 =	sld [smem:$0x3F8C];
	_ =	swait.ge [sflag:s4], $0x0  }
0x19: {  	s7 =	sld [smem:$0x3F8D]  }
0x1a: {  	s8 =	sadd.s32 $0xFFFFE003, lr  }
0x1b: {  	s9 =	sadd.s32 $0xFFFFFEF7, lr;
	s5 =	simm.s32 $0xFFFFFFFF;
	p2 =	slt.u32 s8, $0xFFFFF086  }
0x1c: {  	p1 =	slt.u32 s9, $0xF7A;
	s5 =	simm.s32 @!p2 $0x0  }
0x1d: {  	s5 =	simm.s32 @p1 $0x1;
	p0 =	seq.s32 s7, s2  }
0x1e: {  	s7 =	smul.u32 @!p0 $0xF7A, s2;
	p2 =	seq.s32 @!p0 s5, $0x0  }
0x1f: {  	s9 =	smul.u32 $0xF7A, s1;
	s8 =	simm.s32 @!p0 $0x1BF5;
	p2 =	por !p2, p0  }
0x20: {  	[sflag:s8] =	ssyncset.s32 @!p0 $0xFFFFF086;
	s6 =	sadd.s32 @!p0 s3, s7;
	s7 =	simm.s32 @!p0 $0x108  }
0x21: {  	s3 =	sadd.s32 s3, s9;
	s6 =	sadd.s32 @!p0 $0x88, s6;
	s7 =	simm.s32 @p2 $0x1082  }
0x22: {  	[simem:s7], [sflag:s8] =	dma.local @!p0 [hbm:s6], $0xF7A  }
0x23: {  	s9 =	sor.u32 $0xD0000000, s2;
	s6 =	simm.s32 $0x108;
	_ =	swait.ge @!p0 [sflag:s8], $0x0  }
0x24: {  	s3 =	sadd.s32 $0x88, s3;
	s6 =	simm.s32 @!p1 $0x1082;
	[sflag:s4] =	ssyncset.s32 $0xFFFFF086  }
0x25: {  	[simem:s6], [sflag:s4] =	dma.local [hbm:s3], $0xF7A  }
0x26: {  	[smem:$0x3F8D] =	sst s1;
	(tag) =	ssettag s2;
	_ =	strace s9  }
0x27: {  	s1 =	sld [smem:$0x3F9D]  }
0x28: {  	s2 =	sld [smem:$0x3F9E]  }
0x29: {  	s4 =	sld [smem:$0x3FA0]  }
0x2a: {  	p0 =	seq.s32 s5, $0x0;
	s5 =	sld [smem:$0x3FA1]  }
0x2b: {  	s6 =	sld [smem:$0x3FA2]  }
0x2c: {  	s7 =	sld [smem:$0x3FA3]  }
0x2d: {  	s3 =	simm.s32 $0x108;
	s8 =	sld [smem:$0x3FA4]  }
0x2e: {  	s3 =	simm.s32 @!p0 $0x1082;
	s9 =	sld [smem:$0x3FA5]  }
0x2f: {  	lr =	sadd.s32 s0, s3;
	s0 =	sld [smem:$0x3F9C]  }
0x30: {  	s3 =	sld [smem:$0x3F9F]  }
0x31: {  	[smem:$0x3FA8] =	sst s10  }
0x32: {  	s10 =	sld [smem:$0x3FA6];
	_ =	sdelay $0x3  }
0x33: {  	p0 =	seq.s32 s10, $0x1;
	s10 =	sld [smem:$0x3FA8];
	_ =	sdelay $0x3  }
0x34: {  	[smem:$0x3FA8] =	sst s10  }
0x35: {  	s10 =	sld [smem:$0x3FA7];
	_ =	sdelay $0x3  }
0x36: {  	p1 =	seq.s32 s10, $0x1;
	s10 =	sld [smem:$0x3FA8];
	_ =	sdelay $0x3  }
0x37: {  	[smem:$0x3FA8] =	sst s10  }
0x38: {  	s10 =	sld [smem:$0x3FA9]  }
0x39: {  	_ = 	snop;
	(pc) =	sbr.ind lr, $3  }
0x3a: {  	_ = 	snop  }
0x3b: {  	_ = 	snop  }
0x3c: {  	p2 =	seq.s32 s10, $0x1;
	s10 =	sld [smem:$0x3FA8]  }
0x3d: {  	_ =	shalt  }
0x3e: {  	_ =	shalt  }
0x3f: {  	_ =	shalt  }
0x40: {  	_ =	shalt  }
0x41: {  	_ =	shalt  }
0x42: {  	_ =	shalt  }
0x43: {  	_ =	shalt  }
0x44: {  	_ =	shalt  }
0x45: {  	_ =	shalt  }
0x46: {  	_ =	shalt  }
0x47: {  	_ =	shalt  }
0x48: {  	_ =	shalt  }
0x49: {  	_ =	shalt  }
0x4a: {  	_ =	shalt  }
0x4b: {  	_ =	shalt  }
0x4c: {  	_ =	shalt  }
0x4d: {  	_ =	shalt  }
0x4e: {  	_ =	shalt  }
0x4f: {  	_ =	shalt  }
0x50: {  	_ =	shalt  }
0x51: {  	_ =	shalt  }
0x52: {  	_ =	shalt  }
0x53: {  	_ =	shalt  }
0x54: {  	_ =	shalt  }
0x55: {  	_ =	shalt  }
0x56: {  	_ =	shalt  }
0x57: {  	_ =	shalt  }
0x58: {  	_ =	shalt  }
0x59: {  	_ =	shalt  }
0x5a: {  	_ =	shalt  }
0x5b: {  	_ =	shalt  }
0x5c: {  	_ =	shalt  }
0x5d: {  	_ =	shalt  }
0x5e: {  	_ =	shalt  }
0x5f: {  	_ =	shalt  }
0x60: {  	_ =	shalt  }
0x61: {  	_ =	shalt  }
0x62: {  	_ =	shalt  }
0x63: {  	_ =	shalt  }
0x64: {  	_ =	shalt  }
0x65: {  	_ =	shalt  }
0x66: {  	_ =	shalt  }
0x67: {  	_ =	shalt  }
0x68: {  	_ =	shalt  }
0x69: {  	_ =	shalt  }
0x6a: {  	_ =	shalt  }
0x6b: {  	_ =	shalt  }
0x6c: {  	_ =	shalt  }
0x6d: {  	_ =	shalt  }
0x6e: {  	_ =	shalt  }
0x6f: {  	_ =	shalt  }
0x70: {  	_ =	shalt  }
0x71: {  	_ =	shalt  }
0x72: {  	_ =	shalt  }
0x73: {  	_ =	shalt  }
0x74: {  	_ =	shalt  }
0x75: {  	_ =	shalt  }
0x76: {  	_ =	shalt  }
0x77: {  	_ =	shalt  }
0x78: {  	_ =	shalt  }
0x79: {  	_ =	shalt  }
0x7a: {  	_ =	shalt  }
0x7b: {  	_ =	shalt  }
0x7c: {  	_ =	shalt  }
0x7d: {  	_ =	shalt  }
0x7e: {  	_ =	shalt  }
0x7f: {  	_ =	shalt  }
0x80: {  	_ =	shalt  }
0x81: {  	_ =	shalt  }
0x82: {  	_ =	shalt  }
0x83: {  	_ =	shalt  }
0x84: {  	_ =	shalt  }
0x85: {  	_ =	shalt  }
0x86: {  	_ =	shalt  }
0x87: {  	_ =	shalt  }
.Lfunc_end0:
.L_simem_size_0:
called_computation.5_lowered:
.L_overlay_start_0:
0x88: {  	s2 =	sld [smem:$0x3FD9]  }
0x89: {  	s3 =	sld [smem:$0x3FFE];
	_ =	sdelay $0x1  }
0x8a: {  	s1 =	srdreg.scid  }
0x8b: {  	s0 =	sand.u32 $0x1, s1  }
0x8c: {  	s16 =	sshll.u32 s0, $0xA;
	s2 =	sadd.s32 s3, s2  }
0x8d: {  	s2 =	sadd.s32 s2, s16  }
0x8e: {  	[smem:$0x3FB4] =	sst s2  }
0x8f: {  	_ = 	snop  }
0x90: {  	(tm) =	ssettm $0x1  }
0x91: {  	s17 =	sld [smem:$0x3FFB];
	_ =	sdelay $0x3  }
0x92: {  	_ =	strace s17  }
0x93: {  	s2 =	sld [smem:$0x3FFC];
	_ =	sdelay $0x3  }
0x94: {  	_ =	strace s2  }
0x95: {  	s2 =	sld [smem:$0x3FFD];
	_ =	sdelay $0x3  }
0x96: {  	_ =	strace s2  }
0x97: {  	_ =	strace $0x8FFFFFFF  }
0x98: {  	s18 =	sld [smem:$0x3FDB];
	_ =	sdelay $0x1  }
0x99: {  	s19 =	simm.s32 $_scs_section_size  }
0x9a: {  	s4 =	simm.s32 $_size__tile_overlayer_lowered;
	s5 =	simm.s32 $_tile_overlayer_lowered  }
0x9b: {  	s22 =	simm.s32 $0x1BFF;
	s21 =	sshll.u32 s5, $0x1;
	s2 =	sadd.s32 s19, s18  }
0x9c: {  	s6 =	simm.s32 $0x0;
	s20 =	sshll.u32 s4, $0x1;
	s4 =	sadd.s32 s21, s2  }
0x9d: {  	[timem:s6], [sflag:s22] =	dma.local [hbm:s4], s20  }
0x9e: {  	_ =	swait.ge [sflag:s22], s20  }
0x9f: {  	s3 =	ssub.s32 $0x0, s20;
	[sflag:s22] =	ssyncset.done $0x0  }
0xa0: {  	[sflag:s22] =	ssyncadd.s32 s3;
	_ =	sdelay $0x1  }
0xa1: {  	s23 =	simm.s32 $0x1B8B  }
0xa2: {  	_ =	swait.ge [sflag:s23], $0x1  }
0xa3: {  	[sflag:s23] =	ssyncset.done $0x0  }
0xa4: {  	s25 =	simm.s32 $0x1B8E;
	s24 =	sld [smem:$0x3FFE];
	[sflag:s23] =	ssyncadd.s32 $0xFFFFFFFF  }
0xa5: {  	s26 =	simm.s32 $execute0_lowered;
	[smem:$0x3FD2] =	sst s25  }
0xa6: {  	s4 =	sshll.u32 s26, $0x1;
	_ =	strace $0x80000055;
	[dreg:$0x1] =	wrdreg $0xFFFFFFFF  }
0xa7: {  	s28 =	simm.s32 $_size_execute0_lowered;
	s2 =	sadd.s32 s2, s4;
	[dreg:$0x0] =	wrdreg $0x0  }
0xa8: {  	s4 =	sshll.u32 s28, $0x1;
	[dreg:$0x2] =	wrdreg s2  }
0xa9: {  	[dreg:$0x3] =	wrdreg s4  }
0xaa: {  	[dreg:$0x4] =	wrdreg $0xC0  }
0xab: {  	_ =	task [dreg:s6], $0x5FFFF  }
0xac: {  	[dreg:$0x1] =	wrdreg $0xFFFFFFFF  }
0xad: {  	[dreg:$0x0] =	wrdreg $0x60  }
0xae: {  	[dreg:$0x2] =	wrdreg s24  }
0xaf: {  	[dreg:$0x3] =	wrdreg $0x9  }
0xb0: {  	_ =	task.clear_ibuf [dreg:s6], $0x4FFFF;
	_ =	strace $0x90000055  }
0xb1: {  	s29 =	simm.s32 $0x9;
	_ =	strace $0x80000057  }
0xb2: {  	_ =	swait.ge [sflag:s29], $0x1  }
0xb3: {  	[sflag:s29] =	ssyncadd.s32 $0xFFFFFFFF  }
0xb4: {  	_ =	strace $0x90000057  }
0xb5: {  	_ =	sfence  }
0xb6: {  	s30 =	sld [smem:$0x0];
	_ =	sdelay $0x2  }
0xb7: {  	s31 =	sshll.u32 s1, $0xD;
	s1 =	sshrl.u32 s1, $0x2  }
0xb8: {  	s3 =	sand.u32 $0x4000, s31;
	s1 =	sadd.s32 s1, s30  }
0xb9: {  	s0 =	sor.u32 s3, s0;
	s1 =	sshll.u32 s1, $0x11  }
0xba: {  	s0 =	sor.u32 s1, s0  }
0xbb: {  	s0 =	sadd.s32 $0x8F2B, s0  }
0xbc: {  	[sflag:s0] =	ssyncadd.remote.s32 $0x1  }
0xbd: {  	_ =	sfence.sel $0xFFFF  }
0xbe: {  	[dreg:$0x0] =	wrdreg $0xFFFFFFFF;
	(pc) =	sbr.abs _section_cstart, $3  }
0xbf: {  	[dreg:$0x1] =	wrdreg $0xFFFFFFFF  }
0xc0: {  	_ =	task.clear_ibuf [dreg:s6], $0x2FFFF;
	_ =	strace $0x9FFFFFFF  }
0xc1: {  	(tm) =	ssettm $0x7FFFFFFF  }
tec
execute0_lowered:
.L_overlay_start_1:
0x0: {  	(tag) =	ssettag $0x1  }
0x1: {  	s0 =	srdreg.scid  }
0x2: {  	s3 =	sand.u32 $0x1, s0  }
0x3: {  	s0 =	stileid.u32;
	s1 =	sshll.u32 s3, $0x4  }
0x4: {  	s5 =	rddreg [dreg:$0x0];
	s9 =	simm.s32 $0x400;
	s2 =	sor.u32 s0, s1  }
0x5: {  	s10 =	simm.s32 $0x1000;
	s11 =	simm.s32 $0x1;
	s4 =	sshrl.u32 s2, $0x3  }
0x6: {  	s12 =	simm.s32 $0x800;
	s6 =	sshll.u32 s0, $0x7;
	s4 =	smul.u32 $0x4E400, s4  }
0x7: {  	s13 =	simm.s32 $0xAC80;
	s31 =	ssub.s32 $0x2, s3;
	s6 =	sand.u32 $0x380, s6  }
0x8: {  	s3 =	sadd.s32 $0x5B400, s5;
	s1 =	rddreg [dreg:$0x1];
	s4 =	sor.u32 s6, s4  }
0x9: {  	v0 =	vlaneseq.u32;
	s8 =	sshrl.u32 s31, $0x1;
	s2 =	simm.s32 $0x0;
	s7 =	sshrl.u32 s4, $0x3  }
0xa: {  	v1 =	vmul.u32 $0xFFFFFFFF, v0;
	s8 =	ssub.s32 s31, s8;
	[smem:$0x7FF] =	sst s2;
	s7 =	sadd.s32 s7, s5  }
0xb: {  	_ =	strace $0x80000056;
	s4 =	sadd.s32 $0x65200, s5;
	s5 =	sadd.s32 $0x1800, s7  }
0xc: {  	v0 =	vimm.f32 $0.0e+00;
	v1 =	vadd.s32 $0xF, v1;
	s6 =	sadd.s32 $0x6F000, s7;
	s7 =	smax.u32 s8, $0x1;
	s8 =	simm.s32 $0x80  }
.LBB2_1:
0xd: {  	[tilespmem:s10], [sflag:$0x1] =	stream.strided.gather [hbm4b:s5+s8], $0x9C80, s9, s8, $0x38;
	[tilespmem:$0x14900] =	vst v63  }
0xe: {  	_ =	swait.ge [sflag:s11], $0x9C80  }
0xf: {  	[sflag:s11] =	ssyncset.done $0x0  }
0x10: {  	s14 =	simm.s32 $0x40;
	s15 =	simm.s32 $0x0;
	[sflag:s11] =	ssyncadd.s32 $0xFFFF6380  }
.LBB2_2:
0x11: {  	p0 =	sne.s32 s14, $0x270C0;
	[tilespmem:s15+$0xAC80] =	vst v0;
	s15 =	smov.u32 s14;
	s14 =	sadd.s32 $0x40, s14  }
.Ltmp0:
0x12: {  	(pc) =	sbr.rel @p0 .LBB2_2-.Ltmp0, $2  }
0x13: {  	_ =	sdelay $0x2  }
0x14: {  	s15 =	sshra.s32 s15, $0x2  }
0x15: {  	[tilespmem:s15+$0xAC80] =	vst v0;
	s14 =	simm.s32 $0x0;
	s15 =	simm.s32 $0x0  }
.LBB2_4:
0x16: {  	s16 =	smul.u32 $0xFA, s15;
	_ =	sdelay $0x1  }
0x17: {  	s17 =	sadd.s32 s3, s16  }
0x18: {  	[tilespmem:s14], [sflag:$0x1] =	stream.linear.gather [hbm4b:s17+s14], $0x7D0, $0x38;
	[tilespmem:$0x14900] =	vst v63  }
0x19: {  	_ =	swait.ge [sflag:s11], $0x7D0  }
0x1a: {  	[sflag:s11] =	ssyncset.done $0x0  }
0x1b: {  	s16 =	sadd.s32 s4, s16;
	[sflag:s11] =	ssyncadd.s32 $0xFFFFF830  }
0x1c: {  	[tilespmem:s12], [sflag:$0x1] =	stream.linear.gather [hbm4b:s16+s14], $0x7D0, $0x38;
	[tilespmem:$0x14900] =	vst v63  }
0x1d: {  	_ =	swait.ge [sflag:s11], $0x7D0  }
0x1e: {  	[sflag:s11] =	ssyncset.done $0x0  }
0x1f: {  	s31 =	simm.s32 $0x0;
	[sflag:s11] =	ssyncadd.s32 $0xFFFFF830  }
0x20: {  	v3 =	vld [tilespmem:s31+$0x0]  }
0x21: {  	s16 =	simm.s32 $0x40;
	v2 =	vld [tilespmem:s31+$0x800]  }
.LBB2_5:
0x22: {  	p0 =	sne.s32 s16, $0x1F00;
	_ =	sdelay $0x2  }
0x23: {  	v3 =	vperm.xlane v3, v1;
	_ =	sdelay $0x1  }
0x24: {  	v3 =	vshll.u32 v3, $0x2  }
0x25: {  	v4 =	vor.u32 $0x1, v3;
	v5 =	vor.u32 $0x3, v3  }
0x26: {  	v6 =	vor.u32 $0x2, v3;
	_ =	sdelay $0x2  }
0x27: {  	v2 =	vperm.xlane v2, v1;
	v3 =	vld.idx.msk [tilespmem:v3+s10+$0x0], $0xffff  }
0x28: {  	v4 =	vld.idx.msk [tilespmem:v4+s10+$0x0], $0xffff  }
0x29: {  	v2 =	vshll.u32 v2, $0x2;
	v6 =	vld.idx.msk [tilespmem:v6+s10+$0x0], $0xffff  }
0x2a: {  	v7 =	vor.u32 $0x1, v2;
	v8 =	vor.u32 $0x3, v2;
	v5 =	vld.idx.msk [tilespmem:v5+s10+$0x0], $0xffff  }
0x2b: {  	v9 =	vor.u32 $0x2, v2;
	_ =	sdelay $0x1  }
0x2c: {  	v3 =	vmax.f32 v3, $0.0e+00  }
0x2d: {  	[tilespmem:v2+s13+$0x0] =	vst.idx.add.f32.msk $0xffff, v3;
	v2 =	vmax.f32 v4, $0.0e+00  }
.Ltmp1:
0x2e: {  	[tilespmem:v7+s13+$0x0] =	vst.idx.add.f32.msk $0xffff, v2;
	v2 =	vmax.f32 v6, $0.0e+00;
	(pc) =	sbr.rel @p0 .LBB2_5-.Ltmp1, $4  }
0x2f: {  	[tilespmem:v9+s13+$0x0] =	vst.idx.add.f32.msk $0xffff, v2;
	v2 =	vmax.f32 v5, $0.0e+00  }
0x30: {  	s17 =	sshra.s32 s16, $0x2;
	[tilespmem:v8+s13+$0x0] =	vst.idx.add.f32.msk $0xffff, v2  }
0x31: {  	v3 =	vld [tilespmem:s17+$0x0]  }
0x32: {  	s16 =	sadd.s32 $0x40, s16;
	v2 =	vld [tilespmem:s17+$0x800]  }
0x33: {  	_ =	sdelay $0x2  }
0x34: {  	v3 =	vperm.xlane v3, v1;
	_ =	sdelay $0x1  }
0x35: {  	v3 =	vshll.u32 v3, $0x2  }
0x36: {  	v4 =	vor.u32 $0x1, v3  }
0x37: {  	v5 =	vor.u32 $0x2, v3  }
0x38: {  	v6 =	vor.u32 $0x3, v3  }
0x39: {  	v2 =	vperm.xlane v2, v1  }
0x3a: {  	v3 =	vld.idx.msk [tilespmem:v3+s10+$0x0], $0xffff  }
0x3b: {  	v2 =	vshll.u32 v2, $0x2;
	v4 =	vld.idx.msk [tilespmem:v4+s10+$0x0], $0xffff  }
0x3c: {  	v7 =	vor.u32 $0x1, v2;
	v5 =	vld.idx.msk [tilespmem:v5+s10+$0x0], $0xffff  }
0x3d: {  	s15 =	sadd.s32 $0x1, s15;
	v8 =	vor.u32 $0x2, v2;
	v6 =	vld.idx.msk [tilespmem:v6+s10+$0x0], $0xffff  }
0x3e: {  	p0 =	sne.s32 s15, $0xA0;
	v9 =	vor.u32 $0x3, v2  }
.Ltmp2:
0x3f: {  	v3 =	vmax.f32 v3, $0.0e+00;
	(pc) =	sbr.rel @p0 .LBB2_4-.Ltmp2, $4  }
0x40: {  	[tilespmem:v2+s13+$0x0] =	vst.idx.add.f32.msk $0xffff, v3;
	v2 =	vmax.f32 v4, $0.0e+00  }
0x41: {  	[tilespmem:v7+s13+$0x0] =	vst.idx.add.f32.msk $0xffff, v2;
	v2 =	vmax.f32 v5, $0.0e+00  }
0x42: {  	[tilespmem:v8+s13+$0x0] =	vst.idx.add.f32.msk $0xffff, v2;
	v2 =	vmax.f32 v6, $0.0e+00  }
0x43: {  	[tilespmem:v9+s13+$0x0] =	vst.idx.add.f32.msk $0xffff, v2  }
0x44: {  	s2 =	sadd.s32 $0x1, s2  }
0x45: {  	p0 =	sne.s32 s2, s7  }
.Ltmp3:
0x46: {  	_ = 	snop;
	(pc) =	sbr.rel @p0 .LBB2_1-.Ltmp3, $4  }
0x47: {  	[hbm4b:s6+s8] =	stream.strided.scatter [tilespmem:s13], [sflag:$0x1], $0x9C80, s9, s8, $0x38;
	[tilespmem:$0x14900] =	vst v63  }
0x48: {  	_ =	swait.ge [sflag:s11], $0x9C80  }
0x49: {  	[sflag:s11] =	ssyncset.done $0x0  }
0x4a: {  	[sflag:s11] =	ssyncadd.s32 $0xFFFF6380  }
0x4b: {  	_ =	sfence.sel $0x180000  }
0x4c: {  	[bflag:$0x0] =	sbarrier.arrive $0xFFFF  }
0x4d: {  	p0 =	sne.s32 s0, $0x0;
	_ =	strace $0x90000056  }
0x4e: {  	s0 =	sadd.s32 @!p0 $0x100000, s1;
	[bflag:$0x2] =	sbarrier.arrive $0xFFFF  }
0x4f: {  	[sflag:s0] =	ssyncadd.tile.s32 @!p0 $0x1;
	_ =	shalt  }
.Lfunc_end2:
_tile_overlayer_lowered:
.L_overlay_start_2:
0x50: {  	(tag) =	ssettag $0x2  }
0x51: {  	s0 =	rddreg [dreg:$0x0];
	s2 =	stileid.u32  }
0x52: {  	s1 =	rddreg [dreg:$0x1];
	p0 =	sne.s32 s2, $0x0  }
0x53: {  	s3 =	rddreg [dreg:$0x2];
	[bflag:$0x3] =	sbarrier.arrive $0xFFFF;
	s2 =	simm.s32 @!p0 $0x1C01  }
0x54: {  	[timem:s3], [sflag:s2] =	dma.local @!p0 [hbm:s0], s1  }
0x55: {  	s0 =	simm.s32 @!p0 $0x1  }
0x56: {  	_ =	swait.ge @!p0 [sflag:s0], s1  }
0x57: {  	s1 =	ssub.s32 @!p0 $0x0, s1;
	[sflag:s0] =	ssyncset.done @!p0 $0x0  }
0x58: {  	[sflag:s0] =	ssyncadd.s32 @!p0 s1  }
0x59: {  	[bflag:$0x3] =	sbarrier.arrive $0xFFFF  }
0x5a: {  	_ =	shalt  }

// kernel: kernel.9.cloned.1.call-start
scs
__scs_entry_jumppad:
0x0: {  	(pc) =	sbr.rel $0x88, $3  }
0x1: {  	(tag) =	ssettag $0x0;
	lr =	simm.s32 $0x1  }
0x2: {  	[smem:$0x3F8D] =	sst lr;
	_ =	strace $0xD0000000  }
0x3: {  	_ = 	snop  }
0x4: {  	_ = 	snop  }
0x5: {  	_ = 	snop  }
0x6: {  	_ = 	snop  }
0x7: {  	_ = 	snop  }
__scs_overlays_trampoline_lowered:
0x8: {  	[smem:$0x3F9C] =	sst s0  }
0x9: {  	[smem:$0x3F9D] =	sst s1  }
0xa: {  	[smem:$0x3F9E] =	sst s2  }
0xb: {  	[smem:$0x3F9F] =	sst s3  }
0xc: {  	[smem:$0x3FA0] =	sst s4  }
0xd: {  	[smem:$0x3FA1] =	sst s5  }
0xe: {  	[smem:$0x3FA2] =	sst s6  }
0xf: {  	[smem:$0x3FA3] =	sst s7  }
0x10: {  	[smem:$0x3FA4] =	sst s8  }
0x11: {  	[smem:$0x3FA5] =	sst s9;
	s0 =	simm.s32 @!p0 $0x0  }
0x12: {  	s1 =	sld [smem:$0x3F8B];
	s0 =	simm.s32 @p0 $0x1  }
0x13: {  	[smem:$0x3FA6] =	sst s0;
	s0 =	simm.s32 @!p1 $0x0  }
0x14: {  	s2 =	sld [smem:$0x3F8A];
	s0 =	simm.s32 @p1 $0x1  }
0x15: {  	[smem:$0x3FA7] =	sst s0;
	s0 =	simm.s32 @!p2 $0x0  }
0x16: {  	s3 =	sld [smem:$0x3FDB];
	s0 =	simm.s32 @p2 $0x1  }
0x17: {  	s4 =	simm.s32 $0x1BF5;
	[smem:$0x3FA9] =	sst s0  }
0x18: {  	s0 =	sld [smem:$0x3F8C];
	_ =	swait.ge [sflag:s4], $0x0  }
0x19: {  	s7 =	sld [smem:$0x3F8D]  }
0x1a: {  	s8 =	sadd.s32 $0xFFFFE003, lr  }
0x1b: {  	s9 =	sadd.s32 $0xFFFFFEF7, lr;
	s5 =	simm.s32 $0xFFFFFFFF;
	p2 =	slt.u32 s8, $0xFFFFF086  }
0x1c: {  	p1 =	slt.u32 s9, $0xF7A;
	s5 =	simm.s32 @!p2 $0x0  }
0x1d: {  	s5 =	simm.s32 @p1 $0x1;
	p0 =	seq.s32 s7, s2  }
0x1e: {  	s7 =	smul.u32 @!p0 $0xF7A, s2;
	p2 =	seq.s32 @!p0 s5, $0x0  }
0x1f: {  	s9 =	smul.u32 $0xF7A, s1;
	s8 =	simm.s32 @!p0 $0x1BF5;
	p2 =	por !p2, p0  }
0x20: {  	[sflag:s8] =	ssyncset.s32 @!p0 $0xFFFFF086;
	s6 =	sadd.s32 @!p0 s3, s7;
	s7 =	simm.s32 @!p0 $0x108  }
0x21: {  	s3 =	sadd.s32 s3, s9;
	s6 =	sadd.s32 @!p0 $0x88, s6;
	s7 =	simm.s32 @p2 $0x1082  }
0x22: {  	[simem:s7], [sflag:s8] =	dma.local @!p0 [hbm:s6], $0xF7A  }
0x23: {  	s9 =	sor.u32 $0xD0000000, s2;
	s6 =	simm.s32 $0x108;
	_ =	swait.ge @!p0 [sflag:s8], $0x0  }
0x24: {  	s3 =	sadd.s32 $0x88, s3;
	s6 =	simm.s32 @!p1 $0x1082;
	[sflag:s4] =	ssyncset.s32 $0xFFFFF086  }
0x25: {  	[simem:s6], [sflag:s4] =	dma.local [hbm:s3], $0xF7A  }
0x26: {  	[smem:$0x3F8D] =	sst s1;
	(tag) =	ssettag s2;
	_ =	strace s9  }
0x27: {  	s1 =	sld [smem:$0x3F9D]  }
0x28: {  	s2 =	sld [smem:$0x3F9E]  }
0x29: {  	s4 =	sld [smem:$0x3FA0]  }
0x2a: {  	p0 =	seq.s32 s5, $0x0;
	s5 =	sld [smem:$0x3FA1]  }
0x2b: {  	s6 =	sld [smem:$0x3FA2]  }
0x2c: {  	s7 =	sld [smem:$0x3FA3]  }
0x2d: {  	s3 =	simm.s32 $0x108;
	s8 =	sld [smem:$0x3FA4]  }
0x2e: {  	s3 =	simm.s32 @!p0 $0x1082;
	s9 =	sld [smem:$0x3FA5]  }
0x2f: {  	lr =	sadd.s32 s0, s3;
	s0 =	sld [smem:$0x3F9C]  }
0x30: {  	s3 =	sld [smem:$0x3F9F]  }
0x31: {  	[smem:$0x3FA8] =	sst s10  }
0x32: {  	s10 =	sld [smem:$0x3FA6];
	_ =	sdelay $0x3  }
0x33: {  	p0 =	seq.s32 s10, $0x1;
	s10 =	sld [smem:$0x3FA8];
	_ =	sdelay $0x3  }
0x34: {  	[smem:$0x3FA8] =	sst s10  }
0x35: {  	s10 =	sld [smem:$0x3FA7];
	_ =	sdelay $0x3  }
0x36: {  	p1 =	seq.s32 s10, $0x1;
	s10 =	sld [smem:$0x3FA8];
	_ =	sdelay $0x3  }
0x37: {  	[smem:$0x3FA8] =	sst s10  }
0x38: {  	s10 =	sld [smem:$0x3FA9]  }
0x39: {  	_ = 	snop;
	(pc) =	sbr.ind lr, $3  }
0x3a: {  	_ = 	snop  }
0x3b: {  	_ = 	snop  }
0x3c: {  	p2 =	seq.s32 s10, $0x1;
	s10 =	sld [smem:$0x3FA8]  }
0x3d: {  	_ =	shalt  }
0x3e: {  	_ =	shalt  }
0x3f: {  	_ =	shalt  }
0x40: {  	_ =	shalt  }
0x41: {  	_ =	shalt  }
0x42: {  	_ =	shalt  }
0x43: {  	_ =	shalt  }
0x44: {  	_ =	shalt  }
0x45: {  	_ =	shalt  }
0x46: {  	_ =	shalt  }
0x47: {  	_ =	shalt  }
0x48: {  	_ =	shalt  }
0x49: {  	_ =	shalt  }
0x4a: {  	_ =	shalt  }
0x4b: {  	_ =	shalt  }
0x4c: {  	_ =	shalt  }
0x4d: {  	_ =	shalt  }
0x4e: {  	_ =	shalt  }
0x4f: {  	_ =	shalt  }
0x50: {  	_ =	shalt  }
0x51: {  	_ =	shalt  }
0x52: {  	_ =	shalt  }
0x53: {  	_ =	shalt  }
0x54: {  	_ =	shalt  }
0x55: {  	_ =	shalt  }
0x56: {  	_ =	shalt  }
0x57: {  	_ =	shalt  }
0x58: {  	_ =	shalt  }
0x59: {  	_ =	shalt  }
0x5a: {  	_ =	shalt  }
0x5b: {  	_ =	shalt  }
0x5c: {  	_ =	shalt  }
0x5d: {  	_ =	shalt  }
0x5e: {  	_ =	shalt  }
0x5f: {  	_ =	shalt  }
0x60: {  	_ =	shalt  }
0x61: {  	_ =	shalt  }
0x62: {  	_ =	shalt  }
0x63: {  	_ =	shalt  }
0x64: {  	_ =	shalt  }
0x65: {  	_ =	shalt  }
0x66: {  	_ =	shalt  }
0x67: {  	_ =	shalt  }
0x68: {  	_ =	shalt  }
0x69: {  	_ =	shalt  }
0x6a: {  	_ =	shalt  }
0x6b: {  	_ =	shalt  }
0x6c: {  	_ =	shalt  }
0x6d: {  	_ =	shalt  }
0x6e: {  	_ =	shalt  }
0x6f: {  	_ =	shalt  }
0x70: {  	_ =	shalt  }
0x71: {  	_ =	shalt  }
0x72: {  	_ =	shalt  }
0x73: {  	_ =	shalt  }
0x74: {  	_ =	shalt  }
0x75: {  	_ =	shalt  }
0x76: {  	_ =	shalt  }
0x77: {  	_ =	shalt  }
0x78: {  	_ =	shalt  }
0x79: {  	_ =	shalt  }
0x7a: {  	_ =	shalt  }
0x7b: {  	_ =	shalt  }
0x7c: {  	_ =	shalt  }
0x7d: {  	_ =	shalt  }
0x7e: {  	_ =	shalt  }
0x7f: {  	_ =	shalt  }
0x80: {  	_ =	shalt  }
0x81: {  	_ =	shalt  }
0x82: {  	_ =	shalt  }
0x83: {  	_ =	shalt  }
0x84: {  	_ =	shalt  }
0x85: {  	_ =	shalt  }
0x86: {  	_ =	shalt  }
0x87: {  	_ =	shalt  }
.Lfunc_end0:
.L_simem_size_0:
called_computation_lowered:
.L_overlay_start_0:
0x88: {  	s2 =	sld [smem:$0x3FD9]  }
0x89: {  	s3 =	sld [smem:$0x3FFE];
	_ =	sdelay $0x1  }
0x8a: {  	s1 =	srdreg.scid  }
0x8b: {  	s0 =	sand.u32 $0x1, s1  }
0x8c: {  	s17 =	sshll.u32 s0, $0xA;
	s2 =	sadd.s32 s3, s2  }
0x8d: {  	s2 =	sadd.s32 s2, s17  }
0x8e: {  	[smem:$0x3FB4] =	sst s2  }
0x8f: {  	_ = 	snop  }
0x90: {  	s2 =	sld [smem:$0x3FC7]  }
0x91: {  	s18 =	sld [smem:$0x3FD0];
	(tm) =	ssettm $0x1  }
0x92: {  	s4 =	sld [smem:$0x3FFB];
	_ =	sdelay $0x3  }
0x93: {  	_ =	strace s4  }
0x94: {  	s4 =	sld [smem:$0x3FFC];
	_ =	sdelay $0x3  }
0x95: {  	_ =	strace s4  }
0x96: {  	s4 =	sld [smem:$0x3FFD];
	_ =	sdelay $0x3  }
0x97: {  	_ =	strace s4  }
0x98: {  	_ =	strace $0x8FFFFFFF  }
0x99: {  	s19 =	sld [smem:$0x3FDB];
	_ =	sdelay $0x1  }
0x9a: {  	s5 =	simm.s32 $_scs_section_size  }
0x9b: {  	s6 =	simm.s32 $_size__tile_overlayer_lowered;
	s7 =	simm.s32 $_tile_overlayer_lowered  }
0x9c: {  	s22 =	simm.s32 $0x1BFF;
	s21 =	sshll.u32 s7, $0x1;
	s4 =	sadd.s32 s5, s19  }
0x9d: {  	s8 =	simm.s32 $0x0;
	s20 =	sshll.u32 s6, $0x1;
	s6 =	sadd.s32 s21, s4  }
0x9e: {  	[timem:s8], [sflag:s22] =	dma.local [hbm:s6], s20  }
0x9f: {  	_ =	swait.ge [sflag:s22], s20  }
0xa0: {  	s5 =	ssub.s32 $0x0, s20;
	[sflag:s22] =	ssyncset.done $0x0  }
0xa1: {  	[sflag:s22] =	ssyncadd.s32 s5;
	_ =	sdelay $0x1  }
0xa2: {  	s23 =	simm.s32 $0x1B8B  }
0xa3: {  	_ =	swait.ge [sflag:s23], $0x1  }
0xa4: {  	[sflag:s23] =	ssyncset.done $0x0  }
0xa5: {  	s25 =	simm.s32 $0x1B8E;
	s24 =	sld [smem:$0x3FFE];
	[sflag:s23] =	ssyncadd.s32 $0xFFFFFFFF  }
0xa6: {  	s26 =	simm.s32 $execute0_lowered;
	[smem:$0x3FD2] =	sst s25  }
0xa7: {  	s6 =	sshll.u32 s26, $0x1;
	_ =	strace $0x80000046;
	[dreg:$0x1] =	wrdreg $0xFFFFFFFF  }
0xa8: {  	s28 =	simm.s32 $_size_execute0_lowered;
	s4 =	sadd.s32 s4, s6;
	[dreg:$0x0] =	wrdreg $0x0  }
0xa9: {  	s6 =	sshll.u32 s28, $0x1;
	[dreg:$0x2] =	wrdreg s4  }
0xaa: {  	[dreg:$0x3] =	wrdreg s6  }
0xab: {  	[dreg:$0x4] =	wrdreg $0xC0  }
0xac: {  	_ =	task [dreg:s8], $0x5FFFF  }
0xad: {  	[dreg:$0x1] =	wrdreg $0xFFFFFFFF  }
0xae: {  	[dreg:$0x0] =	wrdreg $0x60  }
0xaf: {  	[dreg:$0x2] =	wrdreg s24  }
0xb0: {  	[dreg:$0x3] =	wrdreg s18  }
0xb1: {  	[dreg:$0x4] =	wrdreg s2  }
0xb2: {  	[dreg:$0x5] =	wrdreg $0x9  }
0xb3: {  	_ =	task.clear_ibuf [dreg:s8], $0x6FFFF;
	_ =	strace $0x90000046  }
0xb4: {  	s29 =	simm.s32 $0x9;
	_ =	strace $0x80000048  }
0xb5: {  	_ =	swait.ge [sflag:s29], $0x1  }
0xb6: {  	[sflag:s29] =	ssyncadd.s32 $0xFFFFFFFF  }
0xb7: {  	_ =	strace $0x90000048  }
0xb8: {  	_ =	sfence  }
0xb9: {  	s30 =	sld [smem:$0x0];
	_ =	sdelay $0x2  }
0xba: {  	s31 =	sshll.u32 s1, $0xD;
	s1 =	sshrl.u32 s1, $0x2  }
0xbb: {  	s3 =	sand.u32 $0x4000, s31;
	s1 =	sadd.s32 s1, s30  }
0xbc: {  	s0 =	sor.u32 s3, s0;
	s1 =	sshll.u32 s1, $0x11  }
0xbd: {  	s0 =	sor.u32 s1, s0  }
0xbe: {  	s0 =	sadd.s32 $0x8F2B, s0  }
0xbf: {  	[sflag:s0] =	ssyncadd.remote.s32 $0x1  }
0xc0: {  	_ =	sfence.sel $0xFFFF  }
0xc1: {  	[dreg:$0x0] =	wrdreg $0xFFFFFFFF;
	(pc) =	sbr.abs _section_cstart, $3  }
0xc2: {  	[dreg:$0x1] =	wrdreg $0xFFFFFFFF  }
0xc3: {  	_ =	task.clear_ibuf [dreg:s8], $0x2FFFF;
	_ =	strace $0x9FFFFFFF  }
0xc4: {  	(tm) =	ssettm $0x7FFFFFFF  }
0xc5: {  	_ =	shalt  }
tec
execute0_lowered:
.L_overlay_start_1:
0x0: {  	(tag) =	ssettag $0x1  }
0x1: {  	s6 =	rddreg [dreg:$0x0]  }
0x2: {  	s2 =	rddreg [dreg:$0x1]  }
0x3: {  	s0 =	srdreg.scid;
	s3 =	rddreg [dreg:$0x2]  }
0x4: {  	s4 =	simm.s32 $0x0;
	s11 =	simm.s32 $0x400;
	s12 =	simm.s32 $0x1800  }
0x5: {  	s13 =	simm.s32 $0x1;
	s14 =	simm.s32 $0x15100;
	s7 =	sand.u32 $0x1, s0  }
0x6: {  	s15 =	simm.s32 $0x800;
	s0 =	stileid.u32;
	s1 =	sshll.u32 s7, $0x4  }
0x7: {  	s16 =	simm.s32 $0x1000;
	s17 =	simm.s32 $0xB480;
	s5 =	sor.u32 s0, s1  }
0x8: {  	s18 =	simm.s32 $0x0;
	[smem:$0x7FF] =	sst s4;
	s8 =	sshrl.u32 s5, $0x3  }
0x9: {  	s30 =	sshll.u32 s0, $0x7;
	s7 =	ssub.s32 $0x2, s7;
	s9 =	smul.u32 $0x4E400, s8  }
0xa: {  	s1 =	rddreg [dreg:$0x3];
	s10 =	sand.u32 $0x380, s30;
	s8 =	sshll.u32 s8, $0xA  }
0xb: {  	_ =	strace $0x80000047;
	s8 =	sor.u32 s10, s8;
	s9 =	sor.u32 s10, s9  }
0xc: {  	v0 =	vlaneseq.u32;
	s31 =	sshrl.u32 s7, $0x1;
	s8 =	sshrl.u32 s8, $0x3;
	s9 =	sshrl.u32 s9, $0x3  }
0xd: {  	v1 =	vmul.u32 $0xFFFFFFFF, v0;
	s5 =	sadd.s32 $0x28A00, s6;
	s8 =	sadd.s32 s8, s6;
	s9 =	sadd.s32 s9, s6  }
0xe: {  	s10 =	ssub.s32 s7, s31;
	s7 =	sadd.s32 $0x32800, s8;
	s6 =	sadd.s32 $0x1800, s9  }
0xf: {  	v0 =	vimm.f32 $0.0e+00;
	v1 =	vadd.s32 $0xF, v1;
	s8 =	sadd.s32 $0x32A00, s9;
	s9 =	smax.u32 s10, $0x1;
	s10 =	simm.s32 $0x80  }
.LBB2_1:
0x10: {  	[tilespmem:s12], [sflag:$0x1] =	stream.strided.gather [hbm4b:s6+s10], $0x9C80, s11, s10, $0x38;
	[tilespmem:$0x15180] =	vst v63  }
0x11: {  	_ =	swait.ge [sflag:s13], $0x9C80  }
0x12: {  	[sflag:s13] =	ssyncset.done $0x0  }
0x13: {  	[sflag:s13] =	ssyncadd.s32 $0xFFFF6380  }
0x14: {  	[tilespmem:s14], [sflag:$0x1] =	stream.linear.gather [hbm4b:s7+s4], $0x80, $0x38;
	[tilespmem:$0x15180] =	vst v63  }
0x15: {  	_ =	swait.ge [sflag:s13], $0x80  }
0x16: {  	[sflag:s13] =	ssyncset.done $0x0  }
0x17: {  	s19 =	simm.s32 $0x40;
	s20 =	simm.s32 $0x0;
	[sflag:s13] =	ssyncadd.s32 $0xFFFFFF80  }
.LBB2_2:
0x18: {  	p0 =	sne.s32 s19, $0x270C0;
	[tilespmem:s20+$0xB480] =	vst v0;
	s20 =	smov.u32 s19;
	s19 =	sadd.s32 $0x40, s19  }
.Ltmp0:
0x19: {  	(pc) =	sbr.rel @p0 .LBB2_2-.Ltmp0, $2  }
0x1a: {  	_ =	sdelay $0x2  }
0x1b: {  	s20 =	sshra.s32 s20, $0x2  }
0x1c: {  	[tilespmem:s20+$0xB480] =	vst v0;
	s19 =	simm.s32 $0x0;
	s20 =	simm.s32 $0x0  }
.LBB2_4:
0x1d: {  	s21 =	smul.u32 $0xFA, s20;
	_ =	sdelay $0x1  }
0x1e: {  	s22 =	sadd.s32 s5, s21  }
0x1f: {  	[tilespmem:s19], [sflag:$0x1] =	stream.linear.gather [hbm4b:s22+s19], $0x7D0, $0x38;
	[tilespmem:$0x15180] =	vst v63  }
0x20: {  	_ =	swait.ge [sflag:s13], $0x7D0  }
0x21: {  	[sflag:s13] =	ssyncset.done $0x0  }
0x22: {  	s30 =	sadd.s32 s2, s21;
	[sflag:s13] =	ssyncadd.s32 $0xFFFFF830  }
0x23: {  	[tilespmem:s15], [sflag:$0x1] =	stream.linear.gather [hbm4b:s30+s19], $0x7D0, $0x38;
	[tilespmem:$0x15180] =	vst v63  }
0x24: {  	_ =	swait.ge [sflag:s13], $0x7D0  }
0x25: {  	[sflag:s13] =	ssyncset.done $0x0  }
0x26: {  	s21 =	sadd.s32 s3, s21;
	[sflag:s13] =	ssyncadd.s32 $0xFFFFF830  }
0x27: {  	[tilespmem:s16], [sflag:$0x1] =	stream.linear.gather [hbm4b:s21+s19], $0x7D0, $0x38;
	[tilespmem:$0x15180] =	vst v63  }
0x28: {  	_ =	swait.ge [sflag:s13], $0x7D0  }
0x29: {  	[sflag:s13] =	ssyncset.done $0x0  }
0x2a: {  	s31 =	simm.s32 $0x0;
	[sflag:s13] =	ssyncadd.s32 $0xFFFFF830  }
0x2b: {  	v2 =	vld [tilespmem:s31+$0x0]  }
0x2c: {  	v3 =	vld [tilespmem:s31+$0x1000];
	_ =	sdelay $0x3  }
0x2d: {  	v2 =	vperm.xlane v2, v1  }
0x2e: {  	v3 =	vperm.xlane v3, v1  }
0x2f: {  	v2 =	vshll.u32 v2, $0x2  }
0x30: {  	v8 =	vshll.u32 v3, $0x2  }
0x31: {  	v5 =	vor.u32 $0x3, v2  }
0x32: {  	v6 =	vor.u32 $0x2, v2  }
0x33: {  	v9 =	vld [tilespmem:s31+$0x800];
	v7 =	vor.u32 $0x1, v2  }
0x34: {  	v11 =	vor.u32 $0x1, v8;
	v4 =	vld.idx.msk [tilespmem:v2+s12+$0x0], $0xffff  }
0x35: {  	v12 =	vor.u32 $0x2, v8;
	v10 =	vld.idx.msk [tilespmem:v8+s14+$0x0], $0xffff  }
0x36: {  	v13 =	vor.u32 $0x3, v8;
	v2 =	vld.idx.msk [tilespmem:v5+s12+$0x0], $0xffff  }
0x37: {  	v3 =	vld.idx.msk [tilespmem:v6+s12+$0x0], $0xffff  }
0x38: {  	v5 =	vld.idx.msk [tilespmem:v7+s12+$0x0], $0xffff  }
0x39: {  	v6 =	vperm.xlane v9, v1;
	v9 =	vld.idx.msk [tilespmem:v11+s14+$0x0], $0xffff  }
0x3a: {  	v8 =	vld.idx.msk [tilespmem:v12+s14+$0x0], $0xffff  }
0x3b: {  	s22 =	simm.s32 $0x80;
	s21 =	simm.s32 $0x10;
	v7 =	vld.idx.msk [tilespmem:v13+s14+$0x0], $0xffff;
	v6 =	vshll.u32 v6, $0x2  }
.LBB2_5:
0x3c: {  	p0 =	sne.s32 s22, $0x1F00;
	s23 =	smov.u32 s22;
	s22 =	sadd.s32 $0x40, s22  }
0x3d: {  	v11 =	vor.u32 $0x1, v6  }
0x3e: {  	v4 =	vadd.f32 v10, v4;
	v10 =	vor.u32 $0x2, v6  }
0x3f: {  	v5 =	vadd.f32 v9, v5;
	v9 =	vor.u32 $0x3, v6  }
0x40: {  	s23 =	sshra.s32 s23, $0x2;
	v4 =	vmax.f32 v4, $0.0e+00;
	v3 =	vadd.f32 v8, v3  }
0x41: {  	v2 =	vadd.f32 v7, v2;
	[tilespmem:v6+s17+$0x0] =	vst.idx.add.f32.msk $0xffff, v4;
	v4 =	vmax.f32 v5, $0.0e+00  }
0x42: {  	v3 =	vmax.f32 v3, $0.0e+00;
	[tilespmem:v11+s17+$0x0] =	vst.idx.add.f32.msk $0xffff, v4  }
0x43: {  	v2 =	vmax.f32 v2, $0.0e+00;
	[tilespmem:v10+s17+$0x0] =	vst.idx.add.f32.msk $0xffff, v3  }
0x44: {  	[tilespmem:v9+s17+$0x0] =	vst.idx.add.f32.msk $0xffff, v2  }
0x45: {  	v2 =	vld [tilespmem:s21+$0x0]  }
0x46: {  	v3 =	vld [tilespmem:s21+$0x1000];
	_ =	sdelay $0x3  }
0x47: {  	v2 =	vperm.xlane v2, v1  }
0x48: {  	v3 =	vperm.xlane v3, v1  }
0x49: {  	v2 =	vshll.u32 v2, $0x2  }
0x4a: {  	v6 =	vshll.u32 v3, $0x2;
	v3 =	vor.u32 $0x2, v2;
	v5 =	vor.u32 $0x3, v2  }
0x4b: {  	v7 =	vor.u32 $0x1, v6;
	v8 =	vor.u32 $0x2, v6;
	v11 =	vor.u32 $0x3, v6  }
0x4c: {  	v9 =	vor.u32 $0x1, v2  }
0x4d: {  	v10 =	vld [tilespmem:s21+$0x800];
	s21 =	smov.u32 s23  }
0x4e: {  	v4 =	vld.idx.msk [tilespmem:v2+s12+$0x0], $0xffff  }
0x4f: {  	v2 =	vld.idx.msk [tilespmem:v5+s12+$0x0], $0xffff  }
0x50: {  	v3 =	vld.idx.msk [tilespmem:v3+s12+$0x0], $0xffff  }
.Ltmp1:
0x51: {  	v5 =	vld.idx.msk [tilespmem:v9+s12+$0x0], $0xffff;
	(pc) =	sbr.rel @p0 .LBB2_5-.Ltmp1, $4  }
0x52: {  	v12 =	vperm.xlane v10, v1;
	v10 =	vld.idx.msk [tilespmem:v6+s14+$0x0], $0xffff  }
0x53: {  	v9 =	vld.idx.msk [tilespmem:v7+s14+$0x0], $0xffff  }
0x54: {  	v6 =	vshll.u32 v12, $0x2;
	v8 =	vld.idx.msk [tilespmem:v8+s14+$0x0], $0xffff  }
0x55: {  	v7 =	vld.idx.msk [tilespmem:v11+s14+$0x0], $0xffff  }
0x56: {  	v11 =	vor.u32 $0x1, v6  }
0x57: {  	v52 =	vor.u32 $0x2, v6;
	v4 =	vadd.f32 v10, v4  }
0x58: {  	v53 =	vor.u32 $0x3, v6;
	v5 =	vadd.f32 v9, v5  }
0x59: {  	v4 =	vmax.f32 v4, $0.0e+00;
	v3 =	vadd.f32 v8, v3  }
0x5a: {  	[tilespmem:v6+s17+$0x0] =	vst.idx.add.f32.msk $0xffff, v4;
	v54 =	vmax.f32 v5, $0.0e+00;
	v2 =	vadd.f32 v7, v2  }
0x5b: {  	[tilespmem:v11+s17+$0x0] =	vst.idx.add.f32.msk $0xffff, v54;
	v3 =	vmax.f32 v3, $0.0e+00  }
0x5c: {  	[tilespmem:v52+s17+$0x0] =	vst.idx.add.f32.msk $0xffff, v3;
	v2 =	vmax.f32 v2, $0.0e+00  }
0x5d: {  	[tilespmem:v53+s17+$0x0] =	vst.idx.add.f32.msk $0xffff, v2  }
0x5e: {  	v2 =	vld [tilespmem:s21+$0x0]  }
0x5f: {  	v3 =	vld [tilespmem:s21+$0x1000];
	_ =	sdelay $0x3  }
0x60: {  	v2 =	vperm.xlane v2, v1  }
0x61: {  	v3 =	vperm.xlane v3, v1  }
0x62: {  	v2 =	vshll.u32 v2, $0x2  }
0x63: {  	v3 =	vshll.u32 v3, $0x2  }
0x64: {  	v55 =	vor.u32 $0x3, v2  }
0x65: {  	v56 =	vor.u32 $0x2, v2  }
0x66: {  	v58 =	vld [tilespmem:s21+$0x800];
	v57 =	vor.u32 $0x1, v2  }
0x67: {  	v59 =	vor.u32 $0x1, v3;
	v2 =	vld.idx.msk [tilespmem:v2+s12+$0x0], $0xffff  }
0x68: {  	v60 =	vor.u32 $0x2, v3;
	v61 =	vor.u32 $0x3, v3;
	v3 =	vld.idx.msk [tilespmem:v3+s14+$0x0], $0xffff  }
0x69: {  	v4 =	vld.idx.msk [tilespmem:v55+s12+$0x0], $0xffff  }
0x6a: {  	v5 =	vld.idx.msk [tilespmem:v56+s12+$0x0], $0xffff  }
0x6b: {  	v6 =	vld.idx.msk [tilespmem:v57+s12+$0x0], $0xffff  }
0x6c: {  	v7 =	vperm.xlane v58, v1;
	v8 =	vld.idx.msk [tilespmem:v59+s14+$0x0], $0xffff  }
0x6d: {  	v9 =	vld.idx.msk [tilespmem:v60+s14+$0x0], $0xffff  }
0x6e: {  	v7 =	vshll.u32 v7, $0x2;
	v10 =	vld.idx.msk [tilespmem:v61+s14+$0x0], $0xffff  }
0x6f: {  	v62 =	vor.u32 $0x1, v7  }
0x70: {  	s20 =	sadd.s32 $0x1, s20;
	v2 =	vadd.f32 v3, v2;
	v3 =	vor.u32 $0x2, v7  }
0x71: {  	p0 =	sne.s32 s20, $0xA0;
	v63 =	vor.u32 $0x3, v7;
	v6 =	vadd.f32 v8, v6  }
.Ltmp2:
0x72: {  	v5 =	vadd.f32 v9, v5;
	v2 =	vmax.f32 v2, $0.0e+00;
	(pc) =	sbr.rel @p0 .LBB2_4-.Ltmp2, $4  }
0x73: {  	v4 =	vadd.f32 v10, v4;
	[tilespmem:v7+s17+$0x0] =	vst.idx.add.f32.msk $0xffff, v2;
	v2 =	vmax.f32 v6, $0.0e+00  }
0x74: {  	[tilespmem:v62+s17+$0x0] =	vst.idx.add.f32.msk $0xffff, v2;
	v2 =	vmax.f32 v5, $0.0e+00  }
0x75: {  	[tilespmem:v3+s17+$0x0] =	vst.idx.add.f32.msk $0xffff, v2;
	v2 =	vmax.f32 v4, $0.0e+00  }
0x76: {  	[tilespmem:v63+s17+$0x0] =	vst.idx.add.f32.msk $0xffff, v2  }
0x77: {  	s18 =	sadd.s32 $0x1, s18  }
0x78: {  	p0 =	sne.s32 s18, s9  }
.Ltmp3:
0x79: {  	_ = 	snop;
	(pc) =	sbr.rel @p0 .LBB2_1-.Ltmp3, $4  }
0x7a: {  	[hbm4b:s8+s10] =	stream.strided.scatter [tilespmem:s17], [sflag:$0x1], $0x9C80, s11, s10, $0x38;
	[tilespmem:$0x15180] =	vst v63  }
0x7b: {  	_ =	swait.ge [sflag:s13], $0x9C80  }
0x7c: {  	[sflag:s13] =	ssyncset.done $0x0  }
0x7d: {  	[sflag:s13] =	ssyncadd.s32 $0xFFFF6380  }
0x7e: {  	_ =	sfence.sel $0x180000  }
0x7f: {  	[bflag:$0x0] =	sbarrier.arrive $0xFFFF  }
0x80: {  	p0 =	sne.s32 s0, $0x0;
	_ =	strace $0x90000047  }
0x81: {  	s0 =	sadd.s32 @!p0 $0x100000, s1;
	[bflag:$0x2] =	sbarrier.arrive $0xFFFF  }
0x82: {  	[sflag:s0] =	ssyncadd.tile.s32 @!p0 $0x1;
	_ =	shalt  }
.Lfunc_end2:
_tile_overlayer_lowered:
.L_overlay_start_2:
0x83: {  	(tag) =	ssettag $0x2  }
0x84: {  	s0 =	rddreg [dreg:$0x0];
	s2 =	stileid.u32  }
0x85: {  	s1 =	rddreg [dreg:$0x1];
	p0 =	sne.s32 s2, $0x0  }
0x86: {  	s3 =	rddreg [dreg:$0x2];
	[bflag:$0x3] =	sbarrier.arrive $0xFFFF;
	s2 =	simm.s32 @!p0 $0x1C01  }
0x87: {  	[timem:s3], [sflag:s2] =	dma.local @!p0 [hbm:s0], s1  }
0x88: {  	s0 =	simm.s32 @!p0 $0x1  }
0x89: {  	_ =	swait.ge @!p0 [sflag:s0], s1  }
0x8a: {  	s1 =	ssub.s32 @!p0 $0x0, s1;
	[sflag:s0] =	ssyncset.done @!p0 $0x0  }
0x8b: {  	[sflag:s0] =	ssyncadd.s32 @!p0 s1  }
0x8c: {  	[bflag:$0x3] =	sbarrier.arrive $0xFFFF  }
0x8d: {  	_ =	shalt  }

</sc_bundles>
